<compile_context>
chip_gen: v7x
topology: tpu7x:2x2x1
jax: 0.10.2.dev20260603
libtpu: 0.0.44.dev20260713+nightly
codegen_flags: <defaults>
</compile_context>

<pallas_src>
import functools

import jax
import jax.numpy as jnp
from jax import lax
from jax.experimental import pallas as pl
from jax.experimental.pallas import tpu as pltpu
from jax.experimental.pallas import tpu_sc as plsc

N = 10000
E = 320000
HID = 256
HALF = 128
NG = 64
NLAYERS = 3

NC = 2
NS = 16
EPT = E // NS
K = 80
NCHUNK = EPT // K
SROWS = 624
NREM = N - NS * SROWS

EB = 2000
NB = 2000


def _b_body(ea_ref, lew_ref, leb_ref, w1b_ref, mb1_ref, *out_refs):
    ea = ea_ref[...]
    d_ref = out_refs[-1]
    for l in range(NLAYERS):
        c = jnp.dot(lew_ref[l], w1b_ref[l], preferred_element_type=jnp.float32)
        d = (jnp.dot(leb_ref[l], w1b_ref[l], preferred_element_type=jnp.float32)
             + mb1_ref[l])
        b = jnp.dot(ea, c, preferred_element_type=jnp.float32) + d
        out_refs[l][0] = b[:, :HALF]
        out_refs[l][1] = b[:, HALF:]
        d_ref[l] = d


def _b_precompute(ea, lew, leb, w1b, mb1):
    nblk = E // EB
    full = lambda shape: pl.BlockSpec(shape, lambda i: (0,) * len(shape))
    outs = [jax.ShapeDtypeStruct((NC, E, HALF), jnp.float32)
            for _ in range(NLAYERS)]
    outs.append(jax.ShapeDtypeStruct((NLAYERS, 1, HID), jnp.float32))
    out_specs = [pl.BlockSpec((NC, EB, HALF), lambda i: (0, i, 0))
                 for _ in range(NLAYERS)]
    out_specs.append(full((NLAYERS, 1, HID)))
    return pl.pallas_call(
        _b_body,
        grid=(nblk,),
        in_specs=[
            pl.BlockSpec((EB, 16), lambda i: (i, 0)),
            full((NLAYERS, 16, HID)),
            full((NLAYERS, 1, HID)),
            full((NLAYERS, HID, HID)),
            full((NLAYERS, 1, HID)),
        ],
        out_specs=out_specs,
        out_shape=outs,
    )(ea, lew, leb, w1b, mb1)


def _s1_body(xin_ref, lw_ref, lb_ref, w1a_ref, xt_ref, a_ref):
    xt = (jnp.dot(xin_ref[...], lw_ref[...], preferred_element_type=jnp.float32)
          + lb_ref[...])
    xt_ref[...] = xt
    a_ref[...] = jnp.dot(xt, w1a_ref[...], preferred_element_type=jnp.float32)


def _stage1(xin, lw, lb, w1a):
    din = xin.shape[1]
    return pl.pallas_call(
        _s1_body,
        grid=(N // NB,),
        in_specs=[
            pl.BlockSpec((NB, din), lambda i: (i, 0)),
            pl.BlockSpec((din, HID), lambda i: (0, 0)),
            pl.BlockSpec((1, HID), lambda i: (0, 0)),
            pl.BlockSpec((HID, HID), lambda i: (0, 0)),
        ],
        out_specs=[
            pl.BlockSpec((NB, HID), lambda i: (i, 0)),
            pl.BlockSpec((NB, HID), lambda i: (i, 0)),
        ],
        out_shape=[
            jax.ShapeDtypeStruct((N, HID), jnp.float32),
            jax.ShapeDtypeStruct((N, HID), jnp.float32),
        ],
    )(xin, lw, lb, w1a)


def _edge_body(src_h, dst_h, a_h, b_h, z_h, s_out, idx_s, idx_d, h_v, g_v,
               S_sh, sem):
    c = lax.axis_index("c")
    s = lax.axis_index("s")
    row0 = s * SROWS

    pltpu.sync_copy(z_h, S_sh.at[pl.ds(row0, SROWS)])

    @pl.when(s == NS - 1)
    def _():
        pltpu.sync_copy(z_h.at[pl.ds(0, NREM)],
                        S_sh.at[pl.ds(NS * SROWS, NREM)])
    plsc.subcore_barrier()

    def chunk(j, carry):
        base = s * EPT + j * K
        pltpu.sync_copy(src_h.at[pl.ds(base, K)], idx_s)
        pltpu.sync_copy(dst_h.at[pl.ds(base, K)], idx_d)

        def fix_idx(q, carry2):
            sl = pl.ds(q * 16, 16)
            idx_s[sl] = idx_s[sl] * 2 + c
            return carry2
        lax.fori_loop(0, K // 16, fix_idx, 0)

        pltpu.sync_copy(b_h.at[c, pl.ds(base, K)], h_v)
        pltpu.async_copy(a_h.at[idx_s], g_v, sem).wait()

        def relu_row(r, carry2):
            for q in range(HALF // 16):
                sl = pl.ds(q * 16, 16)
                h_v[r, sl] = jnp.maximum(h_v[r, sl] + g_v[r, sl], 0.0)
            return carry2
        lax.fori_loop(0, K, relu_row, 0)

        pltpu.async_copy(h_v, S_sh.at[idx_d], sem, add=True).wait()
        return carry

    lax.fori_loop(0, NCHUNK, chunk, 0)
    plsc.subcore_barrier()

    pltpu.sync_copy(S_sh.at[pl.ds(row0, SROWS)],
                    s_out.at[c, pl.ds(row0, SROWS)])

    @pl.when(s == NS - 1)
    def _():
        pltpu.sync_copy(S_sh.at[pl.ds(NS * SROWS, NREM)],
                        s_out.at[c, pl.ds(NS * SROWS, NREM)])


_edge = pl.kernel(
    _edge_body,
    mesh=plsc.VectorSubcoreMesh(core_axis_name="c", subcore_axis_name="s"),
    out_type=[jax.ShapeDtypeStruct((NC, N, HALF), jnp.float32)],
    scratch_types=[
        pltpu.VMEM((K,), jnp.int32),
        pltpu.VMEM((K,), jnp.int32),
        pltpu.VMEM((K, HALF), jnp.float32),
        pltpu.VMEM((K, HALF), jnp.float32),
        pltpu.VMEM_SHARED((N, HALF), jnp.float32),
        pltpu.SemaphoreType.DMA,
    ],
)


def _cnt_body(dst_h, on_h, z_h, cnt_out, idx_d, ones_v, C_sh, sem):
    s = lax.axis_index("s")
    c = lax.axis_index("c")
    row0 = s * SROWS

    pltpu.sync_copy(z_h, C_sh.at[pl.ds(row0, SROWS)])

    @pl.when(s == NS - 1)
    def _():
        pltpu.sync_copy(z_h.at[pl.ds(0, NREM)],
                        C_sh.at[pl.ds(NS * SROWS, NREM)])
    pltpu.sync_copy(on_h, ones_v)
    plsc.subcore_barrier()

    def chunk(j, carry):
        base = s * EPT + j * K
        pltpu.sync_copy(dst_h.at[pl.ds(base, K)], idx_d)
        pltpu.async_copy(ones_v, C_sh.at[idx_d], sem, add=True).wait()
        return carry

    lax.fori_loop(0, NCHUNK, chunk, 0)
    plsc.subcore_barrier()

    pltpu.sync_copy(C_sh.at[pl.ds(row0, SROWS)],
                    cnt_out.at[c, pl.ds(row0, SROWS)])

    @pl.when(s == NS - 1)
    def _():
        pltpu.sync_copy(C_sh.at[pl.ds(NS * SROWS, NREM)],
                        cnt_out.at[c, pl.ds(NS * SROWS, NREM)])


_cnt = pl.kernel(
    _cnt_body,
    mesh=plsc.VectorSubcoreMesh(core_axis_name="c", subcore_axis_name="s"),
    out_type=[jax.ShapeDtypeStruct((NC, N, HALF), jnp.float32)],
    scratch_types=[
        pltpu.VMEM((K,), jnp.int32),
        pltpu.VMEM((K, HALF), jnp.float32),
        pltpu.VMEM_SHARED((N, HALF), jnp.float32),
        pltpu.SemaphoreType.DMA,
    ],
)


def _make_s2_body(has_skip):
    def body(s_ref, a_ref, xt_ref, cnt_ref, leb_ref, w1b_ref,
             mb1_ref, mw2a_ref, mw2b_ref, mb2_ref, uw1a_ref, uw1b_ref,
             ub1_ref, uw2_ref, ub2_ref, *rest):
        if has_skip:
            prev_ref, sk_ref, out_ref = rest
        else:
            out_ref = rest[0]
        d = (jnp.dot(leb_ref[...], w1b_ref[...],
                     preferred_element_type=jnp.float32) + mb1_ref[...])
        a = a_ref[...]
        sc0 = s_ref[0] + jnp.maximum(a[:, :HALF] + d[:, :HALF], 0.0)
        sc1 = s_ref[1] + jnp.maximum(a[:, HALF:] + d[:, HALF:], 0.0)
        aggr = (jnp.dot(sc0, mw2a_ref[...], preferred_element_type=jnp.float32)
                + jnp.dot(sc1, mw2b_ref[...], preferred_element_type=jnp.float32)
                + (cnt_ref[...][:, 0:1] + 1.0) * mb2_ref[...])
        u1 = jnp.maximum(
            jnp.dot(aggr, uw1a_ref[...], preferred_element_type=jnp.float32)
            + jnp.dot(xt_ref[...], uw1b_ref[...],
                      preferred_element_type=jnp.float32)
            + ub1_ref[...], 0.0)
        out = jnp.dot(u1, uw2_ref[...], preferred_element_type=jnp.float32) \
            + ub2_ref[...]
        if has_skip:
            out = out + jnp.maximum(sk_ref[...][0:1, 0:1], 0.0) * prev_ref[...]
        out_ref[...] = out
    return body


def _stage2(s_all, a, xt, cnt, leb, w1b, mb1, mw2a, mw2b, mb2,
            uw1a, uw1b, ub1, uw2, ub2, prev=None, sk=None):
    has_skip = prev is not None
    full = lambda shape: pl.BlockSpec(shape, lambda i: (0,) * len(shape))
    in_specs = [
        pl.BlockSpec((NC, NB, HALF), lambda i: (0, i, 0)),
        pl.BlockSpec((NB, HID), lambda i: (i, 0)),
        pl.BlockSpec((NB, HID), lambda i: (i, 0)),
        pl.BlockSpec((NB, HALF), lambda i: (i, 0)),
        full((1, HID)),
        full((HID, HID)),
        full((1, HID)),
        full((HALF, HID)),
        full((HALF, HID)),
        full((1, HID)),
        full((HID, HID)),
        full((HID, HID)),
        full((1, HID)),
        full((HID, HID)),
        full((1, HID)),
    ]
    args = [s_all, a, xt, cnt, leb, w1b, mb1, mw2a, mw2b, mb2,
            uw1a, uw1b, ub1, uw2, ub2]
    if has_skip:
        in_specs += [pl.BlockSpec((NB, HID), lambda i: (i, 0)),
                     full((1, HALF))]
        args += [prev, sk]
    return pl.pallas_call(
        _make_s2_body(has_skip),
        grid=(N // NB,),
        in_specs=in_specs,
        out_specs=pl.BlockSpec((NB, HID), lambda i: (i, 0)),
        out_shape=jax.ShapeDtypeStruct((N, HID), jnp.float32),
    )(*args)


def _pool_body(emb_ref, mb_ref, out_ref):
    mb = mb_ref[...]
    gid = lax.broadcasted_iota(jnp.int32, (N, NG), 1)
    oh = (mb == gid).astype(jnp.float32)
    sums = lax.dot_general(oh, emb_ref[...], (((0,), (0,)), ((), ())),
                           preferred_element_type=jnp.float32)
    counts = jnp.sum(oh, axis=0)[:, None]
    out_ref[...] = sums / jnp.maximum(counts, 1.0)


def _pool(emb, mb):
    return pl.pallas_call(
        _pool_body,
        in_specs=[pl.BlockSpec((N, HID), lambda: (0, 0)),
                  pl.BlockSpec((N, 1), lambda: (0, 0))],
        out_specs=pl.BlockSpec((NG, HID), lambda: (0, 0)),
        out_shape=jax.ShapeDtypeStruct((NG, HID), jnp.float32),
    )(emb, mb)


def kernel(x, edge_index, edge_attr, mol_batch, params):
    layers = params["layers"]
    src = edge_index[0].astype(jnp.int32)
    dst = edge_index[1].astype(jnp.int32)

    lew = jnp.stack([p["le_W"] for p in layers])
    leb = jnp.stack([p["le_b"][None, :] for p in layers])
    w1b = jnp.stack([p["m_W1"][HID:] for p in layers])
    mb1 = jnp.stack([p["m_b1"][None, :] for p in layers])

    b0, b1, b2, _dvec = _b_precompute(edge_attr, lew, leb, w1b, mb1)
    bstack = [b0, b1, b2]

    zeros = jnp.zeros((SROWS, HALF), jnp.float32)
    ones = jnp.ones((K, HALF), jnp.float32)

    (cnt_all,) = _cnt(dst, ones, zeros)
    cnt = cnt_all[0]
    zeros = jnp.minimum(zeros, cnt_all[0, 0:1, 0:1])

    xin = x
    for l in range(NLAYERS):
        p = layers[l]
        xt, a = _stage1(xin, p["ln_W"], p["ln_b"][None, :], p["m_W1"][:HID])
        a_flat = a.reshape(2 * N, HALF)
        (s_all,) = _edge(src, dst, a_flat, bstack[l], zeros)
        s2_args = (s_all, a, xt, cnt,
                   p["le_b"][None, :], p["m_W1"][HID:], p["m_b1"][None, :],
                   p["m_W2"][:HALF], p["m_W2"][HALF:], p["m_b2"][None, :],
                   p["u_W1"][:HID], p["u_W1"][HID:], p["u_b1"][None, :],
                   p["u_W2"], p["u_b2"][None, :])
        if l == 0:
            xin = _stage2(*s2_args)
        else:
            sk = jnp.full((1, HALF), params["skip"][l - 1], jnp.float32)
            xin = _stage2(*s2_args, prev=xin, sk=sk)

    comp = _pool(xin, mol_batch.astype(jnp.int32)[:, None])
    return xin, comp

# --- scband reference (transcript-rebuilt; emitter-appended) ---
"""Pipeline reference for scband-mpnnblock-10024453669183 (READ-ONLY COPY).

The authoritative reference and input builder live on the scoring server;
editing this copy changes nothing except your own understanding.
"""

import jax, jax.numpy as jnp
import numpy as np

N = 10000
E = 320000
NODE_DIM = 128
EDGE_DIM = 16
HID = 256
NUM_LAYERS = 3
NUM_GRAPHS = 64


def _linear_params(key, din, dout):
    k1, k2 = jax.random.split(key)
    s = 1.0 / np.sqrt(din)
    W = jax.random.uniform(k1, (din, dout), minval=-s, maxval=s, dtype=jnp.float32)
    b = jax.random.uniform(k2, (dout,), minval=-s, maxval=s, dtype=jnp.float32)
    return W, b


def _layer_params(key, node_dim, edge_dim, hid):
    ks = jax.random.split(key, 6)
    p = {}
    p['ln_W'], p['ln_b'] = _linear_params(ks[0], node_dim, hid)
    p['le_W'], p['le_b'] = _linear_params(ks[1], edge_dim, hid)
    p['m_W1'], p['m_b1'] = _linear_params(ks[2], 2 * hid, hid)
    p['m_W2'], p['m_b2'] = _linear_params(ks[3], hid, hid)
    p['u_W1'], p['u_b1'] = _linear_params(ks[4], 2 * hid, hid)
    p['u_W2'], p['u_b2'] = _linear_params(ks[5], hid, hid)
    return p


def setup_inputs(seed: int = 0):
    key = jax.random.key(seed)
    ks = jax.random.split(key, 8)
    x = jax.random.normal(ks[0], (N, NODE_DIM), dtype=jnp.float32)
    edge_index = jax.random.randint(ks[1], (2, E), 0, N)
    edge_attr = jax.random.normal(ks[2], (E, EDGE_DIM), dtype=jnp.float32)
    mol_batch = jnp.sort(jax.random.randint(ks[3], (N,), 0, NUM_GRAPHS))
    layers = [
        _layer_params(ks[4], NODE_DIM, EDGE_DIM, HID),
        _layer_params(ks[5], HID, EDGE_DIM, HID),
        _layer_params(ks[6], HID, EDGE_DIM, HID),
    ]
    params = {'layers': layers, 'skip': jnp.ones((NUM_LAYERS - 1,), dtype=jnp.float32)}
    return {'x': x, 'edge_index': edge_index, 'edge_attr': edge_attr, 'mol_batch': mol_batch, 'params': params}


def _mpnn_layer(x, src, dst, ea, p):
    # lin_node / lin_edge
    xt = x @ p['ln_W'] + p['ln_b']
    eat = ea @ p['le_W'] + p['le_b']
    # message: mlp(cat([x_j, edge_attr]))  (x_j gathered at source nodes)
    m_in = jnp.concatenate([xt[src], eat], axis=-1)
    m = jax.nn.relu(m_in @ p['m_W1'] + p['m_b1']) @ p['m_W2'] + p['m_b2']
    # aggregate: scatter-add at destination nodes
    aggr = jax.ops.segment_sum(m, dst, num_segments=x.shape[0])
    # update: mlp(cat([aggr_out, x_orig]))
    u_in = jnp.concatenate([aggr, xt], axis=-1)
    return jax.nn.relu(u_in @ p['u_W1'] + p['u_b1']) @ p['u_W2'] + p['u_b2']


def reference(x, edge_index, edge_attr, mol_batch, params):
    n = x.shape[0]
    # add_self_loops with fill_value=0 for edge_attr (same for every layer)
    loops = jnp.arange(n, dtype=edge_index.dtype)
    src = jnp.concatenate([edge_index[0], loops])
    dst = jnp.concatenate([edge_index[1], loops])
    ea = jnp.concatenate([edge_attr, jnp.zeros((n, edge_attr.shape[1]), dtype=edge_attr.dtype)], axis=0)
    node_emb = _mpnn_layer(x, src, dst, ea, params['layers'][0])
    for i in range(1, NUM_LAYERS):
        node_emb_new = _mpnn_layer(node_emb, src, dst, ea, params['layers'][i])
        node_emb = node_emb_new + jax.nn.relu(params['skip'][i - 1]) * node_emb
    # global_mean_pool over molecules
    sums = jax.ops.segment_sum(node_emb, mol_batch, num_segments=NUM_GRAPHS)
    counts = jax.ops.segment_sum(jnp.ones((n, 1), dtype=node_emb.dtype), mol_batch, num_segments=NUM_GRAPHS)
    comp_emb = sums / jnp.maximum(counts, 1.0)
    return node_emb, comp_emb

if __name__ == "__main__":
    import jax
    _d = setup_inputs()
    print(jax.jit(kernel)(*tuple(_d.values())))

</pallas_src>

<mosaic_0001>
#map = affine_map<(d0, d1) -> (0)>
#map1 = affine_map<(d0, d1) -> (0, 0)>
#map2 = affine_map<(d0, d1) -> (0, 0, 0)>
module attributes {stable_mosaic.version = 14 : i64} {
  func.func @_edge_body(%arg0: i32, %arg1: i32, %arg2: memref<320000xi32, #tpu.memory_space<hbm>>, %arg3: memref<320000xi32, #tpu.memory_space<hbm>>, %arg4: memref<20000x128xf32, #tpu.memory_space<hbm>>, %arg5: memref<2x320000x128xf32, #tpu.memory_space<hbm>>, %arg6: memref<624x128xf32, #tpu.memory_space<hbm>>, %arg7: memref<2x10000x128xf32, #tpu.memory_space<hbm>>, %arg8: memref<80xi32, #tpu.memory_space<vmem>>, %arg9: memref<80xi32, #tpu.memory_space<vmem>>, %arg10: memref<80x128xf32, #tpu.memory_space<vmem>>, %arg11: memref<80x128xf32, #tpu.memory_space<vmem>>, %arg12: memref<10000x128xf32, #tpu.memory_space<vmem_shared>>, %arg13: memref<!tpu.dma_semaphore, #tpu.memory_space<semaphore_mem>>) attributes {dimension_semantics = [#tpu.dimension_semantics<core_parallel>, #tpu.dimension_semantics<subcore_parallel>], iteration_bounds = array<i64: 2, 16>, scalar_prefetch = 0 : i64, scratch_operands = 6 : i64, tpu.core_type = #tpu.core_type<sc_vector_subcore>, window_params = [{transform_indices = #map}, {transform_indices = #map}, {transform_indices = #map1}, {transform_indices = #map2}, {transform_indices = #map1}, {transform_indices = #map2}]} {
    %mul3A = arith.constant 624 : i32
    %mul3A_0 = arith.muli %arg1, %mul3A : i32
    "tpu.region"() ({
      %run_scoped3A = tpu.sem_alloc : memref<!tpu.dma_semaphore, #tpu.memory_space<semaphore_mem>>
      %dma_start3A = arith.constant 0 : i32
      %dma_start3A_14 = tpu.memref_slice %arg12[%mul3A_0, %dma_start3A] : memref<10000x128xf32, #tpu.memory_space<vmem_shared>> -> memref<624x128xf32, #tpu.memory_space<vmem_shared>>
      tpu.enqueue_dma source(%arg6 : memref<624x128xf32, #tpu.memory_space<hbm>>) target(%dma_start3A_14 : memref<624x128xf32, #tpu.memory_space<vmem_shared>>) target_semaphore(%run_scoped3A : memref<!tpu.dma_semaphore, #tpu.memory_space<semaphore_mem>>)
      %dma_wait3A = arith.constant 0 : i32
      %dma_wait3A_15 = tpu.memref_slice %arg12[%mul3A_0, %dma_wait3A] : memref<10000x128xf32, #tpu.memory_space<vmem_shared>> -> memref<624x128xf32, #tpu.memory_space<vmem_shared>>
      tpu.wait_dma2 semaphore(%run_scoped3A : memref<!tpu.dma_semaphore, #tpu.memory_space<semaphore_mem>>) src(%arg6 : memref<624x128xf32, #tpu.memory_space<hbm>>) dst(%dma_wait3A_15 : memref<624x128xf32, #tpu.memory_space<vmem_shared>>)
      tpu.yield
    }) : () -> ()
    %eq3A = arith.constant 15 : i32
    %eq3A_1 = arith.cmpi eq, %arg1, %eq3A : i32
    %convert_element_type3A = arith.extui %eq3A_1 : i1 to i32
    %cond3A = arith.constant 0 : i32
    %cond3A_2 = arith.cmpi ne, %convert_element_type3A, %cond3A : i32
    scf.if %cond3A_2 {
      "tpu.region"() ({
        %run_scoped3A = tpu.sem_alloc : memref<!tpu.dma_semaphore, #tpu.memory_space<semaphore_mem>>
        %dma_start3A = arith.constant 9984 : i32
        %dma_start3A_14 = arith.constant 0 : i32
        %dma_start3A_15 = tpu.memref_slice %arg12[%dma_start3A, %dma_start3A_14] : memref<10000x128xf32, #tpu.memory_space<vmem_shared>> -> memref<16x128xf32, #tpu.memory_space<vmem_shared>>
        %dma_start3A_16 = arith.constant 0 : i32
        %dma_start3A_17 = arith.constant 0 : i32
        %dma_start3A_18 = tpu.memref_slice %arg6[%dma_start3A_16, %dma_start3A_17] : memref<624x128xf32, #tpu.memory_space<hbm>> -> memref<16x128xf32, #tpu.memory_space<hbm>>
        tpu.enqueue_dma source(%dma_start3A_18 : memref<16x128xf32, #tpu.memory_space<hbm>>) target(%dma_start3A_15 : memref<16x128xf32, #tpu.memory_space<vmem_shared>>) target_semaphore(%run_scoped3A : memref<!tpu.dma_semaphore, #tpu.memory_space<semaphore_mem>>)
        %dma_wait3A = arith.constant 9984 : i32
        %dma_wait3A_19 = arith.constant 0 : i32
        %dma_wait3A_20 = tpu.memref_slice %arg12[%dma_wait3A, %dma_wait3A_19] : memref<10000x128xf32, #tpu.memory_space<vmem_shared>> -> memref<16x128xf32, #tpu.memory_space<vmem_shared>>
        %dma_wait3A_21 = arith.constant 0 : i32
        %dma_wait3A_22 = arith.constant 0 : i32
        %dma_wait3A_23 = tpu.memref_slice %arg6[%dma_wait3A_21, %dma_wait3A_22] : memref<624x128xf32, #tpu.memory_space<hbm>> -> memref<16x128xf32, #tpu.memory_space<hbm>>
        tpu.wait_dma2 semaphore(%run_scoped3A : memref<!tpu.dma_semaphore, #tpu.memory_space<semaphore_mem>>) src(%dma_wait3A_23 : memref<16x128xf32, #tpu.memory_space<hbm>>) dst(%dma_wait3A_20 : memref<16x128xf32, #tpu.memory_space<vmem_shared>>)
        tpu.yield
      }) : () -> ()
    } else {
    }
    %barrier3A = arith.constant 0 : index
    tpu.barrier barrier_id(%barrier3A)
    %scan3A = arith.constant 0 : i32
    %scan3A_3 = arith.constant 0 : i32
    %scan3A_4 = arith.constant 250 : i32
    %scan3A_5 = arith.addi %scan3A_3, %scan3A_4 : i32
    %scan3A_6 = arith.constant 1 : i32
    scf.for %scan3A_14 = %scan3A_3 to %scan3A_5 step %scan3A_6  : i32 {
      %mul3A_15 = arith.constant 20000 : i32
      %mul3A_16 = arith.muli %arg1, %mul3A_15 : i32
      %mul3A_17 = arith.constant 80 : i32
      %mul3A_18 = arith.muli %scan3A_14, %mul3A_17 : i32
      %add3A = arith.addi %mul3A_16, %mul3A_18 : i32
      "tpu.region"() ({
        %run_scoped3A = tpu.sem_alloc : memref<!tpu.dma_semaphore, #tpu.memory_space<semaphore_mem>>
        %dma_start3A_41 = tpu.memref_slice %arg2[%add3A] : memref<320000xi32, #tpu.memory_space<hbm>> -> memref<80xi32, #tpu.memory_space<hbm>>
        %dma_start3A_42 = tpu.memref_slice %arg2[%add3A] : memref<320000xi32, #tpu.memory_space<hbm>> -> memref<80xi32, #tpu.memory_space<hbm>>
        tpu.enqueue_dma source(%dma_start3A_42 : memref<80xi32, #tpu.memory_space<hbm>>) target(%arg8 : memref<80xi32, #tpu.memory_space<vmem>>) target_semaphore(%run_scoped3A : memref<!tpu.dma_semaphore, #tpu.memory_space<semaphore_mem>>)
        %dma_wait3A_43 = tpu.memref_slice %arg2[%add3A] : memref<320000xi32, #tpu.memory_space<hbm>> -> memref<80xi32, #tpu.memory_space<hbm>>
        %dma_wait3A_44 = tpu.memref_slice %arg2[%add3A] : memref<320000xi32, #tpu.memory_space<hbm>> -> memref<80xi32, #tpu.memory_space<hbm>>
        tpu.wait_dma2 semaphore(%run_scoped3A : memref<!tpu.dma_semaphore, #tpu.memory_space<semaphore_mem>>) src(%dma_wait3A_44 : memref<80xi32, #tpu.memory_space<hbm>>) dst(%arg8 : memref<80xi32, #tpu.memory_space<vmem>>)
        tpu.yield
      }) : () -> ()
      "tpu.region"() ({
        %run_scoped3A = tpu.sem_alloc : memref<!tpu.dma_semaphore, #tpu.memory_space<semaphore_mem>>
        %dma_start3A_41 = tpu.memref_slice %arg3[%add3A] : memref<320000xi32, #tpu.memory_space<hbm>> -> memref<80xi32, #tpu.memory_space<hbm>>
        %dma_start3A_42 = tpu.memref_slice %arg3[%add3A] : memref<320000xi32, #tpu.memory_space<hbm>> -> memref<80xi32, #tpu.memory_space<hbm>>
        tpu.enqueue_dma source(%dma_start3A_42 : memref<80xi32, #tpu.memory_space<hbm>>) target(%arg9 : memref<80xi32, #tpu.memory_space<vmem>>) target_semaphore(%run_scoped3A : memref<!tpu.dma_semaphore, #tpu.memory_space<semaphore_mem>>)
        %dma_wait3A_43 = tpu.memref_slice %arg3[%add3A] : memref<320000xi32, #tpu.memory_space<hbm>> -> memref<80xi32, #tpu.memory_space<hbm>>
        %dma_wait3A_44 = tpu.memref_slice %arg3[%add3A] : memref<320000xi32, #tpu.memory_space<hbm>> -> memref<80xi32, #tpu.memory_space<hbm>>
        tpu.wait_dma2 semaphore(%run_scoped3A : memref<!tpu.dma_semaphore, #tpu.memory_space<semaphore_mem>>) src(%dma_wait3A_44 : memref<80xi32, #tpu.memory_space<hbm>>) dst(%arg9 : memref<80xi32, #tpu.memory_space<vmem>>)
        tpu.yield
      }) : () -> ()
      %scan3A_19 = arith.constant 0 : i32
      %scan3A_20 = arith.constant 0 : i32
      %scan3A_21 = arith.constant 5 : i32
      %scan3A_22 = arith.addi %scan3A_20, %scan3A_21 : i32
      %scan3A_23 = arith.constant 1 : i32
      scf.for %scan3A_41 = %scan3A_20 to %scan3A_22 step %scan3A_23  : i32 {
        %mul3A_42 = arith.constant 16 : i32
        %mul3A_43 = arith.muli %scan3A_41, %mul3A_42 : i32
        %get3A = arith.index_cast %mul3A_43 : i32 to index
        %get3A_44 = tpu.vector_load %arg8[%get3A] {strides = array<i32>} : memref<80xi32, #tpu.memory_space<vmem>>, vector<16xi32>,
        %get3A_45 = vector.shape_cast %get3A_44 : vector<16xi32> to vector<16xi32>
        %mul3A_46 = arith.constant 2 : i32
        %mul3A_47 = vector.broadcast %mul3A_46 : i32 to vector<16xi32>
        %mul3A_48 = arith.muli %get3A_45, %mul3A_47 : vector<16xi32>
        %add3A_49 = vector.broadcast %arg0 : i32 to vector<16xi32>
        %add3A_50 = arith.addi %mul3A_48, %add3A_49 : vector<16xi32>
        %swap3A = arith.index_cast %mul3A_43 : i32 to index
        %swap3A_51 = tpu.vector_load %arg8[%swap3A] {strides = array<i32>} : memref<80xi32, #tpu.memory_space<vmem>>, vector<16xi32>,
        %swap3A_52 = vector.shape_cast %swap3A_51 : vector<16xi32> to vector<16xi32>
        %swap3A_53 = vector.shape_cast %add3A_50 : vector<16xi32> to vector<16xi32>
        tpu.vector_store %arg8[%swap3A], %swap3A_53 {strides = array<i32>} : memref<80xi32, #tpu.memory_space<vmem>>, vector<16xi32>,
      }
      %scan3A_24 = arith.constant 5 : i32
      "tpu.region"() ({
        %run_scoped3A = tpu.sem_alloc : memref<!tpu.dma_semaphore, #tpu.memory_space<semaphore_mem>>
        %dma_start3A_41 = arith.constant 0 : i32
        %dma_start3A_42 = tpu.memref_slice %arg5[%arg0, %add3A, %dma_start3A_41] : memref<2x320000x128xf32, #tpu.memory_space<hbm>> -> memref<1x80x128xf32, #tpu.memory_space<hbm>>
        %dma_start3A_43 = tpu.memref_squeeze %dma_start3A_42 : memref<1x80x128xf32, #tpu.memory_space<hbm>> -> memref<80x128xf32, #tpu.memory_space<hbm>>
        %dma_start3A_44 = arith.constant 0 : i32
        %dma_start3A_45 = tpu.memref_slice %arg5[%arg0, %add3A, %dma_start3A_44] : memref<2x320000x128xf32, #tpu.memory_space<hbm>> -> memref<1x80x128xf32, #tpu.memory_space<hbm>>
        %dma_start3A_46 = tpu.memref_squeeze %dma_start3A_45 : memref<1x80x128xf32, #tpu.memory_space<hbm>> -> memref<80x128xf32, #tpu.memory_space<hbm>>
        tpu.enqueue_dma source(%dma_start3A_46 : memref<80x128xf32, #tpu.memory_space<hbm>>) target(%arg10 : memref<80x128xf32, #tpu.memory_space<vmem>>) target_semaphore(%run_scoped3A : memref<!tpu.dma_semaphore, #tpu.memory_space<semaphore_mem>>)
        %dma_wait3A_47 = arith.constant 0 : i32
        %dma_wait3A_48 = tpu.memref_slice %arg5[%arg0, %add3A, %dma_wait3A_47] : memref<2x320000x128xf32, #tpu.memory_space<hbm>> -> memref<1x80x128xf32, #tpu.memory_space<hbm>>
        %dma_wait3A_49 = tpu.memref_squeeze %dma_wait3A_48 : memref<1x80x128xf32, #tpu.memory_space<hbm>> -> memref<80x128xf32, #tpu.memory_space<hbm>>
        %dma_wait3A_50 = arith.constant 0 : i32
        %dma_wait3A_51 = tpu.memref_slice %arg5[%arg0, %add3A, %dma_wait3A_50] : memref<2x320000x128xf32, #tpu.memory_space<hbm>> -> memref<1x80x128xf32, #tpu.memory_space<hbm>>
        %dma_wait3A_52 = tpu.memref_squeeze %dma_wait3A_51 : memref<1x80x128xf32, #tpu.memory_space<hbm>> -> memref<80x128xf32, #tpu.memory_space<hbm>>
        tpu.wait_dma2 semaphore(%run_scoped3A : memref<!tpu.dma_semaphore, #tpu.memory_space<semaphore_mem>>) src(%dma_wait3A_52 : memref<80x128xf32, #tpu.memory_space<hbm>>) dst(%arg10 : memref<80x128xf32, #tpu.memory_space<vmem>>)
        tpu.yield
      }) : () -> ()
      %dma_start3A = arith.constant 0 : i32
      %dma_start3A_25 = arith.constant 0 : i32
      %dma_start3A_26 = tpu.memref_slice %arg4[%dma_start3A, %dma_start3A_25] : memref<20000x128xf32, #tpu.memory_space<hbm>> -> memref<20000x128xf32, #tpu.memory_space<hbm>>
      tpu.enqueue_indirect_dma source(%dma_start3A_26 : memref<20000x128xf32, #tpu.memory_space<hbm>>) target(%arg11 : memref<80x128xf32, #tpu.memory_space<vmem>>) offsets(%arg8 : memref<80xi32, #tpu.memory_space<vmem>>) semaphore(%arg13 : memref<!tpu.dma_semaphore, #tpu.memory_space<semaphore_mem>>)
      %dma_wait3A = arith.constant 0 : i32
      %dma_wait3A_27 = arith.constant 0 : i32
      %dma_wait3A_28 = tpu.memref_slice %arg4[%dma_wait3A, %dma_wait3A_27] : memref<20000x128xf32, #tpu.memory_space<hbm>> -> memref<20000x128xf32, #tpu.memory_space<hbm>>
      tpu.wait_indirect_dma semaphore(%arg13 : memref<!tpu.dma_semaphore, #tpu.memory_space<semaphore_mem>>) src(%dma_wait3A_28 : memref<20000x128xf32, #tpu.memory_space<hbm>>) dst(%arg11 : memref<80x128xf32, #tpu.memory_space<vmem>>)
      %scan3A_29 = arith.constant 0 : i32
      %scan3A_30 = arith.constant 0 : i32
      %scan3A_31 = arith.constant 80 : i32
      %scan3A_32 = arith.addi %scan3A_30, %scan3A_31 : i32
      %scan3A_33 = arith.constant 1 : i32
      scf.for %scan3A_41 = %scan3A_30 to %scan3A_32 step %scan3A_33  : i32 {
        %get3A = arith.index_cast %scan3A_41 : i32 to index
        %get3A_42 = arith.constant 0 : index
        %get3A_43 = tpu.vector_load %arg10[%get3A, %get3A_42] {strides = array<i32>} : memref<80x128xf32, #tpu.memory_space<vmem>>, vector<1x16xf32>,
        %get3A_44 = vector.shape_cast %get3A_43 : vector<1x16xf32> to vector<16xf32>
        %get3A_45 = arith.index_cast %scan3A_41 : i32 to index
        %get3A_46 = arith.constant 0 : index
        %get3A_47 = tpu.vector_load %arg11[%get3A_45, %get3A_46] {strides = array<i32>} : memref<80x128xf32, #tpu.memory_space<vmem>>, vector<1x16xf32>,
        %get3A_48 = vector.shape_cast %get3A_47 : vector<1x16xf32> to vector<16xf32>
        %add3A_49 = arith.addf %get3A_44, %get3A_48 : vector<16xf32>
        %max3A = arith.constant 0.000000e+00 : f32
        %max3A_50 = vector.broadcast %max3A : f32 to vector<16xf32>
        %max3A_51 = arith.maximumf %add3A_49, %max3A_50 : vector<16xf32>
        %swap3A = arith.index_cast %scan3A_41 : i32 to index
        %swap3A_52 = arith.constant 0 : index
        %swap3A_53 = tpu.vector_load %arg10[%swap3A, %swap3A_52] {strides = array<i32>} : memref<80x128xf32, #tpu.memory_space<vmem>>, vector<1x16xf32>,
        %swap3A_54 = vector.shape_cast %swap3A_53 : vector<1x16xf32> to vector<16xf32>
        %swap3A_55 = vector.shape_cast %max3A_51 : vector<16xf32> to vector<1x16xf32>
        tpu.vector_store %arg10[%swap3A, %swap3A_52], %swap3A_55 {strides = array<i32>} : memref<80x128xf32, #tpu.memory_space<vmem>>, vector<1x16xf32>,
        %get3A_56 = arith.index_cast %scan3A_41 : i32 to index
        %get3A_57 = arith.constant 16 : index
        %get3A_58 = tpu.vector_load %arg10[%get3A_56, %get3A_57] {strides = array<i32>} : memref<80x128xf32, #tpu.memory_space<vmem>>, vector<1x16xf32>,
        %get3A_59 = vector.shape_cast %get3A_58 : vector<1x16xf32> to vector<16xf32>
        %get3A_60 = arith.index_cast %scan3A_41 : i32 to index
        %get3A_61 = arith.constant 16 : index
        %get3A_62 = tpu.vector_load %arg11[%get3A_60, %get3A_61] {strides = array<i32>} : memref<80x128xf32, #tpu.memory_space<vmem>>, vector<1x16xf32>,
        %get3A_63 = vector.shape_cast %get3A_62 : vector<1x16xf32> to vector<16xf32>
        %add3A_64 = arith.addf %get3A_59, %get3A_63 : vector<16xf32>
        %max3A_65 = arith.constant 0.000000e+00 : f32
        %max3A_66 = vector.broadcast %max3A_65 : f32 to vector<16xf32>
        %max3A_67 = arith.maximumf %add3A_64, %max3A_66 : vector<16xf32>
        %swap3A_68 = arith.index_cast %scan3A_41 : i32 to index
        %swap3A_69 = arith.constant 16 : index
        %swap3A_70 = tpu.vector_load %arg10[%swap3A_68, %swap3A_69] {strides = array<i32>} : memref<80x128xf32, #tpu.memory_space<vmem>>, vector<1x16xf32>,
        %swap3A_71 = vector.shape_cast %swap3A_70 : vector<1x16xf32> to vector<16xf32>
        %swap3A_72 = vector.shape_cast %max3A_67 : vector<16xf32> to vector<1x16xf32>
        tpu.vector_store %arg10[%swap3A_68, %swap3A_69], %swap3A_72 {strides = array<i32>} : memref<80x128xf32, #tpu.memory_space<vmem>>, vector<1x16xf32>,
        %get3A_73 = arith.index_cast %scan3A_41 : i32 to index
        %get3A_74 = arith.constant 32 : index
        %get3A_75 = tpu.vector_load %arg10[%get3A_73, %get3A_74] {strides = array<i32>} : memref<80x128xf32, #tpu.memory_space<vmem>>, vector<1x16xf32>,
        %get3A_76 = vector.shape_cast %get3A_75 : vector<1x16xf32> to vector<16xf32>
        %get3A_77 = arith.index_cast %scan3A_41 : i32 to index
        %get3A_78 = arith.constant 32 : index
        %get3A_79 = tpu.vector_load %arg11[%get3A_77, %get3A_78] {strides = array<i32>} : memref<80x128xf32, #tpu.memory_space<vmem>>, vector<1x16xf32>,
        %get3A_80 = vector.shape_cast %get3A_79 : vector<1x16xf32> to vector<16xf32>
        %add3A_81 = arith.addf %get3A_76, %get3A_80 : vector<16xf32>
        %max3A_82 = arith.constant 0.000000e+00 : f32
        %max3A_83 = vector.broadcast %max3A_82 : f32 to vector<16xf32>
        %max3A_84 = arith.maximumf %add3A_81, %max3A_83 : vector<16xf32>
        %swap3A_85 = arith.index_cast %scan3A_41 : i32 to index
        %swap3A_86 = arith.constant 32 : index
        %swap3A_87 = tpu.vector_load %arg10[%swap3A_85, %swap3A_86] {strides = array<i32>} : memref<80x128xf32, #tpu.memory_space<vmem>>, vector<1x16xf32>,
        %swap3A_88 = vector.shape_cast %swap3A_87 : vector<1x16xf32> to vector<16xf32>
        %swap3A_89 = vector.shape_cast %max3A_84 : vector<16xf32> to vector<1x16xf32>
        tpu.vector_store %arg10[%swap3A_85, %swap3A_86], %swap3A_89 {strides = array<i32>} : memref<80x128xf32, #tpu.memory_space<vmem>>, vector<1x16xf32>,
        %get3A_90 = arith.index_cast %scan3A_41 : i32 to index
        %get3A_91 = arith.constant 48 : index
        %get3A_92 = tpu.vector_load %arg10[%get3A_90, %get3A_91] {strides = array<i32>} : memref<80x128xf32, #tpu.memory_space<vmem>>, vector<1x16xf32>,
        %get3A_93 = vector.shape_cast %get3A_92 : vector<1x16xf32> to vector<16xf32>
        %get3A_94 = arith.index_cast %scan3A_41 : i32 to index
        %get3A_95 = arith.constant 48 : index
        %get3A_96 = tpu.vector_load %arg11[%get3A_94, %get3A_95] {strides = array<i32>} : memref<80x128xf32, #tpu.memory_space<vmem>>, vector<1x16xf32>,
        %get3A_97 = vector.shape_cast %get3A_96 : vector<1x16xf32> to vector<16xf32>
        %add3A_98 = arith.addf %get3A_93, %get3A_97 : vector<16xf32>
        %max3A_99 = arith.constant 0.000000e+00 : f32
        %max3A_100 = vector.broadcast %max3A_99 : f32 to vector<16xf32>
        %max3A_101 = arith.maximumf %add3A_98, %max3A_100 : vector<16xf32>
        %swap3A_102 = arith.index_cast %scan3A_41 : i32 to index
        %swap3A_103 = arith.constant 48 : index
        %swap3A_104 = tpu.vector_load %arg10[%swap3A_102, %swap3A_103] {strides = array<i32>} : memref<80x128xf32, #tpu.memory_space<vmem>>, vector<1x16xf32>,
        %swap3A_105 = vector.shape_cast %swap3A_104 : vector<1x16xf32> to vector<16xf32>
        %swap3A_106 = vector.shape_cast %max3A_101 : vector<16xf32> to vector<1x16xf32>
        tpu.vector_store %arg10[%swap3A_102, %swap3A_103], %swap3A_106 {strides = array<i32>} : memref<80x128xf32, #tpu.memory_space<vmem>>, vector<1x16xf32>,
        %get3A_107 = arith.index_cast %scan3A_41 : i32 to index
        %get3A_108 = arith.constant 64 : index
        %get3A_109 = tpu.vector_load %arg10[%get3A_107, %get3A_108] {strides = array<i32>} : memref<80x128xf32, #tpu.memory_space<vmem>>, vector<1x16xf32>,
        %get3A_110 = vector.shape_cast %get3A_109 : vector<1x16xf32> to vector<16xf32>
        %get3A_111 = arith.index_cast %scan3A_41 : i32 to index
        %get3A_112 = arith.constant 64 : index
        %get3A_113 = tpu.vector_load %arg11[%get3A_111, %get3A_112] {strides = array<i32>} : memref<80x128xf32, #tpu.memory_space<vmem>>, vector<1x16xf32>,
        %get3A_114 = vector.shape_cast %get3A_113 : vector<1x16xf32> to vector<16xf32>
        %add3A_115 = arith.addf %get3A_110, %get3A_114 : vector<16xf32>
        %max3A_116 = arith.constant 0.000000e+00 : f32
        %max3A_117 = vector.broadcast %max3A_116 : f32 to vector<16xf32>
        %max3A_118 = arith.maximumf %add3A_115, %max3A_117 : vector<16xf32>
        %swap3A_119 = arith.index_cast %scan3A_41 : i32 to index
        %swap3A_120 = arith.constant 64 : index
        %swap3A_121 = tpu.vector_load %arg10[%swap3A_119, %swap3A_120] {strides = array<i32>} : memref<80x128xf32, #tpu.memory_space<vmem>>, vector<1x16xf32>,
        %swap3A_122 = vector.shape_cast %swap3A_121 : vector<1x16xf32> to vector<16xf32>
        %swap3A_123 = vector.shape_cast %max3A_118 : vector<16xf32> to vector<1x16xf32>
        tpu.vector_store %arg10[%swap3A_119, %swap3A_120], %swap3A_123 {strides = array<i32>} : memref<80x128xf32, #tpu.memory_space<vmem>>, vector<1x16xf32>,
        %get3A_124 = arith.index_cast %scan3A_41 : i32 to index
        %get3A_125 = arith.constant 80 : index
        %get3A_126 = tpu.vector_load %arg10[%get3A_124, %get3A_125] {strides = array<i32>} : memref<80x128xf32, #tpu.memory_space<vmem>>, vector<1x16xf32>,
        %get3A_127 = vector.shape_cast %get3A_126 : vector<1x16xf32> to vector<16xf32>
        %get3A_128 = arith.index_cast %scan3A_41 : i32 to index
        %get3A_129 = arith.constant 80 : index
        %get3A_130 = tpu.vector_load %arg11[%get3A_128, %get3A_129] {strides = array<i32>} : memref<80x128xf32, #tpu.memory_space<vmem>>, vector<1x16xf32>,
        %get3A_131 = vector.shape_cast %get3A_130 : vector<1x16xf32> to vector<16xf32>
        %add3A_132 = arith.addf %get3A_127, %get3A_131 : vector<16xf32>
        %max3A_133 = arith.constant 0.000000e+00 : f32
        %max3A_134 = vector.broadcast %max3A_133 : f32 to vector<16xf32>
        %max3A_135 = arith.maximumf %add3A_132, %max3A_134 : vector<16xf32>
        %swap3A_136 = arith.index_cast %scan3A_41 : i32 to index
        %swap3A_137 = arith.constant 80 : index
        %swap3A_138 = tpu.vector_load %arg10[%swap3A_136, %swap3A_137] {strides = array<i32>} : memref<80x128xf32, #tpu.memory_space<vmem>>, vector<1x16xf32>,
        %swap3A_139 = vector.shape_cast %swap3A_138 : vector<1x16xf32> to vector<16xf32>
        %swap3A_140 = vector.shape_cast %max3A_135 : vector<16xf32> to vector<1x16xf32>
        tpu.vector_store %arg10[%swap3A_136, %swap3A_137], %swap3A_140 {strides = array<i32>} : memref<80x128xf32, #tpu.memory_space<vmem>>, vector<1x16xf32>,
        %get3A_141 = arith.index_cast %scan3A_41 : i32 to index
        %get3A_142 = arith.constant 96 : index
        %get3A_143 = tpu.vector_load %arg10[%get3A_141, %get3A_142] {strides = array<i32>} : memref<80x128xf32, #tpu.memory_space<vmem>>, vector<1x16xf32>,
        %get3A_144 = vector.shape_cast %get3A_143 : vector<1x16xf32> to vector<16xf32>
        %get3A_145 = arith.index_cast %scan3A_41 : i32 to index
        %get3A_146 = arith.constant 96 : index
        %get3A_147 = tpu.vector_load %arg11[%get3A_145, %get3A_146] {strides = array<i32>} : memref<80x128xf32, #tpu.memory_space<vmem>>, vector<1x16xf32>,
        %get3A_148 = vector.shape_cast %get3A_147 : vector<1x16xf32> to vector<16xf32>
        %add3A_149 = arith.addf %get3A_144, %get3A_148 : vector<16xf32>
        %max3A_150 = arith.constant 0.000000e+00 : f32
        %max3A_151 = vector.broadcast %max3A_150 : f32 to vector<16xf32>
        %max3A_152 = arith.maximumf %add3A_149, %max3A_151 : vector<16xf32>
        %swap3A_153 = arith.index_cast %scan3A_41 : i32 to index
        %swap3A_154 = arith.constant 96 : index
        %swap3A_155 = tpu.vector_load %arg10[%swap3A_153, %swap3A_154] {strides = array<i32>} : memref<80x128xf32, #tpu.memory_space<vmem>>, vector<1x16xf32>,
        %swap3A_156 = vector.shape_cast %swap3A_155 : vector<1x16xf32> to vector<16xf32>
        %swap3A_157 = vector.shape_cast %max3A_152 : vector<16xf32> to vector<1x16xf32>
        tpu.vector_store %arg10[%swap3A_153, %swap3A_154], %swap3A_157 {strides = array<i32>} : memref<80x128xf32, #tpu.memory_space<vmem>>, vector<1x16xf32>,
        %get3A_158 = arith.index_cast %scan3A_41 : i32 to index
        %get3A_159 = arith.constant 112 : index
        %get3A_160 = tpu.vector_load %arg10[%get3A_158, %get3A_159] {strides = array<i32>} : memref<80x128xf32, #tpu.memory_space<vmem>>, vector<1x16xf32>,
        %get3A_161 = vector.shape_cast %get3A_160 : vector<1x16xf32> to vector<16xf32>
        %get3A_162 = arith.index_cast %scan3A_41 : i32 to index
        %get3A_163 = arith.constant 112 : index
        %get3A_164 = tpu.vector_load %arg11[%get3A_162, %get3A_163] {strides = array<i32>} : memref<80x128xf32, #tpu.memory_space<vmem>>, vector<1x16xf32>,
        %get3A_165 = vector.shape_cast %get3A_164 : vector<1x16xf32> to vector<16xf32>
        %add3A_166 = arith.addf %get3A_161, %get3A_165 : vector<16xf32>
        %max3A_167 = arith.constant 0.000000e+00 : f32
        %max3A_168 = vector.broadcast %max3A_167 : f32 to vector<16xf32>
        %max3A_169 = arith.maximumf %add3A_166, %max3A_168 : vector<16xf32>
        %swap3A_170 = arith.index_cast %scan3A_41 : i32 to index
        %swap3A_171 = arith.constant 112 : index
        %swap3A_172 = tpu.vector_load %arg10[%swap3A_170, %swap3A_171] {strides = array<i32>} : memref<80x128xf32, #tpu.memory_space<vmem>>, vector<1x16xf32>,
        %swap3A_173 = vector.shape_cast %swap3A_172 : vector<1x16xf32> to vector<16xf32>
        %swap3A_174 = vector.shape_cast %max3A_169 : vector<16xf32> to vector<1x16xf32>
        tpu.vector_store %arg10[%swap3A_170, %swap3A_171], %swap3A_174 {strides = array<i32>} : memref<80x128xf32, #tpu.memory_space<vmem>>, vector<1x16xf32>,
      }
      %scan3A_34 = arith.constant 80 : i32
      %dma_start3A_35 = arith.constant 0 : i32
      %dma_start3A_36 = arith.constant 0 : i32
      %dma_start3A_37 = tpu.memref_slice %arg12[%dma_start3A_35, %dma_start3A_36] : memref<10000x128xf32, #tpu.memory_space<vmem_shared>> -> memref<10000x128xf32, #tpu.memory_space<vmem_shared>>
      tpu.enqueue_indirect_dma source(%arg10 : memref<80x128xf32, #tpu.memory_space<vmem>>) target(%dma_start3A_37 : memref<10000x128xf32, #tpu.memory_space<vmem_shared>>) offsets(%arg9 : memref<80xi32, #tpu.memory_space<vmem>>) semaphore(%arg13 : memref<!tpu.dma_semaphore, #tpu.memory_space<semaphore_mem>>) {add = true}
      %dma_wait3A_38 = arith.constant 0 : i32
      %dma_wait3A_39 = arith.constant 0 : i32
      %dma_wait3A_40 = tpu.memref_slice %arg12[%dma_wait3A_38, %dma_wait3A_39] : memref<10000x128xf32, #tpu.memory_space<vmem_shared>> -> memref<10000x128xf32, #tpu.memory_space<vmem_shared>>
      tpu.wait_indirect_dma semaphore(%arg13 : memref<!tpu.dma_semaphore, #tpu.memory_space<semaphore_mem>>) src(%arg10 : memref<80x128xf32, #tpu.memory_space<vmem>>) dst(%dma_wait3A_40 : memref<10000x128xf32, #tpu.memory_space<vmem_shared>>)
    }
    %scan3A_7 = arith.constant 250 : i32
    %barrier3A_8 = arith.constant 0 : index
    tpu.barrier barrier_id(%barrier3A_8)
    "tpu.region"() ({
      %run_scoped3A = tpu.sem_alloc : memref<!tpu.dma_semaphore, #tpu.memory_space<semaphore_mem>>
      %dma_start3A = arith.constant 0 : i32
      %dma_start3A_14 = tpu.memref_slice %arg7[%arg0, %mul3A_0, %dma_start3A] : memref<2x10000x128xf32, #tpu.memory_space<hbm>> -> memref<1x624x128xf32, #tpu.memory_space<hbm>>
      %dma_start3A_15 = tpu.memref_squeeze %dma_start3A_14 : memref<1x624x128xf32, #tpu.memory_space<hbm>> -> memref<624x128xf32, #tpu.memory_space<hbm>>
      %dma_start3A_16 = arith.constant 0 : i32
      %dma_start3A_17 = tpu.memref_slice %arg12[%mul3A_0, %dma_start3A_16] : memref<10000x128xf32, #tpu.memory_space<vmem_shared>> -> memref<624x128xf32, #tpu.memory_space<vmem_shared>>
      tpu.enqueue_dma source(%dma_start3A_17 : memref<624x128xf32, #tpu.memory_space<vmem_shared>>) target(%dma_start3A_15 : memref<624x128xf32, #tpu.memory_space<hbm>>) target_semaphore(%run_scoped3A : memref<!tpu.dma_semaphore, #tpu.memory_space<semaphore_mem>>)
      %dma_wait3A = arith.constant 0 : i32
      %dma_wait3A_18 = tpu.memref_slice %arg7[%arg0, %mul3A_0, %dma_wait3A] : memref<2x10000x128xf32, #tpu.memory_space<hbm>> -> memref<1x624x128xf32, #tpu.memory_space<hbm>>
      %dma_wait3A_19 = tpu.memref_squeeze %dma_wait3A_18 : memref<1x624x128xf32, #tpu.memory_space<hbm>> -> memref<624x128xf32, #tpu.memory_space<hbm>>
      %dma_wait3A_20 = arith.constant 0 : i32
      %dma_wait3A_21 = tpu.memref_slice %arg12[%mul3A_0, %dma_wait3A_20] : memref<10000x128xf32, #tpu.memory_space<vmem_shared>> -> memref<624x128xf32, #tpu.memory_space<vmem_shared>>
      tpu.wait_dma2 semaphore(%run_scoped3A : memref<!tpu.dma_semaphore, #tpu.memory_space<semaphore_mem>>) src(%dma_wait3A_21 : memref<624x128xf32, #tpu.memory_space<vmem_shared>>) dst(%dma_wait3A_19 : memref<624x128xf32, #tpu.memory_space<hbm>>)
      tpu.yield
    }) : () -> ()
    %eq3A_9 = arith.constant 15 : i32
    %eq3A_10 = arith.cmpi eq, %arg1, %eq3A_9 : i32
    %convert_element_type3A_11 = arith.extui %eq3A_10 : i1 to i32
    %cond3A_12 = arith.constant 0 : i32
    %cond3A_13 = arith.cmpi ne, %convert_element_type3A_11, %cond3A_12 : i32
    scf.if %cond3A_13 {
      "tpu.region"() ({
        %run_scoped3A = tpu.sem_alloc : memref<!tpu.dma_semaphore, #tpu.memory_space<semaphore_mem>>
        %dma_start3A = arith.constant 9984 : i32
        %dma_start3A_14 = arith.constant 0 : i32
        %dma_start3A_15 = tpu.memref_slice %arg7[%arg0, %dma_start3A, %dma_start3A_14] : memref<2x10000x128xf32, #tpu.memory_space<hbm>> -> memref<1x16x128xf32, #tpu.memory_space<hbm>>
        %dma_start3A_16 = tpu.memref_squeeze %dma_start3A_15 : memref<1x16x128xf32, #tpu.memory_space<hbm>> -> memref<16x128xf32, #tpu.memory_space<hbm>>
        %dma_start3A_17 = arith.constant 9984 : i32
        %dma_start3A_18 = arith.constant 0 : i32
        %dma_start3A_19 = tpu.memref_slice %arg12[%dma_start3A_17, %dma_start3A_18] : memref<10000x128xf32, #tpu.memory_space<vmem_shared>> -> memref<16x128xf32, #tpu.memory_space<vmem_shared>>
        tpu.enqueue_dma source(%dma_start3A_19 : memref<16x128xf32, #tpu.memory_space<vmem_shared>>) target(%dma_start3A_16 : memref<16x128xf32, #tpu.memory_space<hbm>>) target_semaphore(%run_scoped3A : memref<!tpu.dma_semaphore, #tpu.memory_space<semaphore_mem>>)
        %dma_wait3A = arith.constant 9984 : i32
        %dma_wait3A_20 = arith.constant 0 : i32
        %dma_wait3A_21 = tpu.memref_slice %arg7[%arg0, %dma_wait3A, %dma_wait3A_20] : memref<2x10000x128xf32, #tpu.memory_space<hbm>> -> memref<1x16x128xf32, #tpu.memory_space<hbm>>
        %dma_wait3A_22 = tpu.memref_squeeze %dma_wait3A_21 : memref<1x16x128xf32, #tpu.memory_space<hbm>> -> memref<16x128xf32, #tpu.memory_space<hbm>>
        %dma_wait3A_23 = arith.constant 9984 : i32
        %dma_wait3A_24 = arith.constant 0 : i32
        %dma_wait3A_25 = tpu.memref_slice %arg12[%dma_wait3A_23, %dma_wait3A_24] : memref<10000x128xf32, #tpu.memory_space<vmem_shared>> -> memref<16x128xf32, #tpu.memory_space<vmem_shared>>
        tpu.wait_dma2 semaphore(%run_scoped3A : memref<!tpu.dma_semaphore, #tpu.memory_space<semaphore_mem>>) src(%dma_wait3A_25 : memref<16x128xf32, #tpu.memory_space<vmem_shared>>) dst(%dma_wait3A_22 : memref<16x128xf32, #tpu.memory_space<hbm>>)
        tpu.yield
      }) : () -> ()
    } else {
    }
    return
  }
}

#map = affine_map<(d0, d1) -> (0)>
#map1 = affine_map<(d0, d1) -> (0, 0)>
#map2 = affine_map<(d0, d1) -> (0, 0, 0)>
module attributes {stable_mosaic.version = 14 : i64} {
  func.func @_edge_body(%arg0: i32, %arg1: i32, %arg2: memref<320000xi32, #tpu.memory_space<hbm>>, %arg3: memref<320000xi32, #tpu.memory_space<hbm>>, %arg4: memref<20000x128xf32, #tpu.memory_space<hbm>>, %arg5: memref<2x320000x128xf32, #tpu.memory_space<hbm>>, %arg6: memref<624x128xf32, #tpu.memory_space<hbm>>, %arg7: memref<2x10000x128xf32, #tpu.memory_space<hbm>>, %arg8: memref<80xi32, #tpu.memory_space<vmem>>, %arg9: memref<80xi32, #tpu.memory_space<vmem>>, %arg10: memref<80x128xf32, #tpu.memory_space<vmem>>, %arg11: memref<80x128xf32, #tpu.memory_space<vmem>>, %arg12: memref<10000x128xf32, #tpu.memory_space<vmem_shared>>, %arg13: memref<!tpu.dma_semaphore, #tpu.memory_space<semaphore_mem>>) attributes {dimension_semantics = [#tpu.dimension_semantics<core_parallel>, #tpu.dimension_semantics<subcore_parallel>], iteration_bounds = array<i64: 2, 16>, scalar_prefetch = 0 : i64, scratch_operands = 6 : i64, tpu.core_type = #tpu.core_type<sc_vector_subcore>, window_params = [{transform_indices = #map}, {transform_indices = #map}, {transform_indices = #map1}, {transform_indices = #map2}, {transform_indices = #map1}, {transform_indices = #map2}]} {
    %mul3A = arith.constant 624 : i32
    %mul3A_0 = arith.muli %arg1, %mul3A : i32
    "tpu.region"() ({
      %run_scoped3A = tpu.sem_alloc : memref<!tpu.dma_semaphore, #tpu.memory_space<semaphore_mem>>
      %dma_start3A = arith.constant 0 : i32
      %dma_start3A_14 = tpu.memref_slice %arg12[%mul3A_0, %dma_start3A] : memref<10000x128xf32, #tpu.memory_space<vmem_shared>> -> memref<624x128xf32, #tpu.memory_space<vmem_shared>>
      tpu.enqueue_dma source(%arg6 : memref<624x128xf32, #tpu.memory_space<hbm>>) target(%dma_start3A_14 : memref<624x128xf32, #tpu.memory_space<vmem_shared>>) target_semaphore(%run_scoped3A : memref<!tpu.dma_semaphore, #tpu.memory_space<semaphore_mem>>)
      %dma_wait3A = arith.constant 0 : i32
      %dma_wait3A_15 = tpu.memref_slice %arg12[%mul3A_0, %dma_wait3A] : memref<10000x128xf32, #tpu.memory_space<vmem_shared>> -> memref<624x128xf32, #tpu.memory_space<vmem_shared>>
      tpu.wait_dma2 semaphore(%run_scoped3A : memref<!tpu.dma_semaphore, #tpu.memory_space<semaphore_mem>>) src(%arg6 : memref<624x128xf32, #tpu.memory_space<hbm>>) dst(%dma_wait3A_15 : memref<624x128xf32, #tpu.memory_space<vmem_shared>>)
      tpu.yield
    }) : () -> ()
    %eq3A = arith.constant 15 : i32
    %eq3A_1 = arith.cmpi eq, %arg1, %eq3A : i32
    %convert_element_type3A = arith.extui %eq3A_1 : i1 to i32
    %cond3A = arith.constant 0 : i32
    %cond3A_2 = arith.cmpi ne, %convert_element_type3A, %cond3A : i32
    scf.if %cond3A_2 {
      "tpu.region"() ({
        %run_scoped3A = tpu.sem_alloc : memref<!tpu.dma_semaphore, #tpu.memory_space<semaphore_mem>>
        %dma_start3A = arith.constant 9984 : i32
        %dma_start3A_14 = arith.constant 0 : i32
        %dma_start3A_15 = tpu.memref_slice %arg12[%dma_start3A, %dma_start3A_14] : memref<10000x128xf32, #tpu.memory_space<vmem_shared>> -> memref<16x128xf32, #tpu.memory_space<vmem_shared>>
        %dma_start3A_16 = arith.constant 0 : i32
        %dma_start3A_17 = arith.constant 0 : i32
        %dma_start3A_18 = tpu.memref_slice %arg6[%dma_start3A_16, %dma_start3A_17] : memref<624x128xf32, #tpu.memory_space<hbm>> -> memref<16x128xf32, #tpu.memory_space<hbm>>
        tpu.enqueue_dma source(%dma_start3A_18 : memref<16x128xf32, #tpu.memory_space<hbm>>) target(%dma_start3A_15 : memref<16x128xf32, #tpu.memory_space<vmem_shared>>) target_semaphore(%run_scoped3A : memref<!tpu.dma_semaphore, #tpu.memory_space<semaphore_mem>>)
        %dma_wait3A = arith.constant 9984 : i32
        %dma_wait3A_19 = arith.constant 0 : i32
        %dma_wait3A_20 = tpu.memref_slice %arg12[%dma_wait3A, %dma_wait3A_19] : memref<10000x128xf32, #tpu.memory_space<vmem_shared>> -> memref<16x128xf32, #tpu.memory_space<vmem_shared>>
        %dma_wait3A_21 = arith.constant 0 : i32
        %dma_wait3A_22 = arith.constant 0 : i32
        %dma_wait3A_23 = tpu.memref_slice %arg6[%dma_wait3A_21, %dma_wait3A_22] : memref<624x128xf32, #tpu.memory_space<hbm>> -> memref<16x128xf32, #tpu.memory_space<hbm>>
        tpu.wait_dma2 semaphore(%run_scoped3A : memref<!tpu.dma_semaphore, #tpu.memory_space<semaphore_mem>>) src(%dma_wait3A_23 : memref<16x128xf32, #tpu.memory_space<hbm>>) dst(%dma_wait3A_20 : memref<16x128xf32, #tpu.memory_space<vmem_shared>>)
        tpu.yield
      }) : () -> ()
    } else {
    }
    %barrier3A = arith.constant 0 : index
    tpu.barrier barrier_id(%barrier3A)
    %scan3A = arith.constant 0 : i32
    %scan3A_3 = arith.constant 0 : i32
    %scan3A_4 = arith.constant 250 : i32
    %scan3A_5 = arith.addi %scan3A_3, %scan3A_4 : i32
    %scan3A_6 = arith.constant 1 : i32
    scf.for %scan3A_14 = %scan3A_3 to %scan3A_5 step %scan3A_6  : i32 {
      %mul3A_15 = arith.constant 20000 : i32
      %mul3A_16 = arith.muli %arg1, %mul3A_15 : i32
      %mul3A_17 = arith.constant 80 : i32
      %mul3A_18 = arith.muli %scan3A_14, %mul3A_17 : i32
      %add3A = arith.addi %mul3A_16, %mul3A_18 : i32
      "tpu.region"() ({
        %run_scoped3A = tpu.sem_alloc : memref<!tpu.dma_semaphore, #tpu.memory_space<semaphore_mem>>
        %dma_start3A_41 = tpu.memref_slice %arg2[%add3A] : memref<320000xi32, #tpu.memory_space<hbm>> -> memref<80xi32, #tpu.memory_space<hbm>>
        %dma_start3A_42 = tpu.memref_slice %arg2[%add3A] : memref<320000xi32, #tpu.memory_space<hbm>> -> memref<80xi32, #tpu.memory_space<hbm>>
        tpu.enqueue_dma source(%dma_start3A_42 : memref<80xi32, #tpu.memory_space<hbm>>) target(%arg8 : memref<80xi32, #tpu.memory_space<vmem>>) target_semaphore(%run_scoped3A : memref<!tpu.dma_semaphore, #tpu.memory_space<semaphore_mem>>)
        %dma_wait3A_43 = tpu.memref_slice %arg2[%add3A] : memref<320000xi32, #tpu.memory_space<hbm>> -> memref<80xi32, #tpu.memory_space<hbm>>
        %dma_wait3A_44 = tpu.memref_slice %arg2[%add3A] : memref<320000xi32, #tpu.memory_space<hbm>> -> memref<80xi32, #tpu.memory_space<hbm>>
        tpu.wait_dma2 semaphore(%run_scoped3A : memref<!tpu.dma_semaphore, #tpu.memory_space<semaphore_mem>>) src(%dma_wait3A_44 : memref<80xi32, #tpu.memory_space<hbm>>) dst(%arg8 : memref<80xi32, #tpu.memory_space<vmem>>)
        tpu.yield
      }) : () -> ()
      "tpu.region"() ({
        %run_scoped3A = tpu.sem_alloc : memref<!tpu.dma_semaphore, #tpu.memory_space<semaphore_mem>>
        %dma_start3A_41 = tpu.memref_slice %arg3[%add3A] : memref<320000xi32, #tpu.memory_space<hbm>> -> memref<80xi32, #tpu.memory_space<hbm>>
        %dma_start3A_42 = tpu.memref_slice %arg3[%add3A] : memref<320000xi32, #tpu.memory_space<hbm>> -> memref<80xi32, #tpu.memory_space<hbm>>
        tpu.enqueue_dma source(%dma_start3A_42 : memref<80xi32, #tpu.memory_space<hbm>>) target(%arg9 : memref<80xi32, #tpu.memory_space<vmem>>) target_semaphore(%run_scoped3A : memref<!tpu.dma_semaphore, #tpu.memory_space<semaphore_mem>>)
        %dma_wait3A_43 = tpu.memref_slice %arg3[%add3A] : memref<320000xi32, #tpu.memory_space<hbm>> -> memref<80xi32, #tpu.memory_space<hbm>>
        %dma_wait3A_44 = tpu.memref_slice %arg3[%add3A] : memref<320000xi32, #tpu.memory_space<hbm>> -> memref<80xi32, #tpu.memory_space<hbm>>
        tpu.wait_dma2 semaphore(%run_scoped3A : memref<!tpu.dma_semaphore, #tpu.memory_space<semaphore_mem>>) src(%dma_wait3A_44 : memref<80xi32, #tpu.memory_space<hbm>>) dst(%arg9 : memref<80xi32, #tpu.memory_space<vmem>>)
        tpu.yield
      }) : () -> ()
      %scan3A_19 = arith.constant 0 : i32
      %scan3A_20 = arith.constant 0 : i32
      %scan3A_21 = arith.constant 5 : i32
      %scan3A_22 = arith.addi %scan3A_20, %scan3A_21 : i32
      %scan3A_23 = arith.constant 1 : i32
      scf.for %scan3A_41 = %scan3A_20 to %scan3A_22 step %scan3A_23  : i32 {
        %mul3A_42 = arith.constant 16 : i32
        %mul3A_43 = arith.muli %scan3A_41, %mul3A_42 : i32
        %get3A = arith.index_cast %mul3A_43 : i32 to index
        %get3A_44 = tpu.vector_load %arg8[%get3A] {strides = array<i32>} : memref<80xi32, #tpu.memory_space<vmem>>, vector<16xi32>,
        %get3A_45 = vector.shape_cast %get3A_44 : vector<16xi32> to vector<16xi32>
        %mul3A_46 = arith.constant 2 : i32
        %mul3A_47 = vector.broadcast %mul3A_46 : i32 to vector<16xi32>
        %mul3A_48 = arith.muli %get3A_45, %mul3A_47 : vector<16xi32>
        %add3A_49 = vector.broadcast %arg0 : i32 to vector<16xi32>
        %add3A_50 = arith.addi %mul3A_48, %add3A_49 : vector<16xi32>
        %swap3A = arith.index_cast %mul3A_43 : i32 to index
        %swap3A_51 = tpu.vector_load %arg8[%swap3A] {strides = array<i32>} : memref<80xi32, #tpu.memory_space<vmem>>, vector<16xi32>,
        %swap3A_52 = vector.shape_cast %swap3A_51 : vector<16xi32> to vector<16xi32>
        %swap3A_53 = vector.shape_cast %add3A_50 : vector<16xi32> to vector<16xi32>
        tpu.vector_store %arg8[%swap3A], %swap3A_53 {strides = array<i32>} : memref<80xi32, #tpu.memory_space<vmem>>, vector<16xi32>,
      }
      %scan3A_24 = arith.constant 5 : i32
      "tpu.region"() ({
        %run_scoped3A = tpu.sem_alloc : memref<!tpu.dma_semaphore, #tpu.memory_space<semaphore_mem>>
        %dma_start3A_41 = arith.constant 0 : i32
        %dma_start3A_42 = tpu.memref_slice %arg5[%arg0, %add3A, %dma_start3A_41] : memref<2x320000x128xf32, #tpu.memory_space<hbm>> -> memref<1x80x128xf32, #tpu.memory_space<hbm>>
        %dma_start3A_43 = tpu.memref_squeeze %dma_start3A_42 : memref<1x80x128xf32, #tpu.memory_space<hbm>> -> memref<80x128xf32, #tpu.memory_space<hbm>>
        %dma_start3A_44 = arith.constant 0 : i32
        %dma_start3A_45 = tpu.memref_slice %arg5[%arg0, %add3A, %dma_start3A_44] : memref<2x320000x128xf32, #tpu.memory_space<hbm>> -> memref<1x80x128xf32, #tpu.memory_space<hbm>>
        %dma_start3A_46 = tpu.memref_squeeze %dma_start3A_45 : memref<1x80x128xf32, #tpu.memory_space<hbm>> -> memref<80x128xf32, #tpu.memory_space<hbm>>
        tpu.enqueue_dma source(%dma_start3A_46 : memref<80x128xf32, #tpu.memory_space<hbm>>) target(%arg10 : memref<80x128xf32, #tpu.memory_space<vmem>>) target_semaphore(%run_scoped3A : memref<!tpu.dma_semaphore, #tpu.memory_space<semaphore_mem>>)
        %dma_wait3A_47 = arith.constant 0 : i32
        %dma_wait3A_48 = tpu.memref_slice %arg5[%arg0, %add3A, %dma_wait3A_47] : memref<2x320000x128xf32, #tpu.memory_space<hbm>> -> memref<1x80x128xf32, #tpu.memory_space<hbm>>
        %dma_wait3A_49 = tpu.memref_squeeze %dma_wait3A_48 : memref<1x80x128xf32, #tpu.memory_space<hbm>> -> memref<80x128xf32, #tpu.memory_space<hbm>>
        %dma_wait3A_50 = arith.constant 0 : i32
        %dma_wait3A_51 = tpu.memref_slice %arg5[%arg0, %add3A, %dma_wait3A_50] : memref<2x320000x128xf32, #tpu.memory_space<hbm>> -> memref<1x80x128xf32, #tpu.memory_space<hbm>>
        %dma_wait3A_52 = tpu.memref_squeeze %dma_wait3A_51 : memref<1x80x128xf32, #tpu.memory_space<hbm>> -> memref<80x128xf32, #tpu.memory_space<hbm>>
        tpu.wait_dma2 semaphore(%run_scoped3A : memref<!tpu.dma_semaphore, #tpu.memory_space<semaphore_mem>>) src(%dma_wait3A_52 : memref<80x128xf32, #tpu.memory_space<hbm>>) dst(%arg10 : memref<80x128xf32, #tpu.memory_space<vmem>>)
        tpu.yield
      }) : () -> ()
      %dma_start3A = arith.constant 0 : i32
      %dma_start3A_25 = arith.constant 0 : i32
      %dma_start3A_26 = tpu.memref_slice %arg4[%dma_start3A, %dma_start3A_25] : memref<20000x128xf32, #tpu.memory_space<hbm>> -> memref<20000x128xf32, #tpu.memory_space<hbm>>
      tpu.enqueue_indirect_dma source(%dma_start3A_26 : memref<20000x128xf32, #tpu.memory_space<hbm>>) target(%arg11 : memref<80x128xf32, #tpu.memory_space<vmem>>) offsets(%arg8 : memref<80xi32, #tpu.memory_space<vmem>>) semaphore(%arg13 : memref<!tpu.dma_semaphore, #tpu.memory_space<semaphore_mem>>)
      %dma_wait3A = arith.constant 0 : i32
      %dma_wait3A_27 = arith.constant 0 : i32
      %dma_wait3A_28 = tpu.memref_slice %arg4[%dma_wait3A, %dma_wait3A_27] : memref<20000x128xf32, #tpu.memory_space<hbm>> -> memref<20000x128xf32, #tpu.memory_space<hbm>>
      tpu.wait_indirect_dma semaphore(%arg13 : memref<!tpu.dma_semaphore, #tpu.memory_space<semaphore_mem>>) src(%dma_wait3A_28 : memref<20000x128xf32, #tpu.memory_space<hbm>>) dst(%arg11 : memref<80x128xf32, #tpu.memory_space<vmem>>)
      %scan3A_29 = arith.constant 0 : i32
      %scan3A_30 = arith.constant 0 : i32
      %scan3A_31 = arith.constant 80 : i32
      %scan3A_32 = arith.addi %scan3A_30, %scan3A_31 : i32
      %scan3A_33 = arith.constant 1 : i32
      scf.for %scan3A_41 = %scan3A_30 to %scan3A_32 step %scan3A_33  : i32 {
        %get3A = arith.index_cast %scan3A_41 : i32 to index
        %get3A_42 = arith.constant 0 : index
        %get3A_43 = tpu.vector_load %arg10[%get3A, %get3A_42] {strides = array<i32>} : memref<80x128xf32, #tpu.memory_space<vmem>>, vector<1x16xf32>,
        %get3A_44 = vector.shape_cast %get3A_43 : vector<1x16xf32> to vector<16xf32>
        %get3A_45 = arith.index_cast %scan3A_41 : i32 to index
        %get3A_46 = arith.constant 0 : index
        %get3A_47 = tpu.vector_load %arg11[%get3A_45, %get3A_46] {strides = array<i32>} : memref<80x128xf32, #tpu.memory_space<vmem>>, vector<1x16xf32>,
        %get3A_48 = vector.shape_cast %get3A_47 : vector<1x16xf32> to vector<16xf32>
        %add3A_49 = arith.addf %get3A_44, %get3A_48 : vector<16xf32>
        %max3A = arith.constant 0.000000e+00 : f32
        %max3A_50 = vector.broadcast %max3A : f32 to vector<16xf32>
        %max3A_51 = arith.maximumf %add3A_49, %max3A_50 : vector<16xf32>
        %swap3A = arith.index_cast %scan3A_41 : i32 to index
        %swap3A_52 = arith.constant 0 : index
        %swap3A_53 = tpu.vector_load %arg10[%swap3A, %swap3A_52] {strides = array<i32>} : memref<80x128xf32, #tpu.memory_space<vmem>>, vector<1x16xf32>,
        %swap3A_54 = vector.shape_cast %swap3A_53 : vector<1x16xf32> to vector<16xf32>
        %swap3A_55 = vector.shape_cast %max3A_51 : vector<16xf32> to vector<1x16xf32>
        tpu.vector_store %arg10[%swap3A, %swap3A_52], %swap3A_55 {strides = array<i32>} : memref<80x128xf32, #tpu.memory_space<vmem>>, vector<1x16xf32>,
        %get3A_56 = arith.index_cast %scan3A_41 : i32 to index
        %get3A_57 = arith.constant 16 : index
        %get3A_58 = tpu.vector_load %arg10[%get3A_56, %get3A_57] {strides = array<i32>} : memref<80x128xf32, #tpu.memory_space<vmem>>, vector<1x16xf32>,
        %get3A_59 = vector.shape_cast %get3A_58 : vector<1x16xf32> to vector<16xf32>
        %get3A_60 = arith.index_cast %scan3A_41 : i32 to index
        %get3A_61 = arith.constant 16 : index
        %get3A_62 = tpu.vector_load %arg11[%get3A_60, %get3A_61] {strides = array<i32>} : memref<80x128xf32, #tpu.memory_space<vmem>>, vector<1x16xf32>,
        %get3A_63 = vector.shape_cast %get3A_62 : vector<1x16xf32> to vector<16xf32>
        %add3A_64 = arith.addf %get3A_59, %get3A_63 : vector<16xf32>
        %max3A_65 = arith.constant 0.000000e+00 : f32
        %max3A_66 = vector.broadcast %max3A_65 : f32 to vector<16xf32>
        %max3A_67 = arith.maximumf %add3A_64, %max3A_66 : vector<16xf32>
        %swap3A_68 = arith.index_cast %scan3A_41 : i32 to index
        %swap3A_69 = arith.constant 16 : index
        %swap3A_70 = tpu.vector_load %arg10[%swap3A_68, %swap3A_69] {strides = array<i32>} : memref<80x128xf32, #tpu.memory_space<vmem>>, vector<1x16xf32>,
        %swap3A_71 = vector.shape_cast %swap3A_70 : vector<1x16xf32> to vector<16xf32>
        %swap3A_72 = vector.shape_cast %max3A_67 : vector<16xf32> to vector<1x16xf32>
        tpu.vector_store %arg10[%swap3A_68, %swap3A_69], %swap3A_72 {strides = array<i32>} : memref<80x128xf32, #tpu.memory_space<vmem>>, vector<1x16xf32>,
        %get3A_73 = arith.index_cast %scan3A_41 : i32 to index
        %get3A_74 = arith.constant 32 : index
        %get3A_75 = tpu.vector_load %arg10[%get3A_73, %get3A_74] {strides = array<i32>} : memref<80x128xf32, #tpu.memory_space<vmem>>, vector<1x16xf32>,
        %get3A_76 = vector.shape_cast %get3A_75 : vector<1x16xf32> to vector<16xf32>
        %get3A_77 = arith.index_cast %scan3A_41 : i32 to index
        %get3A_78 = arith.constant 32 : index
        %get3A_79 = tpu.vector_load %arg11[%get3A_77, %get3A_78] {strides = array<i32>} : memref<80x128xf32, #tpu.memory_space<vmem>>, vector<1x16xf32>,
        %get3A_80 = vector.shape_cast %get3A_79 : vector<1x16xf32> to vector<16xf32>
        %add3A_81 = arith.addf %get3A_76, %get3A_80 : vector<16xf32>
        %max3A_82 = arith.constant 0.000000e+00 : f32
        %max3A_83 = vector.broadcast %max3A_82 : f32 to vector<16xf32>
        %max3A_84 = arith.maximumf %add3A_81, %max3A_83 : vector<16xf32>
        %swap3A_85 = arith.index_cast %scan3A_41 : i32 to index
        %swap3A_86 = arith.constant 32 : index
        %swap3A_87 = tpu.vector_load %arg10[%swap3A_85, %swap3A_86] {strides = array<i32>} : memref<80x128xf32, #tpu.memory_space<vmem>>, vector<1x16xf32>,
        %swap3A_88 = vector.shape_cast %swap3A_87 : vector<1x16xf32> to vector<16xf32>
        %swap3A_89 = vector.shape_cast %max3A_84 : vector<16xf32> to vector<1x16xf32>
        tpu.vector_store %arg10[%swap3A_85, %swap3A_86], %swap3A_89 {strides = array<i32>} : memref<80x128xf32, #tpu.memory_space<vmem>>, vector<1x16xf32>,
        %get3A_90 = arith.index_cast %scan3A_41 : i32 to index
        %get3A_91 = arith.constant 48 : index
        %get3A_92 = tpu.vector_load %arg10[%get3A_90, %get3A_91] {strides = array<i32>} : memref<80x128xf32, #tpu.memory_space<vmem>>, vector<1x16xf32>,
        %get3A_93 = vector.shape_cast %get3A_92 : vector<1x16xf32> to vector<16xf32>
        %get3A_94 = arith.index_cast %scan3A_41 : i32 to index
        %get3A_95 = arith.constant 48 : index
        %get3A_96 = tpu.vector_load %arg11[%get3A_94, %get3A_95] {strides = array<i32>} : memref<80x128xf32, #tpu.memory_space<vmem>>, vector<1x16xf32>,
        %get3A_97 = vector.shape_cast %get3A_96 : vector<1x16xf32> to vector<16xf32>
        %add3A_98 = arith.addf %get3A_93, %get3A_97 : vector<16xf32>
        %max3A_99 = arith.constant 0.000000e+00 : f32
        %max3A_100 = vector.broadcast %max3A_99 : f32 to vector<16xf32>
        %max3A_101 = arith.maximumf %add3A_98, %max3A_100 : vector<16xf32>
        %swap3A_102 = arith.index_cast %scan3A_41 : i32 to index
        %swap3A_103 = arith.constant 48 : index
        %swap3A_104 = tpu.vector_load %arg10[%swap3A_102, %swap3A_103] {strides = array<i32>} : memref<80x128xf32, #tpu.memory_space<vmem>>, vector<1x16xf32>,
        %swap3A_105 = vector.shape_cast %swap3A_104 : vector<1x16xf32> to vector<16xf32>
        %swap3A_106 = vector.shape_cast %max3A_101 : vector<16xf32> to vector<1x16xf32>
        tpu.vector_store %arg10[%swap3A_102, %swap3A_103], %swap3A_106 {strides = array<i32>} : memref<80x128xf32, #tpu.memory_space<vmem>>, vector<1x16xf32>,
        %get3A_107 = arith.index_cast %scan3A_41 : i32 to index
        %get3A_108 = arith.constant 64 : index
        %get3A_109 = tpu.vector_load %arg10[%get3A_107, %get3A_108] {strides = array<i32>} : memref<80x128xf32, #tpu.memory_space<vmem>>, vector<1x16xf32>,
        %get3A_110 = vector.shape_cast %get3A_109 : vector<1x16xf32> to vector<16xf32>
        %get3A_111 = arith.index_cast %scan3A_41 : i32 to index
        %get3A_112 = arith.constant 64 : index
        %get3A_113 = tpu.vector_load %arg11[%get3A_111, %get3A_112] {strides = array<i32>} : memref<80x128xf32, #tpu.memory_space<vmem>>, vector<1x16xf32>,
        %get3A_114 = vector.shape_cast %get3A_113 : vector<1x16xf32> to vector<16xf32>
        %add3A_115 = arith.addf %get3A_110, %get3A_114 : vector<16xf32>
        %max3A_116 = arith.constant 0.000000e+00 : f32
        %max3A_117 = vector.broadcast %max3A_116 : f32 to vector<16xf32>
        %max3A_118 = arith.maximumf %add3A_115, %max3A_117 : vector<16xf32>
        %swap3A_119 = arith.index_cast %scan3A_41 : i32 to index
        %swap3A_120 = arith.constant 64 : index
        %swap3A_121 = tpu.vector_load %arg10[%swap3A_119, %swap3A_120] {strides = array<i32>} : memref<80x128xf32, #tpu.memory_space<vmem>>, vector<1x16xf32>,
        %swap3A_122 = vector.shape_cast %swap3A_121 : vector<1x16xf32> to vector<16xf32>
        %swap3A_123 = vector.shape_cast %max3A_118 : vector<16xf32> to vector<1x16xf32>
        tpu.vector_store %arg10[%swap3A_119, %swap3A_120], %swap3A_123 {strides = array<i32>} : memref<80x128xf32, #tpu.memory_space<vmem>>, vector<1x16xf32>,
        %get3A_124 = arith.index_cast %scan3A_41 : i32 to index
        %get3A_125 = arith.constant 80 : index
        %get3A_126 = tpu.vector_load %arg10[%get3A_124, %get3A_125] {strides = array<i32>} : memref<80x128xf32, #tpu.memory_space<vmem>>, vector<1x16xf32>,
        %get3A_127 = vector.shape_cast %get3A_126 : vector<1x16xf32> to vector<16xf32>
        %get3A_128 = arith.index_cast %scan3A_41 : i32 to index
        %get3A_129 = arith.constant 80 : index
        %get3A_130 = tpu.vector_load %arg11[%get3A_128, %get3A_129] {strides = array<i32>} : memref<80x128xf32, #tpu.memory_space<vmem>>, vector<1x16xf32>,
        %get3A_131 = vector.shape_cast %get3A_130 : vector<1x16xf32> to vector<16xf32>
        %add3A_132 = arith.addf %get3A_127, %get3A_131 : vector<16xf32>
        %max3A_133 = arith.constant 0.000000e+00 : f32
        %max3A_134 = vector.broadcast %max3A_133 : f32 to vector<16xf32>
        %max3A_135 = arith.maximumf %add3A_132, %max3A_134 : vector<16xf32>
        %swap3A_136 = arith.index_cast %scan3A_41 : i32 to index
        %swap3A_137 = arith.constant 80 : index
        %swap3A_138 = tpu.vector_load %arg10[%swap3A_136, %swap3A_137] {strides = array<i32>} : memref<80x128xf32, #tpu.memory_space<vmem>>, vector<1x16xf32>,
        %swap3A_139 = vector.shape_cast %swap3A_138 : vector<1x16xf32> to vector<16xf32>
        %swap3A_140 = vector.shape_cast %max3A_135 : vector<16xf32> to vector<1x16xf32>
        tpu.vector_store %arg10[%swap3A_136, %swap3A_137], %swap3A_140 {strides = array<i32>} : memref<80x128xf32, #tpu.memory_space<vmem>>, vector<1x16xf32>,
        %get3A_141 = arith.index_cast %scan3A_41 : i32 to index
        %get3A_142 = arith.constant 96 : index
        %get3A_143 = tpu.vector_load %arg10[%get3A_141, %get3A_142] {strides = array<i32>} : memref<80x128xf32, #tpu.memory_space<vmem>>, vector<1x16xf32>,
        %get3A_144 = vector.shape_cast %get3A_143 : vector<1x16xf32> to vector<16xf32>
        %get3A_145 = arith.index_cast %scan3A_41 : i32 to index
        %get3A_146 = arith.constant 96 : index
        %get3A_147 = tpu.vector_load %arg11[%get3A_145, %get3A_146] {strides = array<i32>} : memref<80x128xf32, #tpu.memory_space<vmem>>, vector<1x16xf32>,
        %get3A_148 = vector.shape_cast %get3A_147 : vector<1x16xf32> to vector<16xf32>
        %add3A_149 = arith.addf %get3A_144, %get3A_148 : vector<16xf32>
        %max3A_150 = arith.constant 0.000000e+00 : f32
        %max3A_151 = vector.broadcast %max3A_150 : f32 to vector<16xf32>
        %max3A_152 = arith.maximumf %add3A_149, %max3A_151 : vector<16xf32>
        %swap3A_153 = arith.index_cast %scan3A_41 : i32 to index
        %swap3A_154 = arith.constant 96 : index
        %swap3A_155 = tpu.vector_load %arg10[%swap3A_153, %swap3A_154] {strides = array<i32>} : memref<80x128xf32, #tpu.memory_space<vmem>>, vector<1x16xf32>,
        %swap3A_156 = vector.shape_cast %swap3A_155 : vector<1x16xf32> to vector<16xf32>
        %swap3A_157 = vector.shape_cast %max3A_152 : vector<16xf32> to vector<1x16xf32>
        tpu.vector_store %arg10[%swap3A_153, %swap3A_154], %swap3A_157 {strides = array<i32>} : memref<80x128xf32, #tpu.memory_space<vmem>>, vector<1x16xf32>,
        %get3A_158 = arith.index_cast %scan3A_41 : i32 to index
        %get3A_159 = arith.constant 112 : index
        %get3A_160 = tpu.vector_load %arg10[%get3A_158, %get3A_159] {strides = array<i32>} : memref<80x128xf32, #tpu.memory_space<vmem>>, vector<1x16xf32>,
        %get3A_161 = vector.shape_cast %get3A_160 : vector<1x16xf32> to vector<16xf32>
        %get3A_162 = arith.index_cast %scan3A_41 : i32 to index
        %get3A_163 = arith.constant 112 : index
        %get3A_164 = tpu.vector_load %arg11[%get3A_162, %get3A_163] {strides = array<i32>} : memref<80x128xf32, #tpu.memory_space<vmem>>, vector<1x16xf32>,
        %get3A_165 = vector.shape_cast %get3A_164 : vector<1x16xf32> to vector<16xf32>
        %add3A_166 = arith.addf %get3A_161, %get3A_165 : vector<16xf32>
        %max3A_167 = arith.constant 0.000000e+00 : f32
        %max3A_168 = vector.broadcast %max3A_167 : f32 to vector<16xf32>
        %max3A_169 = arith.maximumf %add3A_166, %max3A_168 : vector<16xf32>
        %swap3A_170 = arith.index_cast %scan3A_41 : i32 to index
        %swap3A_171 = arith.constant 112 : index
        %swap3A_172 = tpu.vector_load %arg10[%swap3A_170, %swap3A_171] {strides = array<i32>} : memref<80x128xf32, #tpu.memory_space<vmem>>, vector<1x16xf32>,
        %swap3A_173 = vector.shape_cast %swap3A_172 : vector<1x16xf32> to vector<16xf32>
        %swap3A_174 = vector.shape_cast %max3A_169 : vector<16xf32> to vector<1x16xf32>
        tpu.vector_store %arg10[%swap3A_170, %swap3A_171], %swap3A_174 {strides = array<i32>} : memref<80x128xf32, #tpu.memory_space<vmem>>, vector<1x16xf32>,
      }
      %scan3A_34 = arith.constant 80 : i32
      %dma_start3A_35 = arith.constant 0 : i32
      %dma_start3A_36 = arith.constant 0 : i32
      %dma_start3A_37 = tpu.memref_slice %arg12[%dma_start3A_35, %dma_start3A_36] : memref<10000x128xf32, #tpu.memory_space<vmem_shared>> -> memref<10000x128xf32, #tpu.memory_space<vmem_shared>>
      tpu.enqueue_indirect_dma source(%arg10 : memref<80x128xf32, #tpu.memory_space<vmem>>) target(%dma_start3A_37 : memref<10000x128xf32, #tpu.memory_space<vmem_shared>>) offsets(%arg9 : memref<80xi32, #tpu.memory_space<vmem>>) semaphore(%arg13 : memref<!tpu.dma_semaphore, #tpu.memory_space<semaphore_mem>>) {add = true}
      %dma_wait3A_38 = arith.constant 0 : i32
      %dma_wait3A_39 = arith.constant 0 : i32
      %dma_wait3A_40 = tpu.memref_slice %arg12[%dma_wait3A_38, %dma_wait3A_39] : memref<10000x128xf32, #tpu.memory_space<vmem_shared>> -> memref<10000x128xf32, #tpu.memory_space<vmem_shared>>
      tpu.wait_indirect_dma semaphore(%arg13 : memref<!tpu.dma_semaphore, #tpu.memory_space<semaphore_mem>>) src(%arg10 : memref<80x128xf32, #tpu.memory_space<vmem>>) dst(%dma_wait3A_40 : memref<10000x128xf32, #tpu.memory_space<vmem_shared>>)
    }
    %scan3A_7 = arith.constant 250 : i32
    %barrier3A_8 = arith.constant 0 : index
    tpu.barrier barrier_id(%barrier3A_8)
    "tpu.region"() ({
      %run_scoped3A = tpu.sem_alloc : memref<!tpu.dma_semaphore, #tpu.memory_space<semaphore_mem>>
      %dma_start3A = arith.constant 0 : i32
      %dma_start3A_14 = tpu.memref_slice %arg7[%arg0, %mul3A_0, %dma_start3A] : memref<2x10000x128xf32, #tpu.memory_space<hbm>> -> memref<1x624x128xf32, #tpu.memory_space<hbm>>
      %dma_start3A_15 = tpu.memref_squeeze %dma_start3A_14 : memref<1x624x128xf32, #tpu.memory_space<hbm>> -> memref<624x128xf32, #tpu.memory_space<hbm>>
      %dma_start3A_16 = arith.constant 0 : i32
      %dma_start3A_17 = tpu.memref_slice %arg12[%mul3A_0, %dma_start3A_16] : memref<10000x128xf32, #tpu.memory_space<vmem_shared>> -> memref<624x128xf32, #tpu.memory_space<vmem_shared>>
      tpu.enqueue_dma source(%dma_start3A_17 : memref<624x128xf32, #tpu.memory_space<vmem_shared>>) target(%dma_start3A_15 : memref<624x128xf32, #tpu.memory_space<hbm>>) target_semaphore(%run_scoped3A : memref<!tpu.dma_semaphore, #tpu.memory_space<semaphore_mem>>)
      %dma_wait3A = arith.constant 0 : i32
      %dma_wait3A_18 = tpu.memref_slice %arg7[%arg0, %mul3A_0, %dma_wait3A] : memref<2x10000x128xf32, #tpu.memory_space<hbm>> -> memref<1x624x128xf32, #tpu.memory_space<hbm>>
      %dma_wait3A_19 = tpu.memref_squeeze %dma_wait3A_18 : memref<1x624x128xf32, #tpu.memory_space<hbm>> -> memref<624x128xf32, #tpu.memory_space<hbm>>
      %dma_wait3A_20 = arith.constant 0 : i32
      %dma_wait3A_21 = tpu.memref_slice %arg12[%mul3A_0, %dma_wait3A_20] : memref<10000x128xf32, #tpu.memory_space<vmem_shared>> -> memref<624x128xf32, #tpu.memory_space<vmem_shared>>
      tpu.wait_dma2 semaphore(%run_scoped3A : memref<!tpu.dma_semaphore, #tpu.memory_space<semaphore_mem>>) src(%dma_wait3A_21 : memref<624x128xf32, #tpu.memory_space<vmem_shared>>) dst(%dma_wait3A_19 : memref<624x128xf32, #tpu.memory_space<hbm>>)
      tpu.yield
    }) : () -> ()
    %eq3A_9 = arith.constant 15 : i32
    %eq3A_10 = arith.cmpi eq, %arg1, %eq3A_9 : i32
    %convert_element_type3A_11 = arith.extui %eq3A_10 : i1 to i32
    %cond3A_12 = arith.constant 0 : i32
    %cond3A_13 = arith.cmpi ne, %convert_element_type3A_11, %cond3A_12 : i32
    scf.if %cond3A_13 {
      "tpu.region"() ({
        %run_scoped3A = tpu.sem_alloc : memref<!tpu.dma_semaphore, #tpu.memory_space<semaphore_mem>>
        %dma_start3A = arith.constant 9984 : i32
        %dma_start3A_14 = arith.constant 0 : i32
        %dma_start3A_15 = tpu.memref_slice %arg7[%arg0, %dma_start3A, %dma_start3A_14] : memref<2x10000x128xf32, #tpu.memory_space<hbm>> -> memref<1x16x128xf32, #tpu.memory_space<hbm>>
        %dma_start3A_16 = tpu.memref_squeeze %dma_start3A_15 : memref<1x16x128xf32, #tpu.memory_space<hbm>> -> memref<16x128xf32, #tpu.memory_space<hbm>>
        %dma_start3A_17 = arith.constant 9984 : i32
        %dma_start3A_18 = arith.constant 0 : i32
        %dma_start3A_19 = tpu.memref_slice %arg12[%dma_start3A_17, %dma_start3A_18] : memref<10000x128xf32, #tpu.memory_space<vmem_shared>> -> memref<16x128xf32, #tpu.memory_space<vmem_shared>>
        tpu.enqueue_dma source(%dma_start3A_19 : memref<16x128xf32, #tpu.memory_space<vmem_shared>>) target(%dma_start3A_16 : memref<16x128xf32, #tpu.memory_space<hbm>>) target_semaphore(%run_scoped3A : memref<!tpu.dma_semaphore, #tpu.memory_space<semaphore_mem>>)
        %dma_wait3A = arith.constant 9984 : i32
        %dma_wait3A_20 = arith.constant 0 : i32
        %dma_wait3A_21 = tpu.memref_slice %arg7[%arg0, %dma_wait3A, %dma_wait3A_20] : memref<2x10000x128xf32, #tpu.memory_space<hbm>> -> memref<1x16x128xf32, #tpu.memory_space<hbm>>
        %dma_wait3A_22 = tpu.memref_squeeze %dma_wait3A_21 : memref<1x16x128xf32, #tpu.memory_space<hbm>> -> memref<16x128xf32, #tpu.memory_space<hbm>>
        %dma_wait3A_23 = arith.constant 9984 : i32
        %dma_wait3A_24 = arith.constant 0 : i32
        %dma_wait3A_25 = tpu.memref_slice %arg12[%dma_wait3A_23, %dma_wait3A_24] : memref<10000x128xf32, #tpu.memory_space<vmem_shared>> -> memref<16x128xf32, #tpu.memory_space<vmem_shared>>
        tpu.wait_dma2 semaphore(%run_scoped3A : memref<!tpu.dma_semaphore, #tpu.memory_space<semaphore_mem>>) src(%dma_wait3A_25 : memref<16x128xf32, #tpu.memory_space<vmem_shared>>) dst(%dma_wait3A_22 : memref<16x128xf32, #tpu.memory_space<hbm>>)
        tpu.yield
      }) : () -> ()
    } else {
    }
    return
  }
}

#map = affine_map<(d0, d1) -> (0)>
#map1 = affine_map<(d0, d1) -> (0, 0)>
#map2 = affine_map<(d0, d1) -> (0, 0, 0)>
module attributes {stable_mosaic.version = 14 : i64} {
  func.func @_cnt_body(%arg0: i32, %arg1: i32, %arg2: memref<320000xi32, #tpu.memory_space<hbm>>, %arg3: memref<80x128xf32, #tpu.memory_space<hbm>>, %arg4: memref<624x128xf32, #tpu.memory_space<hbm>>, %arg5: memref<2x10000x128xf32, #tpu.memory_space<hbm>>, %arg6: memref<80xi32, #tpu.memory_space<vmem>>, %arg7: memref<80x128xf32, #tpu.memory_space<vmem>>, %arg8: memref<10000x128xf32, #tpu.memory_space<vmem_shared>>, %arg9: memref<!tpu.dma_semaphore, #tpu.memory_space<semaphore_mem>>) attributes {dimension_semantics = [#tpu.dimension_semantics<core_parallel>, #tpu.dimension_semantics<subcore_parallel>], iteration_bounds = array<i64: 2, 16>, scalar_prefetch = 0 : i64, scratch_operands = 4 : i64, tpu.core_type = #tpu.core_type<sc_vector_subcore>, window_params = [{transform_indices = #map}, {transform_indices = #map1}, {transform_indices = #map1}, {transform_indices = #map2}]} {
    %mul3A = arith.constant 624 : i32
    %mul3A_0 = arith.muli %arg1, %mul3A : i32
    "tpu.region"() ({
      %run_scoped3A = tpu.sem_alloc : memref<!tpu.dma_semaphore, #tpu.memory_space<semaphore_mem>>
      %dma_start3A = arith.constant 0 : i32
      %dma_start3A_14 = tpu.memref_slice %arg8[%mul3A_0, %dma_start3A] : memref<10000x128xf32, #tpu.memory_space<vmem_shared>> -> memref<624x128xf32, #tpu.memory_space<vmem_shared>>
      tpu.enqueue_dma source(%arg4 : memref<624x128xf32, #tpu.memory_space<hbm>>) target(%dma_start3A_14 : memref<624x128xf32, #tpu.memory_space<vmem_shared>>) target_semaphore(%run_scoped3A : memref<!tpu.dma_semaphore, #tpu.memory_space<semaphore_mem>>)
      %dma_wait3A = arith.constant 0 : i32
      %dma_wait3A_15 = tpu.memref_slice %arg8[%mul3A_0, %dma_wait3A] : memref<10000x128xf32, #tpu.memory_space<vmem_shared>> -> memref<624x128xf32, #tpu.memory_space<vmem_shared>>
      tpu.wait_dma2 semaphore(%run_scoped3A : memref<!tpu.dma_semaphore, #tpu.memory_space<semaphore_mem>>) src(%arg4 : memref<624x128xf32, #tpu.memory_space<hbm>>) dst(%dma_wait3A_15 : memref<624x128xf32, #tpu.memory_space<vmem_shared>>)
      tpu.yield
    }) : () -> ()
    %eq3A = arith.constant 15 : i32
    %eq3A_1 = arith.cmpi eq, %arg1, %eq3A : i32
    %convert_element_type3A = arith.extui %eq3A_1 : i1 to i32
    %cond3A = arith.constant 0 : i32
    %cond3A_2 = arith.cmpi ne, %convert_element_type3A, %cond3A : i32
    scf.if %cond3A_2 {
      "tpu.region"() ({
        %run_scoped3A = tpu.sem_alloc : memref<!tpu.dma_semaphore, #tpu.memory_space<semaphore_mem>>
        %dma_start3A = arith.constant 9984 : i32
        %dma_start3A_14 = arith.constant 0 : i32
        %dma_start3A_15 = tpu.memref_slice %arg8[%dma_start3A, %dma_start3A_14] : memref<10000x128xf32, #tpu.memory_space<vmem_shared>> -> memref<16x128xf32, #tpu.memory_space<vmem_shared>>
        %dma_start3A_16 = arith.constant 0 : i32
        %dma_start3A_17 = arith.constant 0 : i32
        %dma_start3A_18 = tpu.memref_slice %arg4[%dma_start3A_16, %dma_start3A_17] : memref<624x128xf32, #tpu.memory_space<hbm>> -> memref<16x128xf32, #tpu.memory_space<hbm>>
        tpu.enqueue_dma source(%dma_start3A_18 : memref<16x128xf32, #tpu.memory_space<hbm>>) target(%dma_start3A_15 : memref<16x128xf32, #tpu.memory_space<vmem_shared>>) target_semaphore(%run_scoped3A : memref<!tpu.dma_semaphore, #tpu.memory_space<semaphore_mem>>)
        %dma_wait3A = arith.constant 9984 : i32
        %dma_wait3A_19 = arith.constant 0 : i32
        %dma_wait3A_20 = tpu.memref_slice %arg8[%dma_wait3A, %dma_wait3A_19] : memref<10000x128xf32, #tpu.memory_space<vmem_shared>> -> memref<16x128xf32, #tpu.memory_space<vmem_shared>>
        %dma_wait3A_21 = arith.constant 0 : i32
        %dma_wait3A_22 = arith.constant 0 : i32
        %dma_wait3A_23 = tpu.memref_slice %arg4[%dma_wait3A_21, %dma_wait3A_22] : memref<624x128xf32, #tpu.memory_space<hbm>> -> memref<16x128xf32, #tpu.memory_space<hbm>>
        tpu.wait_dma2 semaphore(%run_scoped3A : memref<!tpu.dma_semaphore, #tpu.memory_space<semaphore_mem>>) src(%dma_wait3A_23 : memref<16x128xf32, #tpu.memory_space<hbm>>) dst(%dma_wait3A_20 : memref<16x128xf32, #tpu.memory_space<vmem_shared>>)
        tpu.yield
      }) : () -> ()
    } else {
    }
    "tpu.region"() ({
      %run_scoped3A = tpu.sem_alloc : memref<!tpu.dma_semaphore, #tpu.memory_space<semaphore_mem>>
      tpu.enqueue_dma source(%arg3 : memref<80x128xf32, #tpu.memory_space<hbm>>) target(%arg7 : memref<80x128xf32, #tpu.memory_space<vmem>>) target_semaphore(%run_scoped3A : memref<!tpu.dma_semaphore, #tpu.memory_space<semaphore_mem>>)
      tpu.wait_dma2 semaphore(%run_scoped3A : memref<!tpu.dma_semaphore, #tpu.memory_space<semaphore_mem>>) src(%arg3 : memref<80x128xf32, #tpu.memory_space<hbm>>) dst(%arg7 : memref<80x128xf32, #tpu.memory_space<vmem>>)
      tpu.yield
    }) : () -> ()
    %barrier3A = arith.constant 0 : index
    tpu.barrier barrier_id(%barrier3A)
    %scan3A = arith.constant 0 : i32
    %scan3A_3 = arith.constant 0 : i32
    %scan3A_4 = arith.constant 250 : i32
    %scan3A_5 = arith.addi %scan3A_3, %scan3A_4 : i32
    %scan3A_6 = arith.constant 1 : i32
    scf.for %scan3A_14 = %scan3A_3 to %scan3A_5 step %scan3A_6  : i32 {
      %mul3A_15 = arith.constant 20000 : i32
      %mul3A_16 = arith.muli %arg1, %mul3A_15 : i32
      %mul3A_17 = arith.constant 80 : i32
      %mul3A_18 = arith.muli %scan3A_14, %mul3A_17 : i32
      %add3A = arith.addi %mul3A_16, %mul3A_18 : i32
      "tpu.region"() ({
        %run_scoped3A = tpu.sem_alloc : memref<!tpu.dma_semaphore, #tpu.memory_space<semaphore_mem>>
        %dma_start3A_23 = tpu.memref_slice %arg2[%add3A] : memref<320000xi32, #tpu.memory_space<hbm>> -> memref<80xi32, #tpu.memory_space<hbm>>
        %dma_start3A_24 = tpu.memref_slice %arg2[%add3A] : memref<320000xi32, #tpu.memory_space<hbm>> -> memref<80xi32, #tpu.memory_space<hbm>>
        tpu.enqueue_dma source(%dma_start3A_24 : memref<80xi32, #tpu.memory_space<hbm>>) target(%arg6 : memref<80xi32, #tpu.memory_space<vmem>>) target_semaphore(%run_scoped3A : memref<!tpu.dma_semaphore, #tpu.memory_space<semaphore_mem>>)
        %dma_wait3A_25 = tpu.memref_slice %arg2[%add3A] : memref<320000xi32, #tpu.memory_space<hbm>> -> memref<80xi32, #tpu.memory_space<hbm>>
        %dma_wait3A_26 = tpu.memref_slice %arg2[%add3A] : memref<320000xi32, #tpu.memory_space<hbm>> -> memref<80xi32, #tpu.memory_space<hbm>>
        tpu.wait_dma2 semaphore(%run_scoped3A : memref<!tpu.dma_semaphore, #tpu.memory_space<semaphore_mem>>) src(%dma_wait3A_26 : memref<80xi32, #tpu.memory_space<hbm>>) dst(%arg6 : memref<80xi32, #tpu.memory_space<vmem>>)
        tpu.yield
      }) : () -> ()
      %dma_start3A = arith.constant 0 : i32
      %dma_start3A_19 = arith.constant 0 : i32
      %dma_start3A_20 = tpu.memref_slice %arg8[%dma_start3A, %dma_start3A_19] : memref<10000x128xf32, #tpu.memory_space<vmem_shared>> -> memref<10000x128xf32, #tpu.memory_space<vmem_shared>>
      tpu.enqueue_indirect_dma source(%arg7 : memref<80x128xf32, #tpu.memory_space<vmem>>) target(%dma_start3A_20 : memref<10000x128xf32, #tpu.memory_space<vmem_shared>>) offsets(%arg6 : memref<80xi32, #tpu.memory_space<vmem>>) semaphore(%arg9 : memref<!tpu.dma_semaphore, #tpu.memory_space<semaphore_mem>>) {add = true}
      %dma_wait3A = arith.constant 0 : i32
      %dma_wait3A_21 = arith.constant 0 : i32
      %dma_wait3A_22 = tpu.memref_slice %arg8[%dma_wait3A, %dma_wait3A_21] : memref<10000x128xf32, #tpu.memory_space<vmem_shared>> -> memref<10000x128xf32, #tpu.memory_space<vmem_shared>>
      tpu.wait_indirect_dma semaphore(%arg9 : memref<!tpu.dma_semaphore, #tpu.memory_space<semaphore_mem>>) src(%arg7 : memref<80x128xf32, #tpu.memory_space<vmem>>) dst(%dma_wait3A_22 : memref<10000x128xf32, #tpu.memory_space<vmem_shared>>)
    }
    %scan3A_7 = arith.constant 250 : i32
    %barrier3A_8 = arith.constant 0 : index
    tpu.barrier barrier_id(%barrier3A_8)
    "tpu.region"() ({
      %run_scoped3A = tpu.sem_alloc : memref<!tpu.dma_semaphore, #tpu.memory_space<semaphore_mem>>
      %dma_start3A = arith.constant 0 : i32
      %dma_start3A_14 = tpu.memref_slice %arg5[%arg0, %mul3A_0, %dma_start3A] : memref<2x10000x128xf32, #tpu.memory_space<hbm>> -> memref<1x624x128xf32, #tpu.memory_space<hbm>>
      %dma_start3A_15 = tpu.memref_squeeze %dma_start3A_14 : memref<1x624x128xf32, #tpu.memory_space<hbm>> -> memref<624x128xf32, #tpu.memory_space<hbm>>
      %dma_start3A_16 = arith.constant 0 : i32
      %dma_start3A_17 = tpu.memref_slice %arg8[%mul3A_0, %dma_start3A_16] : memref<10000x128xf32, #tpu.memory_space<vmem_shared>> -> memref<624x128xf32, #tpu.memory_space<vmem_shared>>
      tpu.enqueue_dma source(%dma_start3A_17 : memref<624x128xf32, #tpu.memory_space<vmem_shared>>) target(%dma_start3A_15 : memref<624x128xf32, #tpu.memory_space<hbm>>) target_semaphore(%run_scoped3A : memref<!tpu.dma_semaphore, #tpu.memory_space<semaphore_mem>>)
      %dma_wait3A = arith.constant 0 : i32
      %dma_wait3A_18 = tpu.memref_slice %arg5[%arg0, %mul3A_0, %dma_wait3A] : memref<2x10000x128xf32, #tpu.memory_space<hbm>> -> memref<1x624x128xf32, #tpu.memory_space<hbm>>
      %dma_wait3A_19 = tpu.memref_squeeze %dma_wait3A_18 : memref<1x624x128xf32, #tpu.memory_space<hbm>> -> memref<624x128xf32, #tpu.memory_space<hbm>>
      %dma_wait3A_20 = arith.constant 0 : i32
      %dma_wait3A_21 = tpu.memref_slice %arg8[%mul3A_0, %dma_wait3A_20] : memref<10000x128xf32, #tpu.memory_space<vmem_shared>> -> memref<624x128xf32, #tpu.memory_space<vmem_shared>>
      tpu.wait_dma2 semaphore(%run_scoped3A : memref<!tpu.dma_semaphore, #tpu.memory_space<semaphore_mem>>) src(%dma_wait3A_21 : memref<624x128xf32, #tpu.memory_space<vmem_shared>>) dst(%dma_wait3A_19 : memref<624x128xf32, #tpu.memory_space<hbm>>)
      tpu.yield
    }) : () -> ()
    %eq3A_9 = arith.constant 15 : i32
    %eq3A_10 = arith.cmpi eq, %arg1, %eq3A_9 : i32
    %convert_element_type3A_11 = arith.extui %eq3A_10 : i1 to i32
    %cond3A_12 = arith.constant 0 : i32
    %cond3A_13 = arith.cmpi ne, %convert_element_type3A_11, %cond3A_12 : i32
    scf.if %cond3A_13 {
      "tpu.region"() ({
        %run_scoped3A = tpu.sem_alloc : memref<!tpu.dma_semaphore, #tpu.memory_space<semaphore_mem>>
        %dma_start3A = arith.constant 9984 : i32
        %dma_start3A_14 = arith.constant 0 : i32
        %dma_start3A_15 = tpu.memref_slice %arg5[%arg0, %dma_start3A, %dma_start3A_14] : memref<2x10000x128xf32, #tpu.memory_space<hbm>> -> memref<1x16x128xf32, #tpu.memory_space<hbm>>
        %dma_start3A_16 = tpu.memref_squeeze %dma_start3A_15 : memref<1x16x128xf32, #tpu.memory_space<hbm>> -> memref<16x128xf32, #tpu.memory_space<hbm>>
        %dma_start3A_17 = arith.constant 9984 : i32
        %dma_start3A_18 = arith.constant 0 : i32
        %dma_start3A_19 = tpu.memref_slice %arg8[%dma_start3A_17, %dma_start3A_18] : memref<10000x128xf32, #tpu.memory_space<vmem_shared>> -> memref<16x128xf32, #tpu.memory_space<vmem_shared>>
        tpu.enqueue_dma source(%dma_start3A_19 : memref<16x128xf32, #tpu.memory_space<vmem_shared>>) target(%dma_start3A_16 : memref<16x128xf32, #tpu.memory_space<hbm>>) target_semaphore(%run_scoped3A : memref<!tpu.dma_semaphore, #tpu.memory_space<semaphore_mem>>)
        %dma_wait3A = arith.constant 9984 : i32
        %dma_wait3A_20 = arith.constant 0 : i32
        %dma_wait3A_21 = tpu.memref_slice %arg5[%arg0, %dma_wait3A, %dma_wait3A_20] : memref<2x10000x128xf32, #tpu.memory_space<hbm>> -> memref<1x16x128xf32, #tpu.memory_space<hbm>>
        %dma_wait3A_22 = tpu.memref_squeeze %dma_wait3A_21 : memref<1x16x128xf32, #tpu.memory_space<hbm>> -> memref<16x128xf32, #tpu.memory_space<hbm>>
        %dma_wait3A_23 = arith.constant 9984 : i32
        %dma_wait3A_24 = arith.constant 0 : i32
        %dma_wait3A_25 = tpu.memref_slice %arg8[%dma_wait3A_23, %dma_wait3A_24] : memref<10000x128xf32, #tpu.memory_space<vmem_shared>> -> memref<16x128xf32, #tpu.memory_space<vmem_shared>>
        tpu.wait_dma2 semaphore(%run_scoped3A : memref<!tpu.dma_semaphore, #tpu.memory_space<semaphore_mem>>) src(%dma_wait3A_25 : memref<16x128xf32, #tpu.memory_space<vmem_shared>>) dst(%dma_wait3A_22 : memref<16x128xf32, #tpu.memory_space<hbm>>)
        tpu.yield
      }) : () -> ()
    } else {
    }
    return
  }
}

#map = affine_map<(d0, d1) -> (0)>
#map1 = affine_map<(d0, d1) -> (0, 0)>
#map2 = affine_map<(d0, d1) -> (0, 0, 0)>
module attributes {stable_mosaic.version = 14 : i64} {
  func.func @_edge_body(%arg0: i32, %arg1: i32, %arg2: memref<320000xi32, #tpu.memory_space<hbm>>, %arg3: memref<320000xi32, #tpu.memory_space<hbm>>, %arg4: memref<20000x128xf32, #tpu.memory_space<hbm>>, %arg5: memref<2x320000x128xf32, #tpu.memory_space<hbm>>, %arg6: memref<624x128xf32, #tpu.memory_space<hbm>>, %arg7: memref<2x10000x128xf32, #tpu.memory_space<hbm>>, %arg8: memref<80xi32, #tpu.memory_space<vmem>>, %arg9: memref<80xi32, #tpu.memory_space<vmem>>, %arg10: memref<80x128xf32, #tpu.memory_space<vmem>>, %arg11: memref<80x128xf32, #tpu.memory_space<vmem>>, %arg12: memref<10000x128xf32, #tpu.memory_space<vmem_shared>>, %arg13: memref<!tpu.dma_semaphore, #tpu.memory_space<semaphore_mem>>) attributes {dimension_semantics = [#tpu.dimension_semantics<core_parallel>, #tpu.dimension_semantics<subcore_parallel>], iteration_bounds = array<i64: 2, 16>, scalar_prefetch = 0 : i64, scratch_operands = 6 : i64, tpu.core_type = #tpu.core_type<sc_vector_subcore>, window_params = [{transform_indices = #map}, {transform_indices = #map}, {transform_indices = #map1}, {transform_indices = #map2}, {transform_indices = #map1}, {transform_indices = #map2}]} {
    %mul3A = arith.constant 624 : i32
    %mul3A_0 = arith.muli %arg1, %mul3A : i32
    "tpu.region"() ({
      %run_scoped3A = tpu.sem_alloc : memref<!tpu.dma_semaphore, #tpu.memory_space<semaphore_mem>>
      %dma_start3A = arith.constant 0 : i32
      %dma_start3A_14 = tpu.memref_slice %arg12[%mul3A_0, %dma_start3A] : memref<10000x128xf32, #tpu.memory_space<vmem_shared>> -> memref<624x128xf32, #tpu.memory_space<vmem_shared>>
      tpu.enqueue_dma source(%arg6 : memref<624x128xf32, #tpu.memory_space<hbm>>) target(%dma_start3A_14 : memref<624x128xf32, #tpu.memory_space<vmem_shared>>) target_semaphore(%run_scoped3A : memref<!tpu.dma_semaphore, #tpu.memory_space<semaphore_mem>>)
      %dma_wait3A = arith.constant 0 : i32
      %dma_wait3A_15 = tpu.memref_slice %arg12[%mul3A_0, %dma_wait3A] : memref<10000x128xf32, #tpu.memory_space<vmem_shared>> -> memref<624x128xf32, #tpu.memory_space<vmem_shared>>
      tpu.wait_dma2 semaphore(%run_scoped3A : memref<!tpu.dma_semaphore, #tpu.memory_space<semaphore_mem>>) src(%arg6 : memref<624x128xf32, #tpu.memory_space<hbm>>) dst(%dma_wait3A_15 : memref<624x128xf32, #tpu.memory_space<vmem_shared>>)
      tpu.yield
    }) : () -> ()
    %eq3A = arith.constant 15 : i32
    %eq3A_1 = arith.cmpi eq, %arg1, %eq3A : i32
    %convert_element_type3A = arith.extui %eq3A_1 : i1 to i32
    %cond3A = arith.constant 0 : i32
    %cond3A_2 = arith.cmpi ne, %convert_element_type3A, %cond3A : i32
    scf.if %cond3A_2 {
      "tpu.region"() ({
        %run_scoped3A = tpu.sem_alloc : memref<!tpu.dma_semaphore, #tpu.memory_space<semaphore_mem>>
        %dma_start3A = arith.constant 9984 : i32
        %dma_start3A_14 = arith.constant 0 : i32
        %dma_start3A_15 = tpu.memref_slice %arg12[%dma_start3A, %dma_start3A_14] : memref<10000x128xf32, #tpu.memory_space<vmem_shared>> -> memref<16x128xf32, #tpu.memory_space<vmem_shared>>
        %dma_start3A_16 = arith.constant 0 : i32
        %dma_start3A_17 = arith.constant 0 : i32
        %dma_start3A_18 = tpu.memref_slice %arg6[%dma_start3A_16, %dma_start3A_17] : memref<624x128xf32, #tpu.memory_space<hbm>> -> memref<16x128xf32, #tpu.memory_space<hbm>>
        tpu.enqueue_dma source(%dma_start3A_18 : memref<16x128xf32, #tpu.memory_space<hbm>>) target(%dma_start3A_15 : memref<16x128xf32, #tpu.memory_space<vmem_shared>>) target_semaphore(%run_scoped3A : memref<!tpu.dma_semaphore, #tpu.memory_space<semaphore_mem>>)
        %dma_wait3A = arith.constant 9984 : i32
        %dma_wait3A_19 = arith.constant 0 : i32
        %dma_wait3A_20 = tpu.memref_slice %arg12[%dma_wait3A, %dma_wait3A_19] : memref<10000x128xf32, #tpu.memory_space<vmem_shared>> -> memref<16x128xf32, #tpu.memory_space<vmem_shared>>
        %dma_wait3A_21 = arith.constant 0 : i32
        %dma_wait3A_22 = arith.constant 0 : i32
        %dma_wait3A_23 = tpu.memref_slice %arg6[%dma_wait3A_21, %dma_wait3A_22] : memref<624x128xf32, #tpu.memory_space<hbm>> -> memref<16x128xf32, #tpu.memory_space<hbm>>
        tpu.wait_dma2 semaphore(%run_scoped3A : memref<!tpu.dma_semaphore, #tpu.memory_space<semaphore_mem>>) src(%dma_wait3A_23 : memref<16x128xf32, #tpu.memory_space<hbm>>) dst(%dma_wait3A_20 : memref<16x128xf32, #tpu.memory_space<vmem_shared>>)
        tpu.yield
      }) : () -> ()
    } else {
    }
    %barrier3A = arith.constant 0 : index
    tpu.barrier barrier_id(%barrier3A)
    %scan3A = arith.constant 0 : i32
    %scan3A_3 = arith.constant 0 : i32
    %scan3A_4 = arith.constant 250 : i32
    %scan3A_5 = arith.addi %scan3A_3, %scan3A_4 : i32
    %scan3A_6 = arith.constant 1 : i32
    scf.for %scan3A_14 = %scan3A_3 to %scan3A_5 step %scan3A_6  : i32 {
      %mul3A_15 = arith.constant 20000 : i32
      %mul3A_16 = arith.muli %arg1, %mul3A_15 : i32
      %mul3A_17 = arith.constant 80 : i32
      %mul3A_18 = arith.muli %scan3A_14, %mul3A_17 : i32
      %add3A = arith.addi %mul3A_16, %mul3A_18 : i32
      "tpu.region"() ({
        %run_scoped3A = tpu.sem_alloc : memref<!tpu.dma_semaphore, #tpu.memory_space<semaphore_mem>>
        %dma_start3A_41 = tpu.memref_slice %arg2[%add3A] : memref<320000xi32, #tpu.memory_space<hbm>> -> memref<80xi32, #tpu.memory_space<hbm>>
        %dma_start3A_42 = tpu.memref_slice %arg2[%add3A] : memref<320000xi32, #tpu.memory_space<hbm>> -> memref<80xi32, #tpu.memory_space<hbm>>
        tpu.enqueue_dma source(%dma_start3A_42 : memref<80xi32, #tpu.memory_space<hbm>>) target(%arg8 : memref<80xi32, #tpu.memory_space<vmem>>) target_semaphore(%run_scoped3A : memref<!tpu.dma_semaphore, #tpu.memory_space<semaphore_mem>>)
        %dma_wait3A_43 = tpu.memref_slice %arg2[%add3A] : memref<320000xi32, #tpu.memory_space<hbm>> -> memref<80xi32, #tpu.memory_space<hbm>>
        %dma_wait3A_44 = tpu.memref_slice %arg2[%add3A] : memref<320000xi32, #tpu.memory_space<hbm>> -> memref<80xi32, #tpu.memory_space<hbm>>
        tpu.wait_dma2 semaphore(%run_scoped3A : memref<!tpu.dma_semaphore, #tpu.memory_space<semaphore_mem>>) src(%dma_wait3A_44 : memref<80xi32, #tpu.memory_space<hbm>>) dst(%arg8 : memref<80xi32, #tpu.memory_space<vmem>>)
        tpu.yield
      }) : () -> ()
      "tpu.region"() ({
        %run_scoped3A = tpu.sem_alloc : memref<!tpu.dma_semaphore, #tpu.memory_space<semaphore_mem>>
        %dma_start3A_41 = tpu.memref_slice %arg3[%add3A] : memref<320000xi32, #tpu.memory_space<hbm>> -> memref<80xi32, #tpu.memory_space<hbm>>
        %dma_start3A_42 = tpu.memref_slice %arg3[%add3A] : memref<320000xi32, #tpu.memory_space<hbm>> -> memref<80xi32, #tpu.memory_space<hbm>>
        tpu.enqueue_dma source(%dma_start3A_42 : memref<80xi32, #tpu.memory_space<hbm>>) target(%arg9 : memref<80xi32, #tpu.memory_space<vmem>>) target_semaphore(%run_scoped3A : memref<!tpu.dma_semaphore, #tpu.memory_space<semaphore_mem>>)
        %dma_wait3A_43 = tpu.memref_slice %arg3[%add3A] : memref<320000xi32, #tpu.memory_space<hbm>> -> memref<80xi32, #tpu.memory_space<hbm>>
        %dma_wait3A_44 = tpu.memref_slice %arg3[%add3A] : memref<320000xi32, #tpu.memory_space<hbm>> -> memref<80xi32, #tpu.memory_space<hbm>>
        tpu.wait_dma2 semaphore(%run_scoped3A : memref<!tpu.dma_semaphore, #tpu.memory_space<semaphore_mem>>) src(%dma_wait3A_44 : memref<80xi32, #tpu.memory_space<hbm>>) dst(%arg9 : memref<80xi32, #tpu.memory_space<vmem>>)
        tpu.yield
      }) : () -> ()
      %scan3A_19 = arith.constant 0 : i32
      %scan3A_20 = arith.constant 0 : i32
      %scan3A_21 = arith.constant 5 : i32
      %scan3A_22 = arith.addi %scan3A_20, %scan3A_21 : i32
      %scan3A_23 = arith.constant 1 : i32
      scf.for %scan3A_41 = %scan3A_20 to %scan3A_22 step %scan3A_23  : i32 {
        %mul3A_42 = arith.constant 16 : i32
        %mul3A_43 = arith.muli %scan3A_41, %mul3A_42 : i32
        %get3A = arith.index_cast %mul3A_43 : i32 to index
        %get3A_44 = tpu.vector_load %arg8[%get3A] {strides = array<i32>} : memref<80xi32, #tpu.memory_space<vmem>>, vector<16xi32>,
        %get3A_45 = vector.shape_cast %get3A_44 : vector<16xi32> to vector<16xi32>
        %mul3A_46 = arith.constant 2 : i32
        %mul3A_47 = vector.broadcast %mul3A_46 : i32 to vector<16xi32>
        %mul3A_48 = arith.muli %get3A_45, %mul3A_47 : vector<16xi32>
        %add3A_49 = vector.broadcast %arg0 : i32 to vector<16xi32>
        %add3A_50 = arith.addi %mul3A_48, %add3A_49 : vector<16xi32>
        %swap3A = arith.index_cast %mul3A_43 : i32 to index
        %swap3A_51 = tpu.vector_load %arg8[%swap3A] {strides = array<i32>} : memref<80xi32, #tpu.memory_space<vmem>>, vector<16xi32>,
        %swap3A_52 = vector.shape_cast %swap3A_51 : vector<16xi32> to vector<16xi32>
        %swap3A_53 = vector.shape_cast %add3A_50 : vector<16xi32> to vector<16xi32>
        tpu.vector_store %arg8[%swap3A], %swap3A_53 {strides = array<i32>} : memref<80xi32, #tpu.memory_space<vmem>>, vector<16xi32>,
      }
      %scan3A_24 = arith.constant 5 : i32
      "tpu.region"() ({
        %run_scoped3A = tpu.sem_alloc : memref<!tpu.dma_semaphore, #tpu.memory_space<semaphore_mem>>
        %dma_start3A_41 = arith.constant 0 : i32
        %dma_start3A_42 = tpu.memref_slice %arg5[%arg0, %add3A, %dma_start3A_41] : memref<2x320000x128xf32, #tpu.memory_space<hbm>> -> memref<1x80x128xf32, #tpu.memory_space<hbm>>
        %dma_start3A_43 = tpu.memref_squeeze %dma_start3A_42 : memref<1x80x128xf32, #tpu.memory_space<hbm>> -> memref<80x128xf32, #tpu.memory_space<hbm>>
        %dma_start3A_44 = arith.constant 0 : i32
        %dma_start3A_45 = tpu.memref_slice %arg5[%arg0, %add3A, %dma_start3A_44] : memref<2x320000x128xf32, #tpu.memory_space<hbm>> -> memref<1x80x128xf32, #tpu.memory_space<hbm>>
        %dma_start3A_46 = tpu.memref_squeeze %dma_start3A_45 : memref<1x80x128xf32, #tpu.memory_space<hbm>> -> memref<80x128xf32, #tpu.memory_space<hbm>>
        tpu.enqueue_dma source(%dma_start3A_46 : memref<80x128xf32, #tpu.memory_space<hbm>>) target(%arg10 : memref<80x128xf32, #tpu.memory_space<vmem>>) target_semaphore(%run_scoped3A : memref<!tpu.dma_semaphore, #tpu.memory_space<semaphore_mem>>)
        %dma_wait3A_47 = arith.constant 0 : i32
        %dma_wait3A_48 = tpu.memref_slice %arg5[%arg0, %add3A, %dma_wait3A_47] : memref<2x320000x128xf32, #tpu.memory_space<hbm>> -> memref<1x80x128xf32, #tpu.memory_space<hbm>>
        %dma_wait3A_49 = tpu.memref_squeeze %dma_wait3A_48 : memref<1x80x128xf32, #tpu.memory_space<hbm>> -> memref<80x128xf32, #tpu.memory_space<hbm>>
        %dma_wait3A_50 = arith.constant 0 : i32
        %dma_wait3A_51 = tpu.memref_slice %arg5[%arg0, %add3A, %dma_wait3A_50] : memref<2x320000x128xf32, #tpu.memory_space<hbm>> -> memref<1x80x128xf32, #tpu.memory_space<hbm>>
        %dma_wait3A_52 = tpu.memref_squeeze %dma_wait3A_51 : memref<1x80x128xf32, #tpu.memory_space<hbm>> -> memref<80x128xf32, #tpu.memory_space<hbm>>
        tpu.wait_dma2 semaphore(%run_scoped3A : memref<!tpu.dma_semaphore, #tpu.memory_space<semaphore_mem>>) src(%dma_wait3A_52 : memref<80x128xf32, #tpu.memory_space<hbm>>) dst(%arg10 : memref<80x128xf32, #tpu.memory_space<vmem>>)
        tpu.yield
      }) : () -> ()
      %dma_start3A = arith.constant 0 : i32
      %dma_start3A_25 = arith.constant 0 : i32
      %dma_start3A_26 = tpu.memref_slice %arg4[%dma_start3A, %dma_start3A_25] : memref<20000x128xf32, #tpu.memory_space<hbm>> -> memref<20000x128xf32, #tpu.memory_space<hbm>>
      tpu.enqueue_indirect_dma source(%dma_start3A_26 : memref<20000x128xf32, #tpu.memory_space<hbm>>) target(%arg11 : memref<80x128xf32, #tpu.memory_space<vmem>>) offsets(%arg8 : memref<80xi32, #tpu.memory_space<vmem>>) semaphore(%arg13 : memref<!tpu.dma_semaphore, #tpu.memory_space<semaphore_mem>>)
      %dma_wait3A = arith.constant 0 : i32
      %dma_wait3A_27 = arith.constant 0 : i32
      %dma_wait3A_28 = tpu.memref_slice %arg4[%dma_wait3A, %dma_wait3A_27] : memref<20000x128xf32, #tpu.memory_space<hbm>> -> memref<20000x128xf32, #tpu.memory_space<hbm>>
      tpu.wait_indirect_dma semaphore(%arg13 : memref<!tpu.dma_semaphore, #tpu.memory_space<semaphore_mem>>) src(%dma_wait3A_28 : memref<20000x128xf32, #tpu.memory_space<hbm>>) dst(%arg11 : memref<80x128xf32, #tpu.memory_space<vmem>>)
      %scan3A_29 = arith.constant 0 : i32
      %scan3A_30 = arith.constant 0 : i32
      %scan3A_31 = arith.constant 80 : i32
      %scan3A_32 = arith.addi %scan3A_30, %scan3A_31 : i32
      %scan3A_33 = arith.constant 1 : i32
      scf.for %scan3A_41 = %scan3A_30 to %scan3A_32 step %scan3A_33  : i32 {
        %get3A = arith.index_cast %scan3A_41 : i32 to index
        %get3A_42 = arith.constant 0 : index
        %get3A_43 = tpu.vector_load %arg10[%get3A, %get3A_42] {strides = array<i32>} : memref<80x128xf32, #tpu.memory_space<vmem>>, vector<1x16xf32>,
        %get3A_44 = vector.shape_cast %get3A_43 : vector<1x16xf32> to vector<16xf32>
        %get3A_45 = arith.index_cast %scan3A_41 : i32 to index
        %get3A_46 = arith.constant 0 : index
        %get3A_47 = tpu.vector_load %arg11[%get3A_45, %get3A_46] {strides = array<i32>} : memref<80x128xf32, #tpu.memory_space<vmem>>, vector<1x16xf32>,
        %get3A_48 = vector.shape_cast %get3A_47 : vector<1x16xf32> to vector<16xf32>
        %add3A_49 = arith.addf %get3A_44, %get3A_48 : vector<16xf32>
        %max3A = arith.constant 0.000000e+00 : f32
        %max3A_50 = vector.broadcast %max3A : f32 to vector<16xf32>
        %max3A_51 = arith.maximumf %add3A_49, %max3A_50 : vector<16xf32>
        %swap3A = arith.index_cast %scan3A_41 : i32 to index
        %swap3A_52 = arith.constant 0 : index
        %swap3A_53 = tpu.vector_load %arg10[%swap3A, %swap3A_52] {strides = array<i32>} : memref<80x128xf32, #tpu.memory_space<vmem>>, vector<1x16xf32>,
        %swap3A_54 = vector.shape_cast %swap3A_53 : vector<1x16xf32> to vector<16xf32>
        %swap3A_55 = vector.shape_cast %max3A_51 : vector<16xf32> to vector<1x16xf32>
        tpu.vector_store %arg10[%swap3A, %swap3A_52], %swap3A_55 {strides = array<i32>} : memref<80x128xf32, #tpu.memory_space<vmem>>, vector<1x16xf32>,
        %get3A_56 = arith.index_cast %scan3A_41 : i32 to index
        %get3A_57 = arith.constant 16 : index
        %get3A_58 = tpu.vector_load %arg10[%get3A_56, %get3A_57] {strides = array<i32>} : memref<80x128xf32, #tpu.memory_space<vmem>>, vector<1x16xf32>,
        %get3A_59 = vector.shape_cast %get3A_58 : vector<1x16xf32> to vector<16xf32>
        %get3A_60 = arith.index_cast %scan3A_41 : i32 to index
        %get3A_61 = arith.constant 16 : index
        %get3A_62 = tpu.vector_load %arg11[%get3A_60, %get3A_61] {strides = array<i32>} : memref<80x128xf32, #tpu.memory_space<vmem>>, vector<1x16xf32>,
        %get3A_63 = vector.shape_cast %get3A_62 : vector<1x16xf32> to vector<16xf32>
        %add3A_64 = arith.addf %get3A_59, %get3A_63 : vector<16xf32>
        %max3A_65 = arith.constant 0.000000e+00 : f32
        %max3A_66 = vector.broadcast %max3A_65 : f32 to vector<16xf32>
        %max3A_67 = arith.maximumf %add3A_64, %max3A_66 : vector<16xf32>
        %swap3A_68 = arith.index_cast %scan3A_41 : i32 to index
        %swap3A_69 = arith.constant 16 : index
        %swap3A_70 = tpu.vector_load %arg10[%swap3A_68, %swap3A_69] {strides = array<i32>} : memref<80x128xf32, #tpu.memory_space<vmem>>, vector<1x16xf32>,
        %swap3A_71 = vector.shape_cast %swap3A_70 : vector<1x16xf32> to vector<16xf32>
        %swap3A_72 = vector.shape_cast %max3A_67 : vector<16xf32> to vector<1x16xf32>
        tpu.vector_store %arg10[%swap3A_68, %swap3A_69], %swap3A_72 {strides = array<i32>} : memref<80x128xf32, #tpu.memory_space<vmem>>, vector<1x16xf32>,
        %get3A_73 = arith.index_cast %scan3A_41 : i32 to index
        %get3A_74 = arith.constant 32 : index
        %get3A_75 = tpu.vector_load %arg10[%get3A_73, %get3A_74] {strides = array<i32>} : memref<80x128xf32, #tpu.memory_space<vmem>>, vector<1x16xf32>,
        %get3A_76 = vector.shape_cast %get3A_75 : vector<1x16xf32> to vector<16xf32>
        %get3A_77 = arith.index_cast %scan3A_41 : i32 to index
        %get3A_78 = arith.constant 32 : index
        %get3A_79 = tpu.vector_load %arg11[%get3A_77, %get3A_78] {strides = array<i32>} : memref<80x128xf32, #tpu.memory_space<vmem>>, vector<1x16xf32>,
        %get3A_80 = vector.shape_cast %get3A_79 : vector<1x16xf32> to vector<16xf32>
        %add3A_81 = arith.addf %get3A_76, %get3A_80 : vector<16xf32>
        %max3A_82 = arith.constant 0.000000e+00 : f32
        %max3A_83 = vector.broadcast %max3A_82 : f32 to vector<16xf32>
        %max3A_84 = arith.maximumf %add3A_81, %max3A_83 : vector<16xf32>
        %swap3A_85 = arith.index_cast %scan3A_41 : i32 to index
        %swap3A_86 = arith.constant 32 : index
        %swap3A_87 = tpu.vector_load %arg10[%swap3A_85, %swap3A_86] {strides = array<i32>} : memref<80x128xf32, #tpu.memory_space<vmem>>, vector<1x16xf32>,
        %swap3A_88 = vector.shape_cast %swap3A_87 : vector<1x16xf32> to vector<16xf32>
        %swap3A_89 = vector.shape_cast %max3A_84 : vector<16xf32> to vector<1x16xf32>
        tpu.vector_store %arg10[%swap3A_85, %swap3A_86], %swap3A_89 {strides = array<i32>} : memref<80x128xf32, #tpu.memory_space<vmem>>, vector<1x16xf32>,
        %get3A_90 = arith.index_cast %scan3A_41 : i32 to index
        %get3A_91 = arith.constant 48 : index
        %get3A_92 = tpu.vector_load %arg10[%get3A_90, %get3A_91] {strides = array<i32>} : memref<80x128xf32, #tpu.memory_space<vmem>>, vector<1x16xf32>,
        %get3A_93 = vector.shape_cast %get3A_92 : vector<1x16xf32> to vector<16xf32>
        %get3A_94 = arith.index_cast %scan3A_41 : i32 to index
        %get3A_95 = arith.constant 48 : index
        %get3A_96 = tpu.vector_load %arg11[%get3A_94, %get3A_95] {strides = array<i32>} : memref<80x128xf32, #tpu.memory_space<vmem>>, vector<1x16xf32>,
        %get3A_97 = vector.shape_cast %get3A_96 : vector<1x16xf32> to vector<16xf32>
        %add3A_98 = arith.addf %get3A_93, %get3A_97 : vector<16xf32>
        %max3A_99 = arith.constant 0.000000e+00 : f32
        %max3A_100 = vector.broadcast %max3A_99 : f32 to vector<16xf32>
        %max3A_101 = arith.maximumf %add3A_98, %max3A_100 : vector<16xf32>
        %swap3A_102 = arith.index_cast %scan3A_41 : i32 to index
        %swap3A_103 = arith.constant 48 : index
        %swap3A_104 = tpu.vector_load %arg10[%swap3A_102, %swap3A_103] {strides = array<i32>} : memref<80x128xf32, #tpu.memory_space<vmem>>, vector<1x16xf32>,
        %swap3A_105 = vector.shape_cast %swap3A_104 : vector<1x16xf32> to vector<16xf32>
        %swap3A_106 = vector.shape_cast %max3A_101 : vector<16xf32> to vector<1x16xf32>
        tpu.vector_store %arg10[%swap3A_102, %swap3A_103], %swap3A_106 {strides = array<i32>} : memref<80x128xf32, #tpu.memory_space<vmem>>, vector<1x16xf32>,
        %get3A_107 = arith.index_cast %scan3A_41 : i32 to index
        %get3A_108 = arith.constant 64 : index
        %get3A_109 = tpu.vector_load %arg10[%get3A_107, %get3A_108] {strides = array<i32>} : memref<80x128xf32, #tpu.memory_space<vmem>>, vector<1x16xf32>,
        %get3A_110 = vector.shape_cast %get3A_109 : vector<1x16xf32> to vector<16xf32>
        %get3A_111 = arith.index_cast %scan3A_41 : i32 to index
        %get3A_112 = arith.constant 64 : index
        %get3A_113 = tpu.vector_load %arg11[%get3A_111, %get3A_112] {strides = array<i32>} : memref<80x128xf32, #tpu.memory_space<vmem>>, vector<1x16xf32>,
        %get3A_114 = vector.shape_cast %get3A_113 : vector<1x16xf32> to vector<16xf32>
        %add3A_115 = arith.addf %get3A_110, %get3A_114 : vector<16xf32>
        %max3A_116 = arith.constant 0.000000e+00 : f32
        %max3A_117 = vector.broadcast %max3A_116 : f32 to vector<16xf32>
        %max3A_118 = arith.maximumf %add3A_115, %max3A_117 : vector<16xf32>
        %swap3A_119 = arith.index_cast %scan3A_41 : i32 to index
        %swap3A_120 = arith.constant 64 : index
        %swap3A_121 = tpu.vector_load %arg10[%swap3A_119, %swap3A_120] {strides = array<i32>} : memref<80x128xf32, #tpu.memory_space<vmem>>, vector<1x16xf32>,
        %swap3A_122 = vector.shape_cast %swap3A_121 : vector<1x16xf32> to vector<16xf32>
        %swap3A_123 = vector.shape_cast %max3A_118 : vector<16xf32> to vector<1x16xf32>
        tpu.vector_store %arg10[%swap3A_119, %swap3A_120], %swap3A_123 {strides = array<i32>} : memref<80x128xf32, #tpu.memory_space<vmem>>, vector<1x16xf32>,
        %get3A_124 = arith.index_cast %scan3A_41 : i32 to index
        %get3A_125 = arith.constant 80 : index
        %get3A_126 = tpu.vector_load %arg10[%get3A_124, %get3A_125] {strides = array<i32>} : memref<80x128xf32, #tpu.memory_space<vmem>>, vector<1x16xf32>,
        %get3A_127 = vector.shape_cast %get3A_126 : vector<1x16xf32> to vector<16xf32>
        %get3A_128 = arith.index_cast %scan3A_41 : i32 to index
        %get3A_129 = arith.constant 80 : index
        %get3A_130 = tpu.vector_load %arg11[%get3A_128, %get3A_129] {strides = array<i32>} : memref<80x128xf32, #tpu.memory_space<vmem>>, vector<1x16xf32>,
        %get3A_131 = vector.shape_cast %get3A_130 : vector<1x16xf32> to vector<16xf32>
        %add3A_132 = arith.addf %get3A_127, %get3A_131 : vector<16xf32>
        %max3A_133 = arith.constant 0.000000e+00 : f32
        %max3A_134 = vector.broadcast %max3A_133 : f32 to vector<16xf32>
        %max3A_135 = arith.maximumf %add3A_132, %max3A_134 : vector<16xf32>
        %swap3A_136 = arith.index_cast %scan3A_41 : i32 to index
        %swap3A_137 = arith.constant 80 : index
        %swap3A_138 = tpu.vector_load %arg10[%swap3A_136, %swap3A_137] {strides = array<i32>} : memref<80x128xf32, #tpu.memory_space<vmem>>, vector<1x16xf32>,
        %swap3A_139 = vector.shape_cast %swap3A_138 : vector<1x16xf32> to vector<16xf32>
        %swap3A_140 = vector.shape_cast %max3A_135 : vector<16xf32> to vector<1x16xf32>
        tpu.vector_store %arg10[%swap3A_136, %swap3A_137], %swap3A_140 {strides = array<i32>} : memref<80x128xf32, #tpu.memory_space<vmem>>, vector<1x16xf32>,
        %get3A_141 = arith.index_cast %scan3A_41 : i32 to index
        %get3A_142 = arith.constant 96 : index
        %get3A_143 = tpu.vector_load %arg10[%get3A_141, %get3A_142] {strides = array<i32>} : memref<80x128xf32, #tpu.memory_space<vmem>>, vector<1x16xf32>,
        %get3A_144 = vector.shape_cast %get3A_143 : vector<1x16xf32> to vector<16xf32>
        %get3A_145 = arith.index_cast %scan3A_41 : i32 to index
        %get3A_146 = arith.constant 96 : index
        %get3A_147 = tpu.vector_load %arg11[%get3A_145, %get3A_146] {strides = array<i32>} : memref<80x128xf32, #tpu.memory_space<vmem>>, vector<1x16xf32>,
        %get3A_148 = vector.shape_cast %get3A_147 : vector<1x16xf32> to vector<16xf32>
        %add3A_149 = arith.addf %get3A_144, %get3A_148 : vector<16xf32>
        %max3A_150 = arith.constant 0.000000e+00 : f32
        %max3A_151 = vector.broadcast %max3A_150 : f32 to vector<16xf32>
        %max3A_152 = arith.maximumf %add3A_149, %max3A_151 : vector<16xf32>
        %swap3A_153 = arith.index_cast %scan3A_41 : i32 to index
        %swap3A_154 = arith.constant 96 : index
        %swap3A_155 = tpu.vector_load %arg10[%swap3A_153, %swap3A_154] {strides = array<i32>} : memref<80x128xf32, #tpu.memory_space<vmem>>, vector<1x16xf32>,
        %swap3A_156 = vector.shape_cast %swap3A_155 : vector<1x16xf32> to vector<16xf32>
        %swap3A_157 = vector.shape_cast %max3A_152 : vector<16xf32> to vector<1x16xf32>
        tpu.vector_store %arg10[%swap3A_153, %swap3A_154], %swap3A_157 {strides = array<i32>} : memref<80x128xf32, #tpu.memory_space<vmem>>, vector<1x16xf32>,
        %get3A_158 = arith.index_cast %scan3A_41 : i32 to index
        %get3A_159 = arith.constant 112 : index
        %get3A_160 = tpu.vector_load %arg10[%get3A_158, %get3A_159] {strides = array<i32>} : memref<80x128xf32, #tpu.memory_space<vmem>>, vector<1x16xf32>,
        %get3A_161 = vector.shape_cast %get3A_160 : vector<1x16xf32> to vector<16xf32>
        %get3A_162 = arith.index_cast %scan3A_41 : i32 to index
        %get3A_163 = arith.constant 112 : index
        %get3A_164 = tpu.vector_load %arg11[%get3A_162, %get3A_163] {strides = array<i32>} : memref<80x128xf32, #tpu.memory_space<vmem>>, vector<1x16xf32>,
        %get3A_165 = vector.shape_cast %get3A_164 : vector<1x16xf32> to vector<16xf32>
        %add3A_166 = arith.addf %get3A_161, %get3A_165 : vector<16xf32>
        %max3A_167 = arith.constant 0.000000e+00 : f32
        %max3A_168 = vector.broadcast %max3A_167 : f32 to vector<16xf32>
        %max3A_169 = arith.maximumf %add3A_166, %max3A_168 : vector<16xf32>
        %swap3A_170 = arith.index_cast %scan3A_41 : i32 to index
        %swap3A_171 = arith.constant 112 : index
        %swap3A_172 = tpu.vector_load %arg10[%swap3A_170, %swap3A_171] {strides = array<i32>} : memref<80x128xf32, #tpu.memory_space<vmem>>, vector<1x16xf32>,
        %swap3A_173 = vector.shape_cast %swap3A_172 : vector<1x16xf32> to vector<16xf32>
        %swap3A_174 = vector.shape_cast %max3A_169 : vector<16xf32> to vector<1x16xf32>
        tpu.vector_store %arg10[%swap3A_170, %swap3A_171], %swap3A_174 {strides = array<i32>} : memref<80x128xf32, #tpu.memory_space<vmem>>, vector<1x16xf32>,
      }
      %scan3A_34 = arith.constant 80 : i32
      %dma_start3A_35 = arith.constant 0 : i32
      %dma_start3A_36 = arith.constant 0 : i32
      %dma_start3A_37 = tpu.memref_slice %arg12[%dma_start3A_35, %dma_start3A_36] : memref<10000x128xf32, #tpu.memory_space<vmem_shared>> -> memref<10000x128xf32, #tpu.memory_space<vmem_shared>>
      tpu.enqueue_indirect_dma source(%arg10 : memref<80x128xf32, #tpu.memory_space<vmem>>) target(%dma_start3A_37 : memref<10000x128xf32, #tpu.memory_space<vmem_shared>>) offsets(%arg9 : memref<80xi32, #tpu.memory_space<vmem>>) semaphore(%arg13 : memref<!tpu.dma_semaphore, #tpu.memory_space<semaphore_mem>>) {add = true}
      %dma_wait3A_38 = arith.constant 0 : i32
      %dma_wait3A_39 = arith.constant 0 : i32
      %dma_wait3A_40 = tpu.memref_slice %arg12[%dma_wait3A_38, %dma_wait3A_39] : memref<10000x128xf32, #tpu.memory_space<vmem_shared>> -> memref<10000x128xf32, #tpu.memory_space<vmem_shared>>
      tpu.wait_indirect_dma semaphore(%arg13 : memref<!tpu.dma_semaphore, #tpu.memory_space<semaphore_mem>>) src(%arg10 : memref<80x128xf32, #tpu.memory_space<vmem>>) dst(%dma_wait3A_40 : memref<10000x128xf32, #tpu.memory_space<vmem_shared>>)
    }
    %scan3A_7 = arith.constant 250 : i32
    %barrier3A_8 = arith.constant 0 : index
    tpu.barrier barrier_id(%barrier3A_8)
    "tpu.region"() ({
      %run_scoped3A = tpu.sem_alloc : memref<!tpu.dma_semaphore, #tpu.memory_space<semaphore_mem>>
      %dma_start3A = arith.constant 0 : i32
      %dma_start3A_14 = tpu.memref_slice %arg7[%arg0, %mul3A_0, %dma_start3A] : memref<2x10000x128xf32, #tpu.memory_space<hbm>> -> memref<1x624x128xf32, #tpu.memory_space<hbm>>
      %dma_start3A_15 = tpu.memref_squeeze %dma_start3A_14 : memref<1x624x128xf32, #tpu.memory_space<hbm>> -> memref<624x128xf32, #tpu.memory_space<hbm>>
      %dma_start3A_16 = arith.constant 0 : i32
      %dma_start3A_17 = tpu.memref_slice %arg12[%mul3A_0, %dma_start3A_16] : memref<10000x128xf32, #tpu.memory_space<vmem_shared>> -> memref<624x128xf32, #tpu.memory_space<vmem_shared>>
      tpu.enqueue_dma source(%dma_start3A_17 : memref<624x128xf32, #tpu.memory_space<vmem_shared>>) target(%dma_start3A_15 : memref<624x128xf32, #tpu.memory_space<hbm>>) target_semaphore(%run_scoped3A : memref<!tpu.dma_semaphore, #tpu.memory_space<semaphore_mem>>)
      %dma_wait3A = arith.constant 0 : i32
      %dma_wait3A_18 = tpu.memref_slice %arg7[%arg0, %mul3A_0, %dma_wait3A] : memref<2x10000x128xf32, #tpu.memory_space<hbm>> -> memref<1x624x128xf32, #tpu.memory_space<hbm>>
      %dma_wait3A_19 = tpu.memref_squeeze %dma_wait3A_18 : memref<1x624x128xf32, #tpu.memory_space<hbm>> -> memref<624x128xf32, #tpu.memory_space<hbm>>
      %dma_wait3A_20 = arith.constant 0 : i32
      %dma_wait3A_21 = tpu.memref_slice %arg12[%mul3A_0, %dma_wait3A_20] : memref<10000x128xf32, #tpu.memory_space<vmem_shared>> -> memref<624x128xf32, #tpu.memory_space<vmem_shared>>
      tpu.wait_dma2 semaphore(%run_scoped3A : memref<!tpu.dma_semaphore, #tpu.memory_space<semaphore_mem>>) src(%dma_wait3A_21 : memref<624x128xf32, #tpu.memory_space<vmem_shared>>) dst(%dma_wait3A_19 : memref<624x128xf32, #tpu.memory_space<hbm>>)
      tpu.yield
    }) : () -> ()
    %eq3A_9 = arith.constant 15 : i32
    %eq3A_10 = arith.cmpi eq, %arg1, %eq3A_9 : i32
    %convert_element_type3A_11 = arith.extui %eq3A_10 : i1 to i32
    %cond3A_12 = arith.constant 0 : i32
    %cond3A_13 = arith.cmpi ne, %convert_element_type3A_11, %cond3A_12 : i32
    scf.if %cond3A_13 {
      "tpu.region"() ({
        %run_scoped3A = tpu.sem_alloc : memref<!tpu.dma_semaphore, #tpu.memory_space<semaphore_mem>>
        %dma_start3A = arith.constant 9984 : i32
        %dma_start3A_14 = arith.constant 0 : i32
        %dma_start3A_15 = tpu.memref_slice %arg7[%arg0, %dma_start3A, %dma_start3A_14] : memref<2x10000x128xf32, #tpu.memory_space<hbm>> -> memref<1x16x128xf32, #tpu.memory_space<hbm>>
        %dma_start3A_16 = tpu.memref_squeeze %dma_start3A_15 : memref<1x16x128xf32, #tpu.memory_space<hbm>> -> memref<16x128xf32, #tpu.memory_space<hbm>>
        %dma_start3A_17 = arith.constant 9984 : i32
        %dma_start3A_18 = arith.constant 0 : i32
        %dma_start3A_19 = tpu.memref_slice %arg12[%dma_start3A_17, %dma_start3A_18] : memref<10000x128xf32, #tpu.memory_space<vmem_shared>> -> memref<16x128xf32, #tpu.memory_space<vmem_shared>>
        tpu.enqueue_dma source(%dma_start3A_19 : memref<16x128xf32, #tpu.memory_space<vmem_shared>>) target(%dma_start3A_16 : memref<16x128xf32, #tpu.memory_space<hbm>>) target_semaphore(%run_scoped3A : memref<!tpu.dma_semaphore, #tpu.memory_space<semaphore_mem>>)
        %dma_wait3A = arith.constant 9984 : i32
        %dma_wait3A_20 = arith.constant 0 : i32
        %dma_wait3A_21 = tpu.memref_slice %arg7[%arg0, %dma_wait3A, %dma_wait3A_20] : memref<2x10000x128xf32, #tpu.memory_space<hbm>> -> memref<1x16x128xf32, #tpu.memory_space<hbm>>
        %dma_wait3A_22 = tpu.memref_squeeze %dma_wait3A_21 : memref<1x16x128xf32, #tpu.memory_space<hbm>> -> memref<16x128xf32, #tpu.memory_space<hbm>>
        %dma_wait3A_23 = arith.constant 9984 : i32
        %dma_wait3A_24 = arith.constant 0 : i32
        %dma_wait3A_25 = tpu.memref_slice %arg12[%dma_wait3A_23, %dma_wait3A_24] : memref<10000x128xf32, #tpu.memory_space<vmem_shared>> -> memref<16x128xf32, #tpu.memory_space<vmem_shared>>
        tpu.wait_dma2 semaphore(%run_scoped3A : memref<!tpu.dma_semaphore, #tpu.memory_space<semaphore_mem>>) src(%dma_wait3A_25 : memref<16x128xf32, #tpu.memory_space<vmem_shared>>) dst(%dma_wait3A_22 : memref<16x128xf32, #tpu.memory_space<hbm>>)
        tpu.yield
      }) : () -> ()
    } else {
    }
    return
  }
}

module attributes {stable_mosaic.version = 14 : i64} {
  func.func @_s1_body(%arg0: i32, %arg1: memref<2000x128xf32, #tpu.memory_space<vmem>>, %arg2: memref<128x256xf32, #tpu.memory_space<vmem>>, %arg3: memref<1x256xf32, #tpu.memory_space<vmem>>, %arg4: memref<256x256xf32, #tpu.memory_space<vmem>>, %arg5: memref<2000x256xf32, #tpu.memory_space<vmem>>, %arg6: memref<2000x256xf32, #tpu.memory_space<vmem>>) attributes {dimension_semantics = [#tpu.dimension_semantics<arbitrary>], iteration_bounds = array<i64: 5>, scalar_prefetch = 0 : i64, scratch_operands = 0 : i64, tpu.core_type = #tpu.core_type<tc>, window_params = [{transform_indices = @transform_0, window_bounds = array<i64: 2000, 128>}, {pipeline_mode = #tpu.pipeline_mode<synchronous>, transform_indices = @transform_1, window_bounds = array<i64: 128, 256>}, {pipeline_mode = #tpu.pipeline_mode<synchronous>, transform_indices = @transform_2, window_bounds = array<i64: 1, 256>}, {pipeline_mode = #tpu.pipeline_mode<synchronous>, transform_indices = @transform_3, window_bounds = array<i64: 256, 256>}, {transform_indices = @transform_4, window_bounds = array<i64: 2000, 256>}, {transform_indices = @transform_5, window_bounds = array<i64: 2000, 256>}]} {
    %get3A = arith.constant 0 : index
    %get3A_0 = arith.constant 0 : index
    %get3A_1 = vector.load %arg1[%get3A, %get3A_0] : memref<2000x128xf32, #tpu.memory_space<vmem>>, vector<2000x128xf32>
    %get3A_2 = arith.constant 0 : index
    %get3A_3 = arith.constant 0 : index
    %get3A_4 = vector.load %arg2[%get3A_2, %get3A_3] : memref<128x256xf32, #tpu.memory_space<vmem>>, vector<128x256xf32>
    %dot_general3A = arith.constant dense<0.000000e+00> : vector<2000x256xf32>
    %dot_general3A_5 = tpu.matmul %get3A_1, %get3A_4, %dot_general3A {dimension_numbers = #tpu.dot_dimension_numbers<[1], [0], [0], [1], [0, 0, 1, 1], [], []>, transpose_lhs_hint = false} : vector<2000x128xf32>, vector<128x256xf32>, vector<2000x256xf32> -> vector<2000x256xf32>
    %get3A_6 = arith.constant 0 : index
    %get3A_7 = arith.constant 0 : index
    %get3A_8 = vector.load %arg3[%get3A_6, %get3A_7] : memref<1x256xf32, #tpu.memory_space<vmem>>, vector<1x256xf32>
    %add3A = vector.broadcast %get3A_8 : vector<1x256xf32> to vector<2000x256xf32>
    %add3A_9 = arith.addf %dot_general3A_5, %add3A : vector<2000x256xf32>
    %swap3A = arith.constant 0 : index
    %swap3A_10 = arith.constant 0 : index
    %swap3A_11 = vector.load %arg5[%swap3A, %swap3A_10] : memref<2000x256xf32, #tpu.memory_space<vmem>>, vector<2000x256xf32>
    tpu.vector_store %arg5[%swap3A, %swap3A_10], %add3A_9 {strides = array<i32>} : memref<2000x256xf32, #tpu.memory_space<vmem>>, vector<2000x256xf32>,
    %get3A_12 = arith.constant 0 : index
    %get3A_13 = arith.constant 0 : index
    %get3A_14 = vector.load %arg4[%get3A_12, %get3A_13] : memref<256x256xf32, #tpu.memory_space<vmem>>, vector<256x256xf32>
    %dot_general3A_15 = arith.constant dense<0.000000e+00> : vector<2000x256xf32>
    %dot_general3A_16 = tpu.matmul %add3A_9, %get3A_14, %dot_general3A_15 {dimension_numbers = #tpu.dot_dimension_numbers<[1], [0], [0], [1], [0, 0, 1, 1], [], []>, transpose_lhs_hint = false} : vector<2000x256xf32>, vector<256x256xf32>, vector<2000x256xf32> -> vector<2000x256xf32>
    %swap3A_17 = arith.constant 0 : index
    %swap3A_18 = arith.constant 0 : index
    %swap3A_19 = vector.load %arg6[%swap3A_17, %swap3A_18] : memref<2000x256xf32, #tpu.memory_space<vmem>>, vector<2000x256xf32>
    tpu.vector_store %arg6[%swap3A_17, %swap3A_18], %dot_general3A_16 {strides = array<i32>} : memref<2000x256xf32, #tpu.memory_space<vmem>>, vector<2000x256xf32>,
    return
  }
  func.func @transform_0(%arg0: i32) -> (i32, i32) {
    %c0_i32 = arith.constant 0 : i32
    %c0_i32_0 = arith.constant 0 : i32
    return %arg0, %c0_i32 : i32, i32
  }
  func.func @transform_1(%arg0: i32) -> (i32, i32) {
    %c0_i32 = arith.constant 0 : i32
    %c0_i32_0 = arith.constant 0 : i32
    %c0_i32_1 = arith.constant 0 : i32
    return %c0_i32, %c0_i32_0 : i32, i32
  }
  func.func @transform_2(%arg0: i32) -> (i32, i32) {
    %c0_i32 = arith.constant 0 : i32
    %c0_i32_0 = arith.constant 0 : i32
    %c0_i32_1 = arith.constant 0 : i32
    return %c0_i32, %c0_i32_0 : i32, i32
  }
  func.func @transform_3(%arg0: i32) -> (i32, i32) {
    %c0_i32 = arith.constant 0 : i32
    %c0_i32_0 = arith.constant 0 : i32
    %c0_i32_1 = arith.constant 0 : i32
    return %c0_i32, %c0_i32_0 : i32, i32
  }
  func.func @transform_4(%arg0: i32) -> (i32, i32) {
    %c0_i32 = arith.constant 0 : i32
    %c0_i32_0 = arith.constant 0 : i32
    return %arg0, %c0_i32 : i32, i32
  }
  func.func @transform_5(%arg0: i32) -> (i32, i32) {
    %c0_i32 = arith.constant 0 : i32
    %c0_i32_0 = arith.constant 0 : i32
    return %arg0, %c0_i32 : i32, i32
  }
}

module attributes {stable_mosaic.version = 14 : i64} {
  func.func @_b_body(%arg0: i32, %arg1: memref<2000x16xf32, #tpu.memory_space<vmem>>, %arg2: memref<3x16x256xf32, #tpu.memory_space<vmem>>, %arg3: memref<3x1x256xf32, #tpu.memory_space<vmem>>, %arg4: memref<3x256x256xf32, #tpu.memory_space<vmem>>, %arg5: memref<3x1x256xf32, #tpu.memory_space<vmem>>, %arg6: memref<2x2000x128xf32, #tpu.memory_space<vmem>>, %arg7: memref<2x2000x128xf32, #tpu.memory_space<vmem>>, %arg8: memref<2x2000x128xf32, #tpu.memory_space<vmem>>, %arg9: memref<3x1x256xf32, #tpu.memory_space<vmem>>) attributes {dimension_semantics = [#tpu.dimension_semantics<arbitrary>], iteration_bounds = array<i64: 160>, scalar_prefetch = 0 : i64, scratch_operands = 0 : i64, tpu.core_type = #tpu.core_type<tc>, window_params = [{transform_indices = @transform_0, window_bounds = array<i64: 2000, 16>}, {pipeline_mode = #tpu.pipeline_mode<synchronous>, transform_indices = @transform_1, window_bounds = array<i64: 3, 16, 256>}, {pipeline_mode = #tpu.pipeline_mode<synchronous>, transform_indices = @transform_2, window_bounds = array<i64: 3, 1, 256>}, {pipeline_mode = #tpu.pipeline_mode<synchronous>, transform_indices = @transform_3, window_bounds = array<i64: 3, 256, 256>}, {pipeline_mode = #tpu.pipeline_mode<synchronous>, transform_indices = @transform_4, window_bounds = array<i64: 3, 1, 256>}, {transform_indices = @transform_5, window_bounds = array<i64: 2, 2000, 128>}, {transform_indices = @transform_6, window_bounds = array<i64: 2, 2000, 128>}, {transform_indices = @transform_7, window_bounds = array<i64: 2, 2000, 128>}, {pipeline_mode = #tpu.pipeline_mode<synchronous>, transform_indices = @transform_8, window_bounds = array<i64: 3, 1, 256>}]} {
    %get3A = arith.constant 0 : index
    %get3A_0 = arith.constant 0 : index
    %get3A_1 = vector.load %arg1[%get3A, %get3A_0] : memref<2000x16xf32, #tpu.memory_space<vmem>>, vector<2000x16xf32>
    %get3A_2 = arith.constant 0 : index
    %get3A_3 = arith.constant 0 : index
    %get3A_4 = arith.constant 0 : index
    %get3A_5 = vector.load %arg2[%get3A_2, %get3A_3, %get3A_4] : memref<3x16x256xf32, #tpu.memory_space<vmem>>, vector<1x16x256xf32>
    %get3A_6 = vector.shape_cast %get3A_5 : vector<1x16x256xf32> to vector<16x256xf32>
    %get3A_7 = arith.constant 0 : index
    %get3A_8 = arith.constant 0 : index
    %get3A_9 = arith.constant 0 : index
    %get3A_10 = vector.load %arg4[%get3A_7, %get3A_8, %get3A_9] : memref<3x256x256xf32, #tpu.memory_space<vmem>>, vector<1x256x256xf32>
    %get3A_11 = vector.shape_cast %get3A_10 : vector<1x256x256xf32> to vector<256x256xf32>
    %dot_general3A = arith.constant dense<0.000000e+00> : vector<16x256xf32>
    %dot_general3A_12 = tpu.matmul %get3A_6, %get3A_11, %dot_general3A {dimension_numbers = #tpu.dot_dimension_numbers<[1], [0], [0], [1], [0, 0, 1, 1], [], []>, transpose_lhs_hint = false} : vector<16x256xf32>, vector<256x256xf32>, vector<16x256xf32> -> vector<16x256xf32>
    %get3A_13 = arith.constant 0 : index
    %get3A_14 = arith.constant 0 : index
    %get3A_15 = arith.constant 0 : index
    %get3A_16 = vector.load %arg3[%get3A_13, %get3A_14, %get3A_15] : memref<3x1x256xf32, #tpu.memory_space<vmem>>, vector<1x1x256xf32>
    %get3A_17 = vector.shape_cast %get3A_16 : vector<1x1x256xf32> to vector<1x256xf32>
    %get3A_18 = arith.constant 0 : index
    %get3A_19 = arith.constant 0 : index
    %get3A_20 = arith.constant 0 : index
    %get3A_21 = vector.load %arg4[%get3A_18, %get3A_19, %get3A_20] : memref<3x256x256xf32, #tpu.memory_space<vmem>>, vector<1x256x256xf32>
    %get3A_22 = vector.shape_cast %get3A_21 : vector<1x256x256xf32> to vector<256x256xf32>
    %dot_general3A_23 = arith.constant dense<0.000000e+00> : vector<1x256xf32>
    %dot_general3A_24 = tpu.matmul %get3A_17, %get3A_22, %dot_general3A_23 {dimension_numbers = #tpu.dot_dimension_numbers<[1], [0], [0], [1], [0, 0, 1, 1], [], []>, transpose_lhs_hint = false} : vector<1x256xf32>, vector<256x256xf32>, vector<1x256xf32> -> vector<1x256xf32>
    %get3A_25 = arith.constant 0 : index
    %get3A_26 = arith.constant 0 : index
    %get3A_27 = arith.constant 0 : index
    %get3A_28 = vector.load %arg5[%get3A_25, %get3A_26, %get3A_27] : memref<3x1x256xf32, #tpu.memory_space<vmem>>, vector<1x1x256xf32>
    %get3A_29 = vector.shape_cast %get3A_28 : vector<1x1x256xf32> to vector<1x256xf32>
    %add3A = arith.addf %dot_general3A_24, %get3A_29 : vector<1x256xf32>
    %dot_general3A_30 = arith.constant dense<0.000000e+00> : vector<2000x256xf32>
    %dot_general3A_31 = tpu.matmul %get3A_1, %dot_general3A_12, %dot_general3A_30 {dimension_numbers = #tpu.dot_dimension_numbers<[1], [0], [0], [1], [0, 0, 1, 1], [], []>, transpose_lhs_hint = false} : vector<2000x16xf32>, vector<16x256xf32>, vector<2000x256xf32> -> vector<2000x256xf32>
    %add3A_32 = vector.broadcast %add3A : vector<1x256xf32> to vector<2000x256xf32>
    %add3A_33 = arith.addf %dot_general3A_31, %add3A_32 : vector<2000x256xf32>
    %slice3A = vector.extract_strided_slice %add3A_33 {offsets = [0, 0], sizes = [2000, 128], strides = [1, 1]} : vector<2000x256xf32> to vector<2000x128xf32>
    %swap3A = arith.constant 0 : index
    %swap3A_34 = arith.constant 0 : index
    %swap3A_35 = arith.constant 0 : index
    %swap3A_36 = vector.load %arg6[%swap3A, %swap3A_34, %swap3A_35] : memref<2x2000x128xf32, #tpu.memory_space<vmem>>, vector<1x2000x128xf32>
    %swap3A_37 = vector.shape_cast %swap3A_36 : vector<1x2000x128xf32> to vector<2000x128xf32>
    %swap3A_38 = vector.shape_cast %slice3A : vector<2000x128xf32> to vector<1x2000x128xf32>
    tpu.vector_store %arg6[%swap3A, %swap3A_34, %swap3A_35], %swap3A_38 {strides = array<i32>} : memref<2x2000x128xf32, #tpu.memory_space<vmem>>, vector<1x2000x128xf32>,
    %slice3A_39 = vector.extract_strided_slice %add3A_33 {offsets = [0, 128], sizes = [2000, 128], strides = [1, 1]} : vector<2000x256xf32> to vector<2000x128xf32>
    %swap3A_40 = arith.constant 1 : index
    %swap3A_41 = arith.constant 0 : index
    %swap3A_42 = arith.constant 0 : index
    %swap3A_43 = vector.load %arg6[%swap3A_40, %swap3A_41, %swap3A_42] : memref<2x2000x128xf32, #tpu.memory_space<vmem>>, vector<1x2000x128xf32>
    %swap3A_44 = vector.shape_cast %swap3A_43 : vector<1x2000x128xf32> to vector<2000x128xf32>
    %swap3A_45 = vector.shape_cast %slice3A_39 : vector<2000x128xf32> to vector<1x2000x128xf32>
    tpu.vector_store %arg6[%swap3A_40, %swap3A_41, %swap3A_42], %swap3A_45 {strides = array<i32>} : memref<2x2000x128xf32, #tpu.memory_space<vmem>>, vector<1x2000x128xf32>,
    %swap3A_46 = arith.constant 0 : index
    %swap3A_47 = arith.constant 0 : index
    %swap3A_48 = arith.constant 0 : index
    %swap3A_49 = vector.load %arg9[%swap3A_46, %swap3A_47, %swap3A_48] : memref<3x1x256xf32, #tpu.memory_space<vmem>>, vector<1x1x256xf32>
    %swap3A_50 = vector.shape_cast %swap3A_49 : vector<1x1x256xf32> to vector<1x256xf32>
    %swap3A_51 = vector.shape_cast %add3A : vector<1x256xf32> to vector<1x1x256xf32>
    tpu.vector_store %arg9[%swap3A_46, %swap3A_47, %swap3A_48], %swap3A_51 {strides = array<i32>} : memref<3x1x256xf32, #tpu.memory_space<vmem>>, vector<1x1x256xf32>,
    %get3A_52 = arith.constant 1 : index
    %get3A_53 = arith.constant 0 : index
    %get3A_54 = arith.constant 0 : index
    %get3A_55 = vector.load %arg2[%get3A_52, %get3A_53, %get3A_54] : memref<3x16x256xf32, #tpu.memory_space<vmem>>, vector<1x16x256xf32>
    %get3A_56 = vector.shape_cast %get3A_55 : vector<1x16x256xf32> to vector<16x256xf32>
    %get3A_57 = arith.constant 1 : index
    %get3A_58 = arith.constant 0 : index
    %get3A_59 = arith.constant 0 : index
    %get3A_60 = vector.load %arg4[%get3A_57, %get3A_58, %get3A_59] : memref<3x256x256xf32, #tpu.memory_space<vmem>>, vector<1x256x256xf32>
    %get3A_61 = vector.shape_cast %get3A_60 : vector<1x256x256xf32> to vector<256x256xf32>
    %dot_general3A_62 = arith.constant dense<0.000000e+00> : vector<16x256xf32>
    %dot_general3A_63 = tpu.matmul %get3A_56, %get3A_61, %dot_general3A_62 {dimension_numbers = #tpu.dot_dimension_numbers<[1], [0], [0], [1], [0, 0, 1, 1], [], []>, transpose_lhs_hint = false} : vector<16x256xf32>, vector<256x256xf32>, vector<16x256xf32> -> vector<16x256xf32>
    %get3A_64 = arith.constant 1 : index
    %get3A_65 = arith.constant 0 : index
    %get3A_66 = arith.constant 0 : index
    %get3A_67 = vector.load %arg3[%get3A_64, %get3A_65, %get3A_66] : memref<3x1x256xf32, #tpu.memory_space<vmem>>, vector<1x1x256xf32>
    %get3A_68 = vector.shape_cast %get3A_67 : vector<1x1x256xf32> to vector<1x256xf32>
    %get3A_69 = arith.constant 1 : index
    %get3A_70 = arith.constant 0 : index
    %get3A_71 = arith.constant 0 : index
    %get3A_72 = vector.load %arg4[%get3A_69, %get3A_70, %get3A_71] : memref<3x256x256xf32, #tpu.memory_space<vmem>>, vector<1x256x256xf32>
    %get3A_73 = vector.shape_cast %get3A_72 : vector<1x256x256xf32> to vector<256x256xf32>
    %dot_general3A_74 = arith.constant dense<0.000000e+00> : vector<1x256xf32>
    %dot_general3A_75 = tpu.matmul %get3A_68, %get3A_73, %dot_general3A_74 {dimension_numbers = #tpu.dot_dimension_numbers<[1], [0], [0], [1], [0, 0, 1, 1], [], []>, transpose_lhs_hint = false} : vector<1x256xf32>, vector<256x256xf32>, vector<1x256xf32> -> vector<1x256xf32>
    %get3A_76 = arith.constant 1 : index
    %get3A_77 = arith.constant 0 : index
    %get3A_78 = arith.constant 0 : index
    %get3A_79 = vector.load %arg5[%get3A_76, %get3A_77, %get3A_78] : memref<3x1x256xf32, #tpu.memory_space<vmem>>, vector<1x1x256xf32>
    %get3A_80 = vector.shape_cast %get3A_79 : vector<1x1x256xf32> to vector<1x256xf32>
    %add3A_81 = arith.addf %dot_general3A_75, %get3A_80 : vector<1x256xf32>
    %dot_general3A_82 = arith.constant dense<0.000000e+00> : vector<2000x256xf32>
    %dot_general3A_83 = tpu.matmul %get3A_1, %dot_general3A_63, %dot_general3A_82 {dimension_numbers = #tpu.dot_dimension_numbers<[1], [0], [0], [1], [0, 0, 1, 1], [], []>, transpose_lhs_hint = false} : vector<2000x16xf32>, vector<16x256xf32>, vector<2000x256xf32> -> vector<2000x256xf32>
    %add3A_84 = vector.broadcast %add3A_81 : vector<1x256xf32> to vector<2000x256xf32>
    %add3A_85 = arith.addf %dot_general3A_83, %add3A_84 : vector<2000x256xf32>
    %slice3A_86 = vector.extract_strided_slice %add3A_85 {offsets = [0, 0], sizes = [2000, 128], strides = [1, 1]} : vector<2000x256xf32> to vector<2000x128xf32>
    %swap3A_87 = arith.constant 0 : index
    %swap3A_88 = arith.constant 0 : index
    %swap3A_89 = arith.constant 0 : index
    %swap3A_90 = vector.load %arg7[%swap3A_87, %swap3A_88, %swap3A_89] : memref<2x2000x128xf32, #tpu.memory_space<vmem>>, vector<1x2000x128xf32>
    %swap3A_91 = vector.shape_cast %swap3A_90 : vector<1x2000x128xf32> to vector<2000x128xf32>
    %swap3A_92 = vector.shape_cast %slice3A_86 : vector<2000x128xf32> to vector<1x2000x128xf32>
    tpu.vector_store %arg7[%swap3A_87, %swap3A_88, %swap3A_89], %swap3A_92 {strides = array<i32>} : memref<2x2000x128xf32, #tpu.memory_space<vmem>>, vector<1x2000x128xf32>,
    %slice3A_93 = vector.extract_strided_slice %add3A_85 {offsets = [0, 128], sizes = [2000, 128], strides = [1, 1]} : vector<2000x256xf32> to vector<2000x128xf32>
    %swap3A_94 = arith.constant 1 : index
    %swap3A_95 = arith.constant 0 : index
    %swap3A_96 = arith.constant 0 : index
    %swap3A_97 = vector.load %arg7[%swap3A_94, %swap3A_95, %swap3A_96] : memref<2x2000x128xf32, #tpu.memory_space<vmem>>, vector<1x2000x128xf32>
    %swap3A_98 = vector.shape_cast %swap3A_97 : vector<1x2000x128xf32> to vector<2000x128xf32>
    %swap3A_99 = vector.shape_cast %slice3A_93 : vector<2000x128xf32> to vector<1x2000x128xf32>
    tpu.vector_store %arg7[%swap3A_94, %swap3A_95, %swap3A_96], %swap3A_99 {strides = array<i32>} : memref<2x2000x128xf32, #tpu.memory_space<vmem>>, vector<1x2000x128xf32>,
    %swap3A_100 = arith.constant 1 : index
    %swap3A_101 = arith.constant 0 : index
    %swap3A_102 = arith.constant 0 : index
    %swap3A_103 = vector.load %arg9[%swap3A_100, %swap3A_101, %swap3A_102] : memref<3x1x256xf32, #tpu.memory_space<vmem>>, vector<1x1x256xf32>
    %swap3A_104 = vector.shape_cast %swap3A_103 : vector<1x1x256xf32> to vector<1x256xf32>
    %swap3A_105 = vector.shape_cast %add3A_81 : vector<1x256xf32> to vector<1x1x256xf32>
    tpu.vector_store %arg9[%swap3A_100, %swap3A_101, %swap3A_102], %swap3A_105 {strides = array<i32>} : memref<3x1x256xf32, #tpu.memory_space<vmem>>, vector<1x1x256xf32>,
    %get3A_106 = arith.constant 2 : index
    %get3A_107 = arith.constant 0 : index
    %get3A_108 = arith.constant 0 : index
    %get3A_109 = vector.load %arg2[%get3A_106, %get3A_107, %get3A_108] : memref<3x16x256xf32, #tpu.memory_space<vmem>>, vector<1x16x256xf32>
    %get3A_110 = vector.shape_cast %get3A_109 : vector<1x16x256xf32> to vector<16x256xf32>
    %get3A_111 = arith.constant 2 : index
    %get3A_112 = arith.constant 0 : index
    %get3A_113 = arith.constant 0 : index
    %get3A_114 = vector.load %arg4[%get3A_111, %get3A_112, %get3A_113] : memref<3x256x256xf32, #tpu.memory_space<vmem>>, vector<1x256x256xf32>
    %get3A_115 = vector.shape_cast %get3A_114 : vector<1x256x256xf32> to vector<256x256xf32>
    %dot_general3A_116 = arith.constant dense<0.000000e+00> : vector<16x256xf32>
    %dot_general3A_117 = tpu.matmul %get3A_110, %get3A_115, %dot_general3A_116 {dimension_numbers = #tpu.dot_dimension_numbers<[1], [0], [0], [1], [0, 0, 1, 1], [], []>, transpose_lhs_hint = false} : vector<16x256xf32>, vector<256x256xf32>, vector<16x256xf32> -> vector<16x256xf32>
    %get3A_118 = arith.constant 2 : index
    %get3A_119 = arith.constant 0 : index
    %get3A_120 = arith.constant 0 : index
    %get3A_121 = vector.load %arg3[%get3A_118, %get3A_119, %get3A_120] : memref<3x1x256xf32, #tpu.memory_space<vmem>>, vector<1x1x256xf32>
    %get3A_122 = vector.shape_cast %get3A_121 : vector<1x1x256xf32> to vector<1x256xf32>
    %get3A_123 = arith.constant 2 : index
    %get3A_124 = arith.constant 0 : index
    %get3A_125 = arith.constant 0 : index
    %get3A_126 = vector.load %arg4[%get3A_123, %get3A_124, %get3A_125] : memref<3x256x256xf32, #tpu.memory_space<vmem>>, vector<1x256x256xf32>
    %get3A_127 = vector.shape_cast %get3A_126 : vector<1x256x256xf32> to vector<256x256xf32>
    %dot_general3A_128 = arith.constant dense<0.000000e+00> : vector<1x256xf32>
    %dot_general3A_129 = tpu.matmul %get3A_122, %get3A_127, %dot_general3A_128 {dimension_numbers = #tpu.dot_dimension_numbers<[1], [0], [0], [1], [0, 0, 1, 1], [], []>, transpose_lhs_hint = false} : vector<1x256xf32>, vector<256x256xf32>, vector<1x256xf32> -> vector<1x256xf32>
    %get3A_130 = arith.constant 2 : index
    %get3A_131 = arith.constant 0 : index
    %get3A_132 = arith.constant 0 : index
    %get3A_133 = vector.load %arg5[%get3A_130, %get3A_131, %get3A_132] : memref<3x1x256xf32, #tpu.memory_space<vmem>>, vector<1x1x256xf32>
    %get3A_134 = vector.shape_cast %get3A_133 : vector<1x1x256xf32> to vector<1x256xf32>
    %add3A_135 = arith.addf %dot_general3A_129, %get3A_134 : vector<1x256xf32>
    %dot_general3A_136 = arith.constant dense<0.000000e+00> : vector<2000x256xf32>
    %dot_general3A_137 = tpu.matmul %get3A_1, %dot_general3A_117, %dot_general3A_136 {dimension_numbers = #tpu.dot_dimension_numbers<[1], [0], [0], [1], [0, 0, 1, 1], [], []>, transpose_lhs_hint = false} : vector<2000x16xf32>, vector<16x256xf32>, vector<2000x256xf32> -> vector<2000x256xf32>
    %add3A_138 = vector.broadcast %add3A_135 : vector<1x256xf32> to vector<2000x256xf32>
    %add3A_139 = arith.addf %dot_general3A_137, %add3A_138 : vector<2000x256xf32>
    %slice3A_140 = vector.extract_strided_slice %add3A_139 {offsets = [0, 0], sizes = [2000, 128], strides = [1, 1]} : vector<2000x256xf32> to vector<2000x128xf32>
    %swap3A_141 = arith.constant 0 : index
    %swap3A_142 = arith.constant 0 : index
    %swap3A_143 = arith.constant 0 : index
    %swap3A_144 = vector.load %arg8[%swap3A_141, %swap3A_142, %swap3A_143] : memref<2x2000x128xf32, #tpu.memory_space<vmem>>, vector<1x2000x128xf32>
    %swap3A_145 = vector.shape_cast %swap3A_144 : vector<1x2000x128xf32> to vector<2000x128xf32>
    %swap3A_146 = vector.shape_cast %slice3A_140 : vector<2000x128xf32> to vector<1x2000x128xf32>
    tpu.vector_store %arg8[%swap3A_141, %swap3A_142, %swap3A_143], %swap3A_146 {strides = array<i32>} : memref<2x2000x128xf32, #tpu.memory_space<vmem>>, vector<1x2000x128xf32>,
    %slice3A_147 = vector.extract_strided_slice %add3A_139 {offsets = [0, 128], sizes = [2000, 128], strides = [1, 1]} : vector<2000x256xf32> to vector<2000x128xf32>
    %swap3A_148 = arith.constant 1 : index
    %swap3A_149 = arith.constant 0 : index
    %swap3A_150 = arith.constant 0 : index
    %swap3A_151 = vector.load %arg8[%swap3A_148, %swap3A_149, %swap3A_150] : memref<2x2000x128xf32, #tpu.memory_space<vmem>>, vector<1x2000x128xf32>
    %swap3A_152 = vector.shape_cast %swap3A_151 : vector<1x2000x128xf32> to vector<2000x128xf32>
    %swap3A_153 = vector.shape_cast %slice3A_147 : vector<2000x128xf32> to vector<1x2000x128xf32>
    tpu.vector_store %arg8[%swap3A_148, %swap3A_149, %swap3A_150], %swap3A_153 {strides = array<i32>} : memref<2x2000x128xf32, #tpu.memory_space<vmem>>, vector<1x2000x128xf32>,
    %swap3A_154 = arith.constant 2 : index
    %swap3A_155 = arith.constant 0 : index
    %swap3A_156 = arith.constant 0 : index
    %swap3A_157 = vector.load %arg9[%swap3A_154, %swap3A_155, %swap3A_156] : memref<3x1x256xf32, #tpu.memory_space<vmem>>, vector<1x1x256xf32>
    %swap3A_158 = vector.shape_cast %swap3A_157 : vector<1x1x256xf32> to vector<1x256xf32>
    %swap3A_159 = vector.shape_cast %add3A_135 : vector<1x256xf32> to vector<1x1x256xf32>
    tpu.vector_store %arg9[%swap3A_154, %swap3A_155, %swap3A_156], %swap3A_159 {strides = array<i32>} : memref<3x1x256xf32, #tpu.memory_space<vmem>>, vector<1x1x256xf32>,
    return
  }
  func.func @transform_0(%arg0: i32) -> (i32, i32) {
    %c0_i32 = arith.constant 0 : i32
    %c0_i32_0 = arith.constant 0 : i32
    return %arg0, %c0_i32 : i32, i32
  }
  func.func @transform_1(%arg0: i32) -> (i32, i32, i32) {
    %c0_i32 = arith.constant 0 : i32
    %c0_i32_0 = arith.constant 0 : i32
    %c0_i32_1 = arith.constant 0 : i32
    %c0_i32_2 = arith.constant 0 : i32
    return %c0_i32, %c0_i32_0, %c0_i32_1 : i32, i32, i32
  }
  func.func @transform_2(%arg0: i32) -> (i32, i32, i32) {
    %c0_i32 = arith.constant 0 : i32
    %c0_i32_0 = arith.constant 0 : i32
    %c0_i32_1 = arith.constant 0 : i32
    %c0_i32_2 = arith.constant 0 : i32
    return %c0_i32, %c0_i32_0, %c0_i32_1 : i32, i32, i32
  }
  func.func @transform_3(%arg0: i32) -> (i32, i32, i32) {
    %c0_i32 = arith.constant 0 : i32
    %c0_i32_0 = arith.constant 0 : i32
    %c0_i32_1 = arith.constant 0 : i32
    %c0_i32_2 = arith.constant 0 : i32
    return %c0_i32, %c0_i32_0, %c0_i32_1 : i32, i32, i32
  }
  func.func @transform_4(%arg0: i32) -> (i32, i32, i32) {
    %c0_i32 = arith.constant 0 : i32
    %c0_i32_0 = arith.constant 0 : i32
    %c0_i32_1 = arith.constant 0 : i32
    %c0_i32_2 = arith.constant 0 : i32
    return %c0_i32, %c0_i32_0, %c0_i32_1 : i32, i32, i32
  }
  func.func @transform_5(%arg0: i32) -> (i32, i32, i32) {
    %c0_i32 = arith.constant 0 : i32
    %c0_i32_0 = arith.constant 0 : i32
    %c0_i32_1 = arith.constant 0 : i32
    return %c0_i32, %arg0, %c0_i32_0 : i32, i32, i32
  }
  func.func @transform_6(%arg0: i32) -> (i32, i32, i32) {
    %c0_i32 = arith.constant 0 : i32
    %c0_i32_0 = arith.constant 0 : i32
    %c0_i32_1 = arith.constant 0 : i32
    return %c0_i32, %arg0, %c0_i32_0 : i32, i32, i32
  }
  func.func @transform_7(%arg0: i32) -> (i32, i32, i32) {
    %c0_i32 = arith.constant 0 : i32
    %c0_i32_0 = arith.constant 0 : i32
    %c0_i32_1 = arith.constant 0 : i32
    return %c0_i32, %arg0, %c0_i32_0 : i32, i32, i32
  }
  func.func @transform_8(%arg0: i32) -> (i32, i32, i32) {
    %c0_i32 = arith.constant 0 : i32
    %c0_i32_0 = arith.constant 0 : i32
    %c0_i32_1 = arith.constant 0 : i32
    %c0_i32_2 = arith.constant 0 : i32
    return %c0_i32, %c0_i32_0, %c0_i32_1 : i32, i32, i32
  }
}

module attributes {stable_mosaic.version = 14 : i64} {
  func.func @body(%arg0: i32, %arg1: memref<2x2000x128xf32, #tpu.memory_space<vmem>>, %arg2: memref<2000x256xf32, #tpu.memory_space<vmem>>, %arg3: memref<2000x256xf32, #tpu.memory_space<vmem>>, %arg4: memref<2000x128xf32, #tpu.memory_space<vmem>>, %arg5: memref<1x256xf32, #tpu.memory_space<vmem>>, %arg6: memref<256x256xf32, #tpu.memory_space<vmem>>, %arg7: memref<1x256xf32, #tpu.memory_space<vmem>>, %arg8: memref<128x256xf32, #tpu.memory_space<vmem>>, %arg9: memref<128x256xf32, #tpu.memory_space<vmem>>, %arg10: memref<1x256xf32, #tpu.memory_space<vmem>>, %arg11: memref<256x256xf32, #tpu.memory_space<vmem>>, %arg12: memref<256x256xf32, #tpu.memory_space<vmem>>, %arg13: memref<1x256xf32, #tpu.memory_space<vmem>>, %arg14: memref<256x256xf32, #tpu.memory_space<vmem>>, %arg15: memref<1x256xf32, #tpu.memory_space<vmem>>, %arg16: memref<2000x256xf32, #tpu.memory_space<vmem>>) attributes {dimension_semantics = [#tpu.dimension_semantics<arbitrary>], iteration_bounds = array<i64: 5>, scalar_prefetch = 0 : i64, scratch_operands = 0 : i64, tpu.core_type = #tpu.core_type<tc>, window_params = [{transform_indices = @transform_0, window_bounds = array<i64: 2, 2000, 128>}, {transform_indices = @transform_1, window_bounds = array<i64: 2000, 256>}, {transform_indices = @transform_2, window_bounds = array<i64: 2000, 256>}, {transform_indices = @transform_3, window_bounds = array<i64: 2000, 128>}, {pipeline_mode = #tpu.pipeline_mode<synchronous>, transform_indices = @transform_4, window_bounds = array<i64: 1, 256>}, {pipeline_mode = #tpu.pipeline_mode<synchronous>, transform_indices = @transform_5, window_bounds = array<i64: 256, 256>}, {pipeline_mode = #tpu.pipeline_mode<synchronous>, transform_indices = @transform_6, window_bounds = array<i64: 1, 256>}, {pipeline_mode = #tpu.pipeline_mode<synchronous>, transform_indices = @transform_7, window_bounds = array<i64: 128, 256>}, {pipeline_mode = #tpu.pipeline_mode<synchronous>, transform_indices = @transform_8, window_bounds = array<i64: 128, 256>}, {pipeline_mode = #tpu.pipeline_mode<synchronous>, transform_indices = @transform_9, window_bounds = array<i64: 1, 256>}, {pipeline_mode = #tpu.pipeline_mode<synchronous>, transform_indices = @transform_10, window_bounds = array<i64: 256, 256>}, {pipeline_mode = #tpu.pipeline_mode<synchronous>, transform_indices = @transform_11, window_bounds = array<i64: 256, 256>}, {pipeline_mode = #tpu.pipeline_mode<synchronous>, transform_indices = @transform_12, window_bounds = array<i64: 1, 256>}, {pipeline_mode = #tpu.pipeline_mode<synchronous>, transform_indices = @transform_13, window_bounds = array<i64: 256, 256>}, {pipeline_mode = #tpu.pipeline_mode<synchronous>, transform_indices = @transform_14, window_bounds = array<i64: 1, 256>}, {transform_indices = @transform_15, window_bounds = array<i64: 2000, 256>}]} {
    %get3A = arith.constant 0 : index
    %get3A_0 = arith.constant 0 : index
    %get3A_1 = vector.load %arg5[%get3A, %get3A_0] : memref<1x256xf32, #tpu.memory_space<vmem>>, vector<1x256xf32>
    %get3A_2 = arith.constant 0 : index
    %get3A_3 = arith.constant 0 : index
    %get3A_4 = vector.load %arg6[%get3A_2, %get3A_3] : memref<256x256xf32, #tpu.memory_space<vmem>>, vector<256x256xf32>
    %dot_general3A = arith.constant dense<0.000000e+00> : vector<1x256xf32>
    %dot_general3A_5 = tpu.matmul %get3A_1, %get3A_4, %dot_general3A {dimension_numbers = #tpu.dot_dimension_numbers<[1], [0], [0], [1], [0, 0, 1, 1], [], []>, transpose_lhs_hint = false} : vector<1x256xf32>, vector<256x256xf32>, vector<1x256xf32> -> vector<1x256xf32>
    %get3A_6 = arith.constant 0 : index
    %get3A_7 = arith.constant 0 : index
    %get3A_8 = vector.load %arg7[%get3A_6, %get3A_7] : memref<1x256xf32, #tpu.memory_space<vmem>>, vector<1x256xf32>
    %add3A = arith.addf %dot_general3A_5, %get3A_8 : vector<1x256xf32>
    %get3A_9 = arith.constant 0 : index
    %get3A_10 = arith.constant 0 : index
    %get3A_11 = vector.load %arg2[%get3A_9, %get3A_10] : memref<2000x256xf32, #tpu.memory_space<vmem>>, vector<2000x256xf32>
    %get3A_12 = arith.constant 0 : index
    %get3A_13 = arith.constant 0 : index
    %get3A_14 = arith.constant 0 : index
    %get3A_15 = vector.load %arg1[%get3A_12, %get3A_13, %get3A_14] : memref<2x2000x128xf32, #tpu.memory_space<vmem>>, vector<1x2000x128xf32>
    %get3A_16 = vector.shape_cast %get3A_15 : vector<1x2000x128xf32> to vector<2000x128xf32>
    %slice3A = vector.extract_strided_slice %get3A_11 {offsets = [0, 0], sizes = [2000, 128], strides = [1, 1]} : vector<2000x256xf32> to vector<2000x128xf32>
    %slice3A_17 = vector.extract_strided_slice %add3A {offsets = [0, 0], sizes = [1, 128], strides = [1, 1]} : vector<1x256xf32> to vector<1x128xf32>
    %add3A_18 = vector.broadcast %slice3A_17 : vector<1x128xf32> to vector<2000x128xf32>
    %add3A_19 = arith.addf %slice3A, %add3A_18 : vector<2000x128xf32>
    %max3A = arith.constant 0.000000e+00 : f32
    %max3A_20 = vector.broadcast %max3A : f32 to vector<2000x128xf32>
    %max3A_21 = arith.maximumf %add3A_19, %max3A_20 : vector<2000x128xf32>
    %add3A_22 = arith.addf %get3A_16, %max3A_21 : vector<2000x128xf32>
    %get3A_23 = arith.constant 1 : index
    %get3A_24 = arith.constant 0 : index
    %get3A_25 = arith.constant 0 : index
    %get3A_26 = vector.load %arg1[%get3A_23, %get3A_24, %get3A_25] : memref<2x2000x128xf32, #tpu.memory_space<vmem>>, vector<1x2000x128xf32>
    %get3A_27 = vector.shape_cast %get3A_26 : vector<1x2000x128xf32> to vector<2000x128xf32>
    %slice3A_28 = vector.extract_strided_slice %get3A_11 {offsets = [0, 128], sizes = [2000, 128], strides = [1, 1]} : vector<2000x256xf32> to vector<2000x128xf32>
    %slice3A_29 = vector.extract_strided_slice %add3A {offsets = [0, 128], sizes = [1, 128], strides = [1, 1]} : vector<1x256xf32> to vector<1x128xf32>
    %add3A_30 = vector.broadcast %slice3A_29 : vector<1x128xf32> to vector<2000x128xf32>
    %add3A_31 = arith.addf %slice3A_28, %add3A_30 : vector<2000x128xf32>
    %max3A_32 = arith.constant 0.000000e+00 : f32
    %max3A_33 = vector.broadcast %max3A_32 : f32 to vector<2000x128xf32>
    %max3A_34 = arith.maximumf %add3A_31, %max3A_33 : vector<2000x128xf32>
    %add3A_35 = arith.addf %get3A_27, %max3A_34 : vector<2000x128xf32>
    %get3A_36 = arith.constant 0 : index
    %get3A_37 = arith.constant 0 : index
    %get3A_38 = vector.load %arg8[%get3A_36, %get3A_37] : memref<128x256xf32, #tpu.memory_space<vmem>>, vector<128x256xf32>
    %dot_general3A_39 = arith.constant dense<0.000000e+00> : vector<2000x256xf32>
    %dot_general3A_40 = tpu.matmul %add3A_22, %get3A_38, %dot_general3A_39 {dimension_numbers = #tpu.dot_dimension_numbers<[1], [0], [0], [1], [0, 0, 1, 1], [], []>, transpose_lhs_hint = false} : vector<2000x128xf32>, vector<128x256xf32>, vector<2000x256xf32> -> vector<2000x256xf32>
    %get3A_41 = arith.constant 0 : index
    %get3A_42 = arith.constant 0 : index
    %get3A_43 = vector.load %arg9[%get3A_41, %get3A_42] : memref<128x256xf32, #tpu.memory_space<vmem>>, vector<128x256xf32>
    %dot_general3A_44 = arith.constant dense<0.000000e+00> : vector<2000x256xf32>
    %dot_general3A_45 = tpu.matmul %add3A_35, %get3A_43, %dot_general3A_44 {dimension_numbers = #tpu.dot_dimension_numbers<[1], [0], [0], [1], [0, 0, 1, 1], [], []>, transpose_lhs_hint = false} : vector<2000x128xf32>, vector<128x256xf32>, vector<2000x256xf32> -> vector<2000x256xf32>
    %add3A_46 = arith.addf %dot_general3A_40, %dot_general3A_45 : vector<2000x256xf32>
    %get3A_47 = arith.constant 0 : index
    %get3A_48 = arith.constant 0 : index
    %get3A_49 = vector.load %arg4[%get3A_47, %get3A_48] : memref<2000x128xf32, #tpu.memory_space<vmem>>, vector<2000x128xf32>
    %slice3A_50 = vector.extract_strided_slice %get3A_49 {offsets = [0, 0], sizes = [2000, 1], strides = [1, 1]} : vector<2000x128xf32> to vector<2000x1xf32>
    %add3A_51 = arith.constant 1.000000e+00 : f32
    %add3A_52 = vector.broadcast %add3A_51 : f32 to vector<2000x1xf32>
    %add3A_53 = arith.addf %slice3A_50, %add3A_52 : vector<2000x1xf32>
    %get3A_54 = arith.constant 0 : index
    %get3A_55 = arith.constant 0 : index
    %get3A_56 = vector.load %arg10[%get3A_54, %get3A_55] : memref<1x256xf32, #tpu.memory_space<vmem>>, vector<1x256xf32>
    %mul3A = vector.broadcast %add3A_53 : vector<2000x1xf32> to vector<2000x256xf32>
    %mul3A_57 = vector.broadcast %get3A_56 : vector<1x256xf32> to vector<2000x256xf32>
    %mul3A_58 = arith.mulf %mul3A, %mul3A_57 : vector<2000x256xf32>
    %add3A_59 = arith.addf %add3A_46, %mul3A_58 : vector<2000x256xf32>
    %get3A_60 = arith.constant 0 : index
    %get3A_61 = arith.constant 0 : index
    %get3A_62 = vector.load %arg11[%get3A_60, %get3A_61] : memref<256x256xf32, #tpu.memory_space<vmem>>, vector<256x256xf32>
    %dot_general3A_63 = arith.constant dense<0.000000e+00> : vector<2000x256xf32>
    %dot_general3A_64 = tpu.matmul %add3A_59, %get3A_62, %dot_general3A_63 {dimension_numbers = #tpu.dot_dimension_numbers<[1], [0], [0], [1], [0, 0, 1, 1], [], []>, transpose_lhs_hint = false} : vector<2000x256xf32>, vector<256x256xf32>, vector<2000x256xf32> -> vector<2000x256xf32>
    %get3A_65 = arith.constant 0 : index
    %get3A_66 = arith.constant 0 : index
    %get3A_67 = vector.load %arg3[%get3A_65, %get3A_66] : memref<2000x256xf32, #tpu.memory_space<vmem>>, vector<2000x256xf32>
    %get3A_68 = arith.constant 0 : index
    %get3A_69 = arith.constant 0 : index
    %get3A_70 = vector.load %arg12[%get3A_68, %get3A_69] : memref<256x256xf32, #tpu.memory_space<vmem>>, vector<256x256xf32>
    %dot_general3A_71 = arith.constant dense<0.000000e+00> : vector<2000x256xf32>
    %dot_general3A_72 = tpu.matmul %get3A_67, %get3A_70, %dot_general3A_71 {dimension_numbers = #tpu.dot_dimension_numbers<[1], [0], [0], [1], [0, 0, 1, 1], [], []>, transpose_lhs_hint = false} : vector<2000x256xf32>, vector<256x256xf32>, vector<2000x256xf32> -> vector<2000x256xf32>
    %add3A_73 = arith.addf %dot_general3A_64, %dot_general3A_72 : vector<2000x256xf32>
    %get3A_74 = arith.constant 0 : index
    %get3A_75 = arith.constant 0 : index
    %get3A_76 = vector.load %arg13[%get3A_74, %get3A_75] : memref<1x256xf32, #tpu.memory_space<vmem>>, vector<1x256xf32>
    %add3A_77 = vector.broadcast %get3A_76 : vector<1x256xf32> to vector<2000x256xf32>
    %add3A_78 = arith.addf %add3A_73, %add3A_77 : vector<2000x256xf32>
    %max3A_79 = arith.constant 0.000000e+00 : f32
    %max3A_80 = vector.broadcast %max3A_79 : f32 to vector<2000x256xf32>
    %max3A_81 = arith.maximumf %add3A_78, %max3A_80 : vector<2000x256xf32>
    %get3A_82 = arith.constant 0 : index
    %get3A_83 = arith.constant 0 : index
    %get3A_84 = vector.load %arg14[%get3A_82, %get3A_83] : memref<256x256xf32, #tpu.memory_space<vmem>>, vector<256x256xf32>
    %dot_general3A_85 = arith.constant dense<0.000000e+00> : vector<2000x256xf32>
    %dot_general3A_86 = tpu.matmul %max3A_81, %get3A_84, %dot_general3A_85 {dimension_numbers = #tpu.dot_dimension_numbers<[1], [0], [0], [1], [0, 0, 1, 1], [], []>, transpose_lhs_hint = false} : vector<2000x256xf32>, vector<256x256xf32>, vector<2000x256xf32> -> vector<2000x256xf32>
    %get3A_87 = arith.constant 0 : index
    %get3A_88 = arith.constant 0 : index
    %get3A_89 = vector.load %arg15[%get3A_87, %get3A_88] : memref<1x256xf32, #tpu.memory_space<vmem>>, vector<1x256xf32>
    %add3A_90 = vector.broadcast %get3A_89 : vector<1x256xf32> to vector<2000x256xf32>
    %add3A_91 = arith.addf %dot_general3A_86, %add3A_90 : vector<2000x256xf32>
    %swap3A = arith.constant 0 : index
    %swap3A_92 = arith.constant 0 : index
    %swap3A_93 = vector.load %arg16[%swap3A, %swap3A_92] : memref<2000x256xf32, #tpu.memory_space<vmem>>, vector<2000x256xf32>
    tpu.vector_store %arg16[%swap3A, %swap3A_92], %add3A_91 {strides = array<i32>} : memref<2000x256xf32, #tpu.memory_space<vmem>>, vector<2000x256xf32>,
    return
  }
  func.func @transform_0(%arg0: i32) -> (i32, i32, i32) {
    %c0_i32 = arith.constant 0 : i32
    %c0_i32_0 = arith.constant 0 : i32
    %c0_i32_1 = arith.constant 0 : i32
    return %c0_i32, %arg0, %c0_i32_0 : i32, i32, i32
  }
  func.func @transform_1(%arg0: i32) -> (i32, i32) {
    %c0_i32 = arith.constant 0 : i32
    %c0_i32_0 = arith.constant 0 : i32
    return %arg0, %c0_i32 : i32, i32
  }
  func.func @transform_2(%arg0: i32) -> (i32, i32) {
    %c0_i32 = arith.constant 0 : i32
    %c0_i32_0 = arith.constant 0 : i32
    return %arg0, %c0_i32 : i32, i32
  }
  func.func @transform_3(%arg0: i32) -> (i32, i32) {
    %c0_i32 = arith.constant 0 : i32
    %c0_i32_0 = arith.constant 0 : i32
    return %arg0, %c0_i32 : i32, i32
  }
  func.func @transform_4(%arg0: i32) -> (i32, i32) {
    %c0_i32 = arith.constant 0 : i32
    %c0_i32_0 = arith.constant 0 : i32
    %c0_i32_1 = arith.constant 0 : i32
    return %c0_i32, %c0_i32_0 : i32, i32
  }
  func.func @transform_5(%arg0: i32) -> (i32, i32) {
    %c0_i32 = arith.constant 0 : i32
    %c0_i32_0 = arith.constant 0 : i32
    %c0_i32_1 = arith.constant 0 : i32
    return %c0_i32, %c0_i32_0 : i32, i32
  }
  func.func @transform_6(%arg0: i32) -> (i32, i32) {
    %c0_i32 = arith.constant 0 : i32
    %c0_i32_0 = arith.constant 0 : i32
    %c0_i32_1 = arith.constant 0 : i32
    return %c0_i32, %c0_i32_0 : i32, i32
  }
  func.func @transform_7(%arg0: i32) -> (i32, i32) {
    %c0_i32 = arith.constant 0 : i32
    %c0_i32_0 = arith.constant 0 : i32
    %c0_i32_1 = arith.constant 0 : i32
    return %c0_i32, %c0_i32_0 : i32, i32
  }
  func.func @transform_8(%arg0: i32) -> (i32, i32) {
    %c0_i32 = arith.constant 0 : i32
    %c0_i32_0 = arith.constant 0 : i32
    %c0_i32_1 = arith.constant 0 : i32
    return %c0_i32, %c0_i32_0 : i32, i32
  }
  func.func @transform_9(%arg0: i32) -> (i32, i32) {
    %c0_i32 = arith.constant 0 : i32
    %c0_i32_0 = arith.constant 0 : i32
    %c0_i32_1 = arith.constant 0 : i32
    return %c0_i32, %c0_i32_0 : i32, i32
  }
  func.func @transform_10(%arg0: i32) -> (i32, i32) {
    %c0_i32 = arith.constant 0 : i32
    %c0_i32_0 = arith.constant 0 : i32
    %c0_i32_1 = arith.constant 0 : i32
    return %c0_i32, %c0_i32_0 : i32, i32
  }
  func.func @transform_11(%arg0: i32) -> (i32, i32) {
    %c0_i32 = arith.constant 0 : i32
    %c0_i32_0 = arith.constant 0 : i32
    %c0_i32_1 = arith.constant 0 : i32
    return %c0_i32, %c0_i32_0 : i32, i32
  }
  func.func @transform_12(%arg0: i32) -> (i32, i32) {
    %c0_i32 = arith.constant 0 : i32
    %c0_i32_0 = arith.constant 0 : i32
    %c0_i32_1 = arith.constant 0 : i32
    return %c0_i32, %c0_i32_0 : i32, i32
  }
  func.func @transform_13(%arg0: i32) -> (i32, i32) {
    %c0_i32 = arith.constant 0 : i32
    %c0_i32_0 = arith.constant 0 : i32
    %c0_i32_1 = arith.constant 0 : i32
    return %c0_i32, %c0_i32_0 : i32, i32
  }
  func.func @transform_14(%arg0: i32) -> (i32, i32) {
    %c0_i32 = arith.constant 0 : i32
    %c0_i32_0 = arith.constant 0 : i32
    %c0_i32_1 = arith.constant 0 : i32
    return %c0_i32, %c0_i32_0 : i32, i32
  }
  func.func @transform_15(%arg0: i32) -> (i32, i32) {
    %c0_i32 = arith.constant 0 : i32
    %c0_i32_0 = arith.constant 0 : i32
    return %arg0, %c0_i32 : i32, i32
  }
}

module attributes {stable_mosaic.version = 14 : i64} {
  func.func @_s1_body(%arg0: i32, %arg1: memref<2000x256xf32, #tpu.memory_space<vmem>>, %arg2: memref<256x256xf32, #tpu.memory_space<vmem>>, %arg3: memref<1x256xf32, #tpu.memory_space<vmem>>, %arg4: memref<256x256xf32, #tpu.memory_space<vmem>>, %arg5: memref<2000x256xf32, #tpu.memory_space<vmem>>, %arg6: memref<2000x256xf32, #tpu.memory_space<vmem>>) attributes {dimension_semantics = [#tpu.dimension_semantics<arbitrary>], iteration_bounds = array<i64: 5>, scalar_prefetch = 0 : i64, scratch_operands = 0 : i64, tpu.core_type = #tpu.core_type<tc>, window_params = [{transform_indices = @transform_0, window_bounds = array<i64: 2000, 256>}, {pipeline_mode = #tpu.pipeline_mode<synchronous>, transform_indices = @transform_1, window_bounds = array<i64: 256, 256>}, {pipeline_mode = #tpu.pipeline_mode<synchronous>, transform_indices = @transform_2, window_bounds = array<i64: 1, 256>}, {pipeline_mode = #tpu.pipeline_mode<synchronous>, transform_indices = @transform_3, window_bounds = array<i64: 256, 256>}, {transform_indices = @transform_4, window_bounds = array<i64: 2000, 256>}, {transform_indices = @transform_5, window_bounds = array<i64: 2000, 256>}]} {
    %get3A = arith.constant 0 : index
    %get3A_0 = arith.constant 0 : index
    %get3A_1 = vector.load %arg1[%get3A, %get3A_0] : memref<2000x256xf32, #tpu.memory_space<vmem>>, vector<2000x256xf32>
    %get3A_2 = arith.constant 0 : index
    %get3A_3 = arith.constant 0 : index
    %get3A_4 = vector.load %arg2[%get3A_2, %get3A_3] : memref<256x256xf32, #tpu.memory_space<vmem>>, vector<256x256xf32>
    %dot_general3A = arith.constant dense<0.000000e+00> : vector<2000x256xf32>
    %dot_general3A_5 = tpu.matmul %get3A_1, %get3A_4, %dot_general3A {dimension_numbers = #tpu.dot_dimension_numbers<[1], [0], [0], [1], [0, 0, 1, 1], [], []>, transpose_lhs_hint = false} : vector<2000x256xf32>, vector<256x256xf32>, vector<2000x256xf32> -> vector<2000x256xf32>
    %get3A_6 = arith.constant 0 : index
    %get3A_7 = arith.constant 0 : index
    %get3A_8 = vector.load %arg3[%get3A_6, %get3A_7] : memref<1x256xf32, #tpu.memory_space<vmem>>, vector<1x256xf32>
    %add3A = vector.broadcast %get3A_8 : vector<1x256xf32> to vector<2000x256xf32>
    %add3A_9 = arith.addf %dot_general3A_5, %add3A : vector<2000x256xf32>
    %swap3A = arith.constant 0 : index
    %swap3A_10 = arith.constant 0 : index
    %swap3A_11 = vector.load %arg5[%swap3A, %swap3A_10] : memref<2000x256xf32, #tpu.memory_space<vmem>>, vector<2000x256xf32>
    tpu.vector_store %arg5[%swap3A, %swap3A_10], %add3A_9 {strides = array<i32>} : memref<2000x256xf32, #tpu.memory_space<vmem>>, vector<2000x256xf32>,
    %get3A_12 = arith.constant 0 : index
    %get3A_13 = arith.constant 0 : index
    %get3A_14 = vector.load %arg4[%get3A_12, %get3A_13] : memref<256x256xf32, #tpu.memory_space<vmem>>, vector<256x256xf32>
    %dot_general3A_15 = arith.constant dense<0.000000e+00> : vector<2000x256xf32>
    %dot_general3A_16 = tpu.matmul %add3A_9, %get3A_14, %dot_general3A_15 {dimension_numbers = #tpu.dot_dimension_numbers<[1], [0], [0], [1], [0, 0, 1, 1], [], []>, transpose_lhs_hint = false} : vector<2000x256xf32>, vector<256x256xf32>, vector<2000x256xf32> -> vector<2000x256xf32>
    %swap3A_17 = arith.constant 0 : index
    %swap3A_18 = arith.constant 0 : index
    %swap3A_19 = vector.load %arg6[%swap3A_17, %swap3A_18] : memref<2000x256xf32, #tpu.memory_space<vmem>>, vector<2000x256xf32>
    tpu.vector_store %arg6[%swap3A_17, %swap3A_18], %dot_general3A_16 {strides = array<i32>} : memref<2000x256xf32, #tpu.memory_space<vmem>>, vector<2000x256xf32>,
    return
  }
  func.func @transform_0(%arg0: i32) -> (i32, i32) {
    %c0_i32 = arith.constant 0 : i32
    %c0_i32_0 = arith.constant 0 : i32
    return %arg0, %c0_i32 : i32, i32
  }
  func.func @transform_1(%arg0: i32) -> (i32, i32) {
    %c0_i32 = arith.constant 0 : i32
    %c0_i32_0 = arith.constant 0 : i32
    %c0_i32_1 = arith.constant 0 : i32
    return %c0_i32, %c0_i32_0 : i32, i32
  }
  func.func @transform_2(%arg0: i32) -> (i32, i32) {
    %c0_i32 = arith.constant 0 : i32
    %c0_i32_0 = arith.constant 0 : i32
    %c0_i32_1 = arith.constant 0 : i32
    return %c0_i32, %c0_i32_0 : i32, i32
  }
  func.func @transform_3(%arg0: i32) -> (i32, i32) {
    %c0_i32 = arith.constant 0 : i32
    %c0_i32_0 = arith.constant 0 : i32
    %c0_i32_1 = arith.constant 0 : i32
    return %c0_i32, %c0_i32_0 : i32, i32
  }
  func.func @transform_4(%arg0: i32) -> (i32, i32) {
    %c0_i32 = arith.constant 0 : i32
    %c0_i32_0 = arith.constant 0 : i32
    return %arg0, %c0_i32 : i32, i32
  }
  func.func @transform_5(%arg0: i32) -> (i32, i32) {
    %c0_i32 = arith.constant 0 : i32
    %c0_i32_0 = arith.constant 0 : i32
    return %arg0, %c0_i32 : i32, i32
  }
}

module attributes {stable_mosaic.version = 14 : i64} {
  func.func @body(%arg0: i32, %arg1: memref<2x2000x128xf32, #tpu.memory_space<vmem>>, %arg2: memref<2000x256xf32, #tpu.memory_space<vmem>>, %arg3: memref<2000x256xf32, #tpu.memory_space<vmem>>, %arg4: memref<2000x128xf32, #tpu.memory_space<vmem>>, %arg5: memref<1x256xf32, #tpu.memory_space<vmem>>, %arg6: memref<256x256xf32, #tpu.memory_space<vmem>>, %arg7: memref<1x256xf32, #tpu.memory_space<vmem>>, %arg8: memref<128x256xf32, #tpu.memory_space<vmem>>, %arg9: memref<128x256xf32, #tpu.memory_space<vmem>>, %arg10: memref<1x256xf32, #tpu.memory_space<vmem>>, %arg11: memref<256x256xf32, #tpu.memory_space<vmem>>, %arg12: memref<256x256xf32, #tpu.memory_space<vmem>>, %arg13: memref<1x256xf32, #tpu.memory_space<vmem>>, %arg14: memref<256x256xf32, #tpu.memory_space<vmem>>, %arg15: memref<1x256xf32, #tpu.memory_space<vmem>>, %arg16: memref<2000x256xf32, #tpu.memory_space<vmem>>, %arg17: memref<1x128xf32, #tpu.memory_space<vmem>>, %arg18: memref<2000x256xf32, #tpu.memory_space<vmem>>) attributes {dimension_semantics = [#tpu.dimension_semantics<arbitrary>], iteration_bounds = array<i64: 5>, scalar_prefetch = 0 : i64, scratch_operands = 0 : i64, tpu.core_type = #tpu.core_type<tc>, window_params = [{transform_indices = @transform_0, window_bounds = array<i64: 2, 2000, 128>}, {transform_indices = @transform_1, window_bounds = array<i64: 2000, 256>}, {transform_indices = @transform_2, window_bounds = array<i64: 2000, 256>}, {transform_indices = @transform_3, window_bounds = array<i64: 2000, 128>}, {pipeline_mode = #tpu.pipeline_mode<synchronous>, transform_indices = @transform_4, window_bounds = array<i64: 1, 256>}, {pipeline_mode = #tpu.pipeline_mode<synchronous>, transform_indices = @transform_5, window_bounds = array<i64: 256, 256>}, {pipeline_mode = #tpu.pipeline_mode<synchronous>, transform_indices = @transform_6, window_bounds = array<i64: 1, 256>}, {pipeline_mode = #tpu.pipeline_mode<synchronous>, transform_indices = @transform_7, window_bounds = array<i64: 128, 256>}, {pipeline_mode = #tpu.pipeline_mode<synchronous>, transform_indices = @transform_8, window_bounds = array<i64: 128, 256>}, {pipeline_mode = #tpu.pipeline_mode<synchronous>, transform_indices = @transform_9, window_bounds = array<i64: 1, 256>}, {pipeline_mode = #tpu.pipeline_mode<synchronous>, transform_indices = @transform_10, window_bounds = array<i64: 256, 256>}, {pipeline_mode = #tpu.pipeline_mode<synchronous>, transform_indices = @transform_11, window_bounds = array<i64: 256, 256>}, {pipeline_mode = #tpu.pipeline_mode<synchronous>, transform_indices = @transform_12, window_bounds = array<i64: 1, 256>}, {pipeline_mode = #tpu.pipeline_mode<synchronous>, transform_indices = @transform_13, window_bounds = array<i64: 256, 256>}, {pipeline_mode = #tpu.pipeline_mode<synchronous>, transform_indices = @transform_14, window_bounds = array<i64: 1, 256>}, {transform_indices = @transform_15, window_bounds = array<i64: 2000, 256>}, {pipeline_mode = #tpu.pipeline_mode<synchronous>, transform_indices = @transform_16, window_bounds = array<i64: 1, 128>}, {transform_indices = @transform_17, window_bounds = array<i64: 2000, 256>}]} {
    %get3A = arith.constant 0 : index
    %get3A_0 = arith.constant 0 : index
    %get3A_1 = vector.load %arg5[%get3A, %get3A_0] : memref<1x256xf32, #tpu.memory_space<vmem>>, vector<1x256xf32>
    %get3A_2 = arith.constant 0 : index
    %get3A_3 = arith.constant 0 : index
    %get3A_4 = vector.load %arg6[%get3A_2, %get3A_3] : memref<256x256xf32, #tpu.memory_space<vmem>>, vector<256x256xf32>
    %dot_general3A = arith.constant dense<0.000000e+00> : vector<1x256xf32>
    %dot_general3A_5 = tpu.matmul %get3A_1, %get3A_4, %dot_general3A {dimension_numbers = #tpu.dot_dimension_numbers<[1], [0], [0], [1], [0, 0, 1, 1], [], []>, transpose_lhs_hint = false} : vector<1x256xf32>, vector<256x256xf32>, vector<1x256xf32> -> vector<1x256xf32>
    %get3A_6 = arith.constant 0 : index
    %get3A_7 = arith.constant 0 : index
    %get3A_8 = vector.load %arg7[%get3A_6, %get3A_7] : memref<1x256xf32, #tpu.memory_space<vmem>>, vector<1x256xf32>
    %add3A = arith.addf %dot_general3A_5, %get3A_8 : vector<1x256xf32>
    %get3A_9 = arith.constant 0 : index
    %get3A_10 = arith.constant 0 : index
    %get3A_11 = vector.load %arg2[%get3A_9, %get3A_10] : memref<2000x256xf32, #tpu.memory_space<vmem>>, vector<2000x256xf32>
    %get3A_12 = arith.constant 0 : index
    %get3A_13 = arith.constant 0 : index
    %get3A_14 = arith.constant 0 : index
    %get3A_15 = vector.load %arg1[%get3A_12, %get3A_13, %get3A_14] : memref<2x2000x128xf32, #tpu.memory_space<vmem>>, vector<1x2000x128xf32>
    %get3A_16 = vector.shape_cast %get3A_15 : vector<1x2000x128xf32> to vector<2000x128xf32>
    %slice3A = vector.extract_strided_slice %get3A_11 {offsets = [0, 0], sizes = [2000, 128], strides = [1, 1]} : vector<2000x256xf32> to vector<2000x128xf32>
    %slice3A_17 = vector.extract_strided_slice %add3A {offsets = [0, 0], sizes = [1, 128], strides = [1, 1]} : vector<1x256xf32> to vector<1x128xf32>
    %add3A_18 = vector.broadcast %slice3A_17 : vector<1x128xf32> to vector<2000x128xf32>
    %add3A_19 = arith.addf %slice3A, %add3A_18 : vector<2000x128xf32>
    %max3A = arith.constant 0.000000e+00 : f32
    %max3A_20 = vector.broadcast %max3A : f32 to vector<2000x128xf32>
    %max3A_21 = arith.maximumf %add3A_19, %max3A_20 : vector<2000x128xf32>
    %add3A_22 = arith.addf %get3A_16, %max3A_21 : vector<2000x128xf32>
    %get3A_23 = arith.constant 1 : index
    %get3A_24 = arith.constant 0 : index
    %get3A_25 = arith.constant 0 : index
    %get3A_26 = vector.load %arg1[%get3A_23, %get3A_24, %get3A_25] : memref<2x2000x128xf32, #tpu.memory_space<vmem>>, vector<1x2000x128xf32>
    %get3A_27 = vector.shape_cast %get3A_26 : vector<1x2000x128xf32> to vector<2000x128xf32>
    %slice3A_28 = vector.extract_strided_slice %get3A_11 {offsets = [0, 128], sizes = [2000, 128], strides = [1, 1]} : vector<2000x256xf32> to vector<2000x128xf32>
    %slice3A_29 = vector.extract_strided_slice %add3A {offsets = [0, 128], sizes = [1, 128], strides = [1, 1]} : vector<1x256xf32> to vector<1x128xf32>
    %add3A_30 = vector.broadcast %slice3A_29 : vector<1x128xf32> to vector<2000x128xf32>
    %add3A_31 = arith.addf %slice3A_28, %add3A_30 : vector<2000x128xf32>
    %max3A_32 = arith.constant 0.000000e+00 : f32
    %max3A_33 = vector.broadcast %max3A_32 : f32 to vector<2000x128xf32>
    %max3A_34 = arith.maximumf %add3A_31, %max3A_33 : vector<2000x128xf32>
    %add3A_35 = arith.addf %get3A_27, %max3A_34 : vector<2000x128xf32>
    %get3A_36 = arith.constant 0 : index
    %get3A_37 = arith.constant 0 : index
    %get3A_38 = vector.load %arg8[%get3A_36, %get3A_37] : memref<128x256xf32, #tpu.memory_space<vmem>>, vector<128x256xf32>
    %dot_general3A_39 = arith.constant dense<0.000000e+00> : vector<2000x256xf32>
    %dot_general3A_40 = tpu.matmul %add3A_22, %get3A_38, %dot_general3A_39 {dimension_numbers = #tpu.dot_dimension_numbers<[1], [0], [0], [1], [0, 0, 1, 1], [], []>, transpose_lhs_hint = false} : vector<2000x128xf32>, vector<128x256xf32>, vector<2000x256xf32> -> vector<2000x256xf32>
    %get3A_41 = arith.constant 0 : index
    %get3A_42 = arith.constant 0 : index
    %get3A_43 = vector.load %arg9[%get3A_41, %get3A_42] : memref<128x256xf32, #tpu.memory_space<vmem>>, vector<128x256xf32>
    %dot_general3A_44 = arith.constant dense<0.000000e+00> : vector<2000x256xf32>
    %dot_general3A_45 = tpu.matmul %add3A_35, %get3A_43, %dot_general3A_44 {dimension_numbers = #tpu.dot_dimension_numbers<[1], [0], [0], [1], [0, 0, 1, 1], [], []>, transpose_lhs_hint = false} : vector<2000x128xf32>, vector<128x256xf32>, vector<2000x256xf32> -> vector<2000x256xf32>
    %add3A_46 = arith.addf %dot_general3A_40, %dot_general3A_45 : vector<2000x256xf32>
    %get3A_47 = arith.constant 0 : index
    %get3A_48 = arith.constant 0 : index
    %get3A_49 = vector.load %arg4[%get3A_47, %get3A_48] : memref<2000x128xf32, #tpu.memory_space<vmem>>, vector<2000x128xf32>
    %slice3A_50 = vector.extract_strided_slice %get3A_49 {offsets = [0, 0], sizes = [2000, 1], strides = [1, 1]} : vector<2000x128xf32> to vector<2000x1xf32>
    %add3A_51 = arith.constant 1.000000e+00 : f32
    %add3A_52 = vector.broadcast %add3A_51 : f32 to vector<2000x1xf32>
    %add3A_53 = arith.addf %slice3A_50, %add3A_52 : vector<2000x1xf32>
    %get3A_54 = arith.constant 0 : index
    %get3A_55 = arith.constant 0 : index
    %get3A_56 = vector.load %arg10[%get3A_54, %get3A_55] : memref<1x256xf32, #tpu.memory_space<vmem>>, vector<1x256xf32>
    %mul3A = vector.broadcast %add3A_53 : vector<2000x1xf32> to vector<2000x256xf32>
    %mul3A_57 = vector.broadcast %get3A_56 : vector<1x256xf32> to vector<2000x256xf32>
    %mul3A_58 = arith.mulf %mul3A, %mul3A_57 : vector<2000x256xf32>
    %add3A_59 = arith.addf %add3A_46, %mul3A_58 : vector<2000x256xf32>
    %get3A_60 = arith.constant 0 : index
    %get3A_61 = arith.constant 0 : index
    %get3A_62 = vector.load %arg11[%get3A_60, %get3A_61] : memref<256x256xf32, #tpu.memory_space<vmem>>, vector<256x256xf32>
    %dot_general3A_63 = arith.constant dense<0.000000e+00> : vector<2000x256xf32>
    %dot_general3A_64 = tpu.matmul %add3A_59, %get3A_62, %dot_general3A_63 {dimension_numbers = #tpu.dot_dimension_numbers<[1], [0], [0], [1], [0, 0, 1, 1], [], []>, transpose_lhs_hint = false} : vector<2000x256xf32>, vector<256x256xf32>, vector<2000x256xf32> -> vector<2000x256xf32>
    %get3A_65 = arith.constant 0 : index
    %get3A_66 = arith.constant 0 : index
    %get3A_67 = vector.load %arg3[%get3A_65, %get3A_66] : memref<2000x256xf32, #tpu.memory_space<vmem>>, vector<2000x256xf32>
    %get3A_68 = arith.constant 0 : index
    %get3A_69 = arith.constant 0 : index
    %get3A_70 = vector.load %arg12[%get3A_68, %get3A_69] : memref<256x256xf32, #tpu.memory_space<vmem>>, vector<256x256xf32>
    %dot_general3A_71 = arith.constant dense<0.000000e+00> : vector<2000x256xf32>
    %dot_general3A_72 = tpu.matmul %get3A_67, %get3A_70, %dot_general3A_71 {dimension_numbers = #tpu.dot_dimension_numbers<[1], [0], [0], [1], [0, 0, 1, 1], [], []>, transpose_lhs_hint = false} : vector<2000x256xf32>, vector<256x256xf32>, vector<2000x256xf32> -> vector<2000x256xf32>
    %add3A_73 = arith.addf %dot_general3A_64, %dot_general3A_72 : vector<2000x256xf32>
    %get3A_74 = arith.constant 0 : index
    %get3A_75 = arith.constant 0 : index
    %get3A_76 = vector.load %arg13[%get3A_74, %get3A_75] : memref<1x256xf32, #tpu.memory_space<vmem>>, vector<1x256xf32>
    %add3A_77 = vector.broadcast %get3A_76 : vector<1x256xf32> to vector<2000x256xf32>
    %add3A_78 = arith.addf %add3A_73, %add3A_77 : vector<2000x256xf32>
    %max3A_79 = arith.constant 0.000000e+00 : f32
    %max3A_80 = vector.broadcast %max3A_79 : f32 to vector<2000x256xf32>
    %max3A_81 = arith.maximumf %add3A_78, %max3A_80 : vector<2000x256xf32>
    %get3A_82 = arith.constant 0 : index
    %get3A_83 = arith.constant 0 : index
    %get3A_84 = vector.load %arg14[%get3A_82, %get3A_83] : memref<256x256xf32, #tpu.memory_space<vmem>>, vector<256x256xf32>
    %dot_general3A_85 = arith.constant dense<0.000000e+00> : vector<2000x256xf32>
    %dot_general3A_86 = tpu.matmul %max3A_81, %get3A_84, %dot_general3A_85 {dimension_numbers = #tpu.dot_dimension_numbers<[1], [0], [0], [1], [0, 0, 1, 1], [], []>, transpose_lhs_hint = false} : vector<2000x256xf32>, vector<256x256xf32>, vector<2000x256xf32> -> vector<2000x256xf32>
    %get3A_87 = arith.constant 0 : index
    %get3A_88 = arith.constant 0 : index
    %get3A_89 = vector.load %arg15[%get3A_87, %get3A_88] : memref<1x256xf32, #tpu.memory_space<vmem>>, vector<1x256xf32>
    %add3A_90 = vector.broadcast %get3A_89 : vector<1x256xf32> to vector<2000x256xf32>
    %add3A_91 = arith.addf %dot_general3A_86, %add3A_90 : vector<2000x256xf32>
    %get3A_92 = arith.constant 0 : index
    %get3A_93 = arith.constant 0 : index
    %get3A_94 = vector.load %arg17[%get3A_92, %get3A_93] : memref<1x128xf32, #tpu.memory_space<vmem>>, vector<1x128xf32>
    %slice3A_95 = vector.extract_strided_slice %get3A_94 {offsets = [0, 0], sizes = [1, 1], strides = [1, 1]} : vector<1x128xf32> to vector<1x1xf32>
    %max3A_96 = arith.constant 0.000000e+00 : f32
    %max3A_97 = vector.broadcast %max3A_96 : f32 to vector<1x1xf32>
    %max3A_98 = arith.maximumf %slice3A_95, %max3A_97 : vector<1x1xf32>
    %get3A_99 = arith.constant 0 : index
    %get3A_100 = arith.constant 0 : index
    %get3A_101 = vector.load %arg16[%get3A_99, %get3A_100] : memref<2000x256xf32, #tpu.memory_space<vmem>>, vector<2000x256xf32>
    %mul3A_102 = vector.broadcast %max3A_98 : vector<1x1xf32> to vector<2000x256xf32>
    %mul3A_103 = arith.mulf %mul3A_102, %get3A_101 : vector<2000x256xf32>
    %add3A_104 = arith.addf %add3A_91, %mul3A_103 : vector<2000x256xf32>
    %swap3A = arith.constant 0 : index
    %swap3A_105 = arith.constant 0 : index
    %swap3A_106 = vector.load %arg18[%swap3A, %swap3A_105] : memref<2000x256xf32, #tpu.memory_space<vmem>>, vector<2000x256xf32>
    tpu.vector_store %arg18[%swap3A, %swap3A_105], %add3A_104 {strides = array<i32>} : memref<2000x256xf32, #tpu.memory_space<vmem>>, vector<2000x256xf32>,
    return
  }
  func.func @transform_0(%arg0: i32) -> (i32, i32, i32) {
    %c0_i32 = arith.constant 0 : i32
    %c0_i32_0 = arith.constant 0 : i32
    %c0_i32_1 = arith.constant 0 : i32
    return %c0_i32, %arg0, %c0_i32_0 : i32, i32, i32
  }
  func.func @transform_1(%arg0: i32) -> (i32, i32) {
    %c0_i32 = arith.constant 0 : i32
    %c0_i32_0 = arith.constant 0 : i32
    return %arg0, %c0_i32 : i32, i32
  }
  func.func @transform_2(%arg0: i32) -> (i32, i32) {
    %c0_i32 = arith.constant 0 : i32
    %c0_i32_0 = arith.constant 0 : i32
    return %arg0, %c0_i32 : i32, i32
  }
  func.func @transform_3(%arg0: i32) -> (i32, i32) {
    %c0_i32 = arith.constant 0 : i32
    %c0_i32_0 = arith.constant 0 : i32
    return %arg0, %c0_i32 : i32, i32
  }
  func.func @transform_4(%arg0: i32) -> (i32, i32) {
    %c0_i32 = arith.constant 0 : i32
    %c0_i32_0 = arith.constant 0 : i32
    %c0_i32_1 = arith.constant 0 : i32
    return %c0_i32, %c0_i32_0 : i32, i32
  }
  func.func @transform_5(%arg0: i32) -> (i32, i32) {
    %c0_i32 = arith.constant 0 : i32
    %c0_i32_0 = arith.constant 0 : i32
    %c0_i32_1 = arith.constant 0 : i32
    return %c0_i32, %c0_i32_0 : i32, i32
  }
  func.func @transform_6(%arg0: i32) -> (i32, i32) {
    %c0_i32 = arith.constant 0 : i32
    %c0_i32_0 = arith.constant 0 : i32
    %c0_i32_1 = arith.constant 0 : i32
    return %c0_i32, %c0_i32_0 : i32, i32
  }
  func.func @transform_7(%arg0: i32) -> (i32, i32) {
    %c0_i32 = arith.constant 0 : i32
    %c0_i32_0 = arith.constant 0 : i32
    %c0_i32_1 = arith.constant 0 : i32
    return %c0_i32, %c0_i32_0 : i32, i32
  }
  func.func @transform_8(%arg0: i32) -> (i32, i32) {
    %c0_i32 = arith.constant 0 : i32
    %c0_i32_0 = arith.constant 0 : i32
    %c0_i32_1 = arith.constant 0 : i32
    return %c0_i32, %c0_i32_0 : i32, i32
  }
  func.func @transform_9(%arg0: i32) -> (i32, i32) {
    %c0_i32 = arith.constant 0 : i32
    %c0_i32_0 = arith.constant 0 : i32
    %c0_i32_1 = arith.constant 0 : i32
    return %c0_i32, %c0_i32_0 : i32, i32
  }
  func.func @transform_10(%arg0: i32) -> (i32, i32) {
    %c0_i32 = arith.constant 0 : i32
    %c0_i32_0 = arith.constant 0 : i32
    %c0_i32_1 = arith.constant 0 : i32
    return %c0_i32, %c0_i32_0 : i32, i32
  }
  func.func @transform_11(%arg0: i32) -> (i32, i32) {
    %c0_i32 = arith.constant 0 : i32
    %c0_i32_0 = arith.constant 0 : i32
    %c0_i32_1 = arith.constant 0 : i32
    return %c0_i32, %c0_i32_0 : i32, i32
  }
  func.func @transform_12(%arg0: i32) -> (i32, i32) {
    %c0_i32 = arith.constant 0 : i32
    %c0_i32_0 = arith.constant 0 : i32
    %c0_i32_1 = arith.constant 0 : i32
    return %c0_i32, %c0_i32_0 : i32, i32
  }
  func.func @transform_13(%arg0: i32) -> (i32, i32) {
    %c0_i32 = arith.constant 0 : i32
    %c0_i32_0 = arith.constant 0 : i32
    %c0_i32_1 = arith.constant 0 : i32
    return %c0_i32, %c0_i32_0 : i32, i32
  }
  func.func @transform_14(%arg0: i32) -> (i32, i32) {
    %c0_i32 = arith.constant 0 : i32
    %c0_i32_0 = arith.constant 0 : i32
    %c0_i32_1 = arith.constant 0 : i32
    return %c0_i32, %c0_i32_0 : i32, i32
  }
  func.func @transform_15(%arg0: i32) -> (i32, i32) {
    %c0_i32 = arith.constant 0 : i32
    %c0_i32_0 = arith.constant 0 : i32
    return %arg0, %c0_i32 : i32, i32
  }
  func.func @transform_16(%arg0: i32) -> (i32, i32) {
    %c0_i32 = arith.constant 0 : i32
    %c0_i32_0 = arith.constant 0 : i32
    %c0_i32_1 = arith.constant 0 : i32
    return %c0_i32, %c0_i32_0 : i32, i32
  }
  func.func @transform_17(%arg0: i32) -> (i32, i32) {
    %c0_i32 = arith.constant 0 : i32
    %c0_i32_0 = arith.constant 0 : i32
    return %arg0, %c0_i32 : i32, i32
  }
}

module attributes {stable_mosaic.version = 14 : i64} {
  func.func @body(%arg0: i32, %arg1: memref<2x2000x128xf32, #tpu.memory_space<vmem>>, %arg2: memref<2000x256xf32, #tpu.memory_space<vmem>>, %arg3: memref<2000x256xf32, #tpu.memory_space<vmem>>, %arg4: memref<2000x128xf32, #tpu.memory_space<vmem>>, %arg5: memref<1x256xf32, #tpu.memory_space<vmem>>, %arg6: memref<256x256xf32, #tpu.memory_space<vmem>>, %arg7: memref<1x256xf32, #tpu.memory_space<vmem>>, %arg8: memref<128x256xf32, #tpu.memory_space<vmem>>, %arg9: memref<128x256xf32, #tpu.memory_space<vmem>>, %arg10: memref<1x256xf32, #tpu.memory_space<vmem>>, %arg11: memref<256x256xf32, #tpu.memory_space<vmem>>, %arg12: memref<256x256xf32, #tpu.memory_space<vmem>>, %arg13: memref<1x256xf32, #tpu.memory_space<vmem>>, %arg14: memref<256x256xf32, #tpu.memory_space<vmem>>, %arg15: memref<1x256xf32, #tpu.memory_space<vmem>>, %arg16: memref<2000x256xf32, #tpu.memory_space<vmem>>, %arg17: memref<1x128xf32, #tpu.memory_space<vmem>>, %arg18: memref<2000x256xf32, #tpu.memory_space<vmem>>) attributes {dimension_semantics = [#tpu.dimension_semantics<arbitrary>], iteration_bounds = array<i64: 5>, scalar_prefetch = 0 : i64, scratch_operands = 0 : i64, tpu.core_type = #tpu.core_type<tc>, window_params = [{transform_indices = @transform_0, window_bounds = array<i64: 2, 2000, 128>}, {transform_indices = @transform_1, window_bounds = array<i64: 2000, 256>}, {transform_indices = @transform_2, window_bounds = array<i64: 2000, 256>}, {transform_indices = @transform_3, window_bounds = array<i64: 2000, 128>}, {pipeline_mode = #tpu.pipeline_mode<synchronous>, transform_indices = @transform_4, window_bounds = array<i64: 1, 256>}, {pipeline_mode = #tpu.pipeline_mode<synchronous>, transform_indices = @transform_5, window_bounds = array<i64: 256, 256>}, {pipeline_mode = #tpu.pipeline_mode<synchronous>, transform_indices = @transform_6, window_bounds = array<i64: 1, 256>}, {pipeline_mode = #tpu.pipeline_mode<synchronous>, transform_indices = @transform_7, window_bounds = array<i64: 128, 256>}, {pipeline_mode = #tpu.pipeline_mode<synchronous>, transform_indices = @transform_8, window_bounds = array<i64: 128, 256>}, {pipeline_mode = #tpu.pipeline_mode<synchronous>, transform_indices = @transform_9, window_bounds = array<i64: 1, 256>}, {pipeline_mode = #tpu.pipeline_mode<synchronous>, transform_indices = @transform_10, window_bounds = array<i64: 256, 256>}, {pipeline_mode = #tpu.pipeline_mode<synchronous>, transform_indices = @transform_11, window_bounds = array<i64: 256, 256>}, {pipeline_mode = #tpu.pipeline_mode<synchronous>, transform_indices = @transform_12, window_bounds = array<i64: 1, 256>}, {pipeline_mode = #tpu.pipeline_mode<synchronous>, transform_indices = @transform_13, window_bounds = array<i64: 256, 256>}, {pipeline_mode = #tpu.pipeline_mode<synchronous>, transform_indices = @transform_14, window_bounds = array<i64: 1, 256>}, {transform_indices = @transform_15, window_bounds = array<i64: 2000, 256>}, {pipeline_mode = #tpu.pipeline_mode<synchronous>, transform_indices = @transform_16, window_bounds = array<i64: 1, 128>}, {transform_indices = @transform_17, window_bounds = array<i64: 2000, 256>}]} {
    %get3A = arith.constant 0 : index
    %get3A_0 = arith.constant 0 : index
    %get3A_1 = vector.load %arg5[%get3A, %get3A_0] : memref<1x256xf32, #tpu.memory_space<vmem>>, vector<1x256xf32>
    %get3A_2 = arith.constant 0 : index
    %get3A_3 = arith.constant 0 : index
    %get3A_4 = vector.load %arg6[%get3A_2, %get3A_3] : memref<256x256xf32, #tpu.memory_space<vmem>>, vector<256x256xf32>
    %dot_general3A = arith.constant dense<0.000000e+00> : vector<1x256xf32>
    %dot_general3A_5 = tpu.matmul %get3A_1, %get3A_4, %dot_general3A {dimension_numbers = #tpu.dot_dimension_numbers<[1], [0], [0], [1], [0, 0, 1, 1], [], []>, transpose_lhs_hint = false} : vector<1x256xf32>, vector<256x256xf32>, vector<1x256xf32> -> vector<1x256xf32>
    %get3A_6 = arith.constant 0 : index
    %get3A_7 = arith.constant 0 : index
    %get3A_8 = vector.load %arg7[%get3A_6, %get3A_7] : memref<1x256xf32, #tpu.memory_space<vmem>>, vector<1x256xf32>
    %add3A = arith.addf %dot_general3A_5, %get3A_8 : vector<1x256xf32>
    %get3A_9 = arith.constant 0 : index
    %get3A_10 = arith.constant 0 : index
    %get3A_11 = vector.load %arg2[%get3A_9, %get3A_10] : memref<2000x256xf32, #tpu.memory_space<vmem>>, vector<2000x256xf32>
    %get3A_12 = arith.constant 0 : index
    %get3A_13 = arith.constant 0 : index
    %get3A_14 = arith.constant 0 : index
    %get3A_15 = vector.load %arg1[%get3A_12, %get3A_13, %get3A_14] : memref<2x2000x128xf32, #tpu.memory_space<vmem>>, vector<1x2000x128xf32>
    %get3A_16 = vector.shape_cast %get3A_15 : vector<1x2000x128xf32> to vector<2000x128xf32>
    %slice3A = vector.extract_strided_slice %get3A_11 {offsets = [0, 0], sizes = [2000, 128], strides = [1, 1]} : vector<2000x256xf32> to vector<2000x128xf32>
    %slice3A_17 = vector.extract_strided_slice %add3A {offsets = [0, 0], sizes = [1, 128], strides = [1, 1]} : vector<1x256xf32> to vector<1x128xf32>
    %add3A_18 = vector.broadcast %slice3A_17 : vector<1x128xf32> to vector<2000x128xf32>
    %add3A_19 = arith.addf %slice3A, %add3A_18 : vector<2000x128xf32>
    %max3A = arith.constant 0.000000e+00 : f32
    %max3A_20 = vector.broadcast %max3A : f32 to vector<2000x128xf32>
    %max3A_21 = arith.maximumf %add3A_19, %max3A_20 : vector<2000x128xf32>
    %add3A_22 = arith.addf %get3A_16, %max3A_21 : vector<2000x128xf32>
    %get3A_23 = arith.constant 1 : index
    %get3A_24 = arith.constant 0 : index
    %get3A_25 = arith.constant 0 : index
    %get3A_26 = vector.load %arg1[%get3A_23, %get3A_24, %get3A_25] : memref<2x2000x128xf32, #tpu.memory_space<vmem>>, vector<1x2000x128xf32>
    %get3A_27 = vector.shape_cast %get3A_26 : vector<1x2000x128xf32> to vector<2000x128xf32>
    %slice3A_28 = vector.extract_strided_slice %get3A_11 {offsets = [0, 128], sizes = [2000, 128], strides = [1, 1]} : vector<2000x256xf32> to vector<2000x128xf32>
    %slice3A_29 = vector.extract_strided_slice %add3A {offsets = [0, 128], sizes = [1, 128], strides = [1, 1]} : vector<1x256xf32> to vector<1x128xf32>
    %add3A_30 = vector.broadcast %slice3A_29 : vector<1x128xf32> to vector<2000x128xf32>
    %add3A_31 = arith.addf %slice3A_28, %add3A_30 : vector<2000x128xf32>
    %max3A_32 = arith.constant 0.000000e+00 : f32
    %max3A_33 = vector.broadcast %max3A_32 : f32 to vector<2000x128xf32>
    %max3A_34 = arith.maximumf %add3A_31, %max3A_33 : vector<2000x128xf32>
    %add3A_35 = arith.addf %get3A_27, %max3A_34 : vector<2000x128xf32>
    %get3A_36 = arith.constant 0 : index
    %get3A_37 = arith.constant 0 : index
    %get3A_38 = vector.load %arg8[%get3A_36, %get3A_37] : memref<128x256xf32, #tpu.memory_space<vmem>>, vector<128x256xf32>
    %dot_general3A_39 = arith.constant dense<0.000000e+00> : vector<2000x256xf32>
    %dot_general3A_40 = tpu.matmul %add3A_22, %get3A_38, %dot_general3A_39 {dimension_numbers = #tpu.dot_dimension_numbers<[1], [0], [0], [1], [0, 0, 1, 1], [], []>, transpose_lhs_hint = false} : vector<2000x128xf32>, vector<128x256xf32>, vector<2000x256xf32> -> vector<2000x256xf32>
    %get3A_41 = arith.constant 0 : index
    %get3A_42 = arith.constant 0 : index
    %get3A_43 = vector.load %arg9[%get3A_41, %get3A_42] : memref<128x256xf32, #tpu.memory_space<vmem>>, vector<128x256xf32>
    %dot_general3A_44 = arith.constant dense<0.000000e+00> : vector<2000x256xf32>
    %dot_general3A_45 = tpu.matmul %add3A_35, %get3A_43, %dot_general3A_44 {dimension_numbers = #tpu.dot_dimension_numbers<[1], [0], [0], [1], [0, 0, 1, 1], [], []>, transpose_lhs_hint = false} : vector<2000x128xf32>, vector<128x256xf32>, vector<2000x256xf32> -> vector<2000x256xf32>
    %add3A_46 = arith.addf %dot_general3A_40, %dot_general3A_45 : vector<2000x256xf32>
    %get3A_47 = arith.constant 0 : index
    %get3A_48 = arith.constant 0 : index
    %get3A_49 = vector.load %arg4[%get3A_47, %get3A_48] : memref<2000x128xf32, #tpu.memory_space<vmem>>, vector<2000x128xf32>
    %slice3A_50 = vector.extract_strided_slice %get3A_49 {offsets = [0, 0], sizes = [2000, 1], strides = [1, 1]} : vector<2000x128xf32> to vector<2000x1xf32>
    %add3A_51 = arith.constant 1.000000e+00 : f32
    %add3A_52 = vector.broadcast %add3A_51 : f32 to vector<2000x1xf32>
    %add3A_53 = arith.addf %slice3A_50, %add3A_52 : vector<2000x1xf32>
    %get3A_54 = arith.constant 0 : index
    %get3A_55 = arith.constant 0 : index
    %get3A_56 = vector.load %arg10[%get3A_54, %get3A_55] : memref<1x256xf32, #tpu.memory_space<vmem>>, vector<1x256xf32>
    %mul3A = vector.broadcast %add3A_53 : vector<2000x1xf32> to vector<2000x256xf32>
    %mul3A_57 = vector.broadcast %get3A_56 : vector<1x256xf32> to vector<2000x256xf32>
    %mul3A_58 = arith.mulf %mul3A, %mul3A_57 : vector<2000x256xf32>
    %add3A_59 = arith.addf %add3A_46, %mul3A_58 : vector<2000x256xf32>
    %get3A_60 = arith.constant 0 : index
    %get3A_61 = arith.constant 0 : index
    %get3A_62 = vector.load %arg11[%get3A_60, %get3A_61] : memref<256x256xf32, #tpu.memory_space<vmem>>, vector<256x256xf32>
    %dot_general3A_63 = arith.constant dense<0.000000e+00> : vector<2000x256xf32>
    %dot_general3A_64 = tpu.matmul %add3A_59, %get3A_62, %dot_general3A_63 {dimension_numbers = #tpu.dot_dimension_numbers<[1], [0], [0], [1], [0, 0, 1, 1], [], []>, transpose_lhs_hint = false} : vector<2000x256xf32>, vector<256x256xf32>, vector<2000x256xf32> -> vector<2000x256xf32>
    %get3A_65 = arith.constant 0 : index
    %get3A_66 = arith.constant 0 : index
    %get3A_67 = vector.load %arg3[%get3A_65, %get3A_66] : memref<2000x256xf32, #tpu.memory_space<vmem>>, vector<2000x256xf32>
    %get3A_68 = arith.constant 0 : index
    %get3A_69 = arith.constant 0 : index
    %get3A_70 = vector.load %arg12[%get3A_68, %get3A_69] : memref<256x256xf32, #tpu.memory_space<vmem>>, vector<256x256xf32>
    %dot_general3A_71 = arith.constant dense<0.000000e+00> : vector<2000x256xf32>
    %dot_general3A_72 = tpu.matmul %get3A_67, %get3A_70, %dot_general3A_71 {dimension_numbers = #tpu.dot_dimension_numbers<[1], [0], [0], [1], [0, 0, 1, 1], [], []>, transpose_lhs_hint = false} : vector<2000x256xf32>, vector<256x256xf32>, vector<2000x256xf32> -> vector<2000x256xf32>
    %add3A_73 = arith.addf %dot_general3A_64, %dot_general3A_72 : vector<2000x256xf32>
    %get3A_74 = arith.constant 0 : index
    %get3A_75 = arith.constant 0 : index
    %get3A_76 = vector.load %arg13[%get3A_74, %get3A_75] : memref<1x256xf32, #tpu.memory_space<vmem>>, vector<1x256xf32>
    %add3A_77 = vector.broadcast %get3A_76 : vector<1x256xf32> to vector<2000x256xf32>
    %add3A_78 = arith.addf %add3A_73, %add3A_77 : vector<2000x256xf32>
    %max3A_79 = arith.constant 0.000000e+00 : f32
    %max3A_80 = vector.broadcast %max3A_79 : f32 to vector<2000x256xf32>
    %max3A_81 = arith.maximumf %add3A_78, %max3A_80 : vector<2000x256xf32>
    %get3A_82 = arith.constant 0 : index
    %get3A_83 = arith.constant 0 : index
    %get3A_84 = vector.load %arg14[%get3A_82, %get3A_83] : memref<256x256xf32, #tpu.memory_space<vmem>>, vector<256x256xf32>
    %dot_general3A_85 = arith.constant dense<0.000000e+00> : vector<2000x256xf32>
    %dot_general3A_86 = tpu.matmul %max3A_81, %get3A_84, %dot_general3A_85 {dimension_numbers = #tpu.dot_dimension_numbers<[1], [0], [0], [1], [0, 0, 1, 1], [], []>, transpose_lhs_hint = false} : vector<2000x256xf32>, vector<256x256xf32>, vector<2000x256xf32> -> vector<2000x256xf32>
    %get3A_87 = arith.constant 0 : index
    %get3A_88 = arith.constant 0 : index
    %get3A_89 = vector.load %arg15[%get3A_87, %get3A_88] : memref<1x256xf32, #tpu.memory_space<vmem>>, vector<1x256xf32>
    %add3A_90 = vector.broadcast %get3A_89 : vector<1x256xf32> to vector<2000x256xf32>
    %add3A_91 = arith.addf %dot_general3A_86, %add3A_90 : vector<2000x256xf32>
    %get3A_92 = arith.constant 0 : index
    %get3A_93 = arith.constant 0 : index
    %get3A_94 = vector.load %arg17[%get3A_92, %get3A_93] : memref<1x128xf32, #tpu.memory_space<vmem>>, vector<1x128xf32>
    %slice3A_95 = vector.extract_strided_slice %get3A_94 {offsets = [0, 0], sizes = [1, 1], strides = [1, 1]} : vector<1x128xf32> to vector<1x1xf32>
    %max3A_96 = arith.constant 0.000000e+00 : f32
    %max3A_97 = vector.broadcast %max3A_96 : f32 to vector<1x1xf32>
    %max3A_98 = arith.maximumf %slice3A_95, %max3A_97 : vector<1x1xf32>
    %get3A_99 = arith.constant 0 : index
    %get3A_100 = arith.constant 0 : index
    %get3A_101 = vector.load %arg16[%get3A_99, %get3A_100] : memref<2000x256xf32, #tpu.memory_space<vmem>>, vector<2000x256xf32>
    %mul3A_102 = vector.broadcast %max3A_98 : vector<1x1xf32> to vector<2000x256xf32>
    %mul3A_103 = arith.mulf %mul3A_102, %get3A_101 : vector<2000x256xf32>
    %add3A_104 = arith.addf %add3A_91, %mul3A_103 : vector<2000x256xf32>
    %swap3A = arith.constant 0 : index
    %swap3A_105 = arith.constant 0 : index
    %swap3A_106 = vector.load %arg18[%swap3A, %swap3A_105] : memref<2000x256xf32, #tpu.memory_space<vmem>>, vector<2000x256xf32>
    tpu.vector_store %arg18[%swap3A, %swap3A_105], %add3A_104 {strides = array<i32>} : memref<2000x256xf32, #tpu.memory_space<vmem>>, vector<2000x256xf32>,
    return
  }
  func.func @transform_0(%arg0: i32) -> (i32, i32, i32) {
    %c0_i32 = arith.constant 0 : i32
    %c0_i32_0 = arith.constant 0 : i32
    %c0_i32_1 = arith.constant 0 : i32
    return %c0_i32, %arg0, %c0_i32_0 : i32, i32, i32
  }
  func.func @transform_1(%arg0: i32) -> (i32, i32) {
    %c0_i32 = arith.constant 0 : i32
    %c0_i32_0 = arith.constant 0 : i32
    return %arg0, %c0_i32 : i32, i32
  }
  func.func @transform_2(%arg0: i32) -> (i32, i32) {
    %c0_i32 = arith.constant 0 : i32
    %c0_i32_0 = arith.constant 0 : i32
    return %arg0, %c0_i32 : i32, i32
  }
  func.func @transform_3(%arg0: i32) -> (i32, i32) {
    %c0_i32 = arith.constant 0 : i32
    %c0_i32_0 = arith.constant 0 : i32
    return %arg0, %c0_i32 : i32, i32
  }
  func.func @transform_4(%arg0: i32) -> (i32, i32) {
    %c0_i32 = arith.constant 0 : i32
    %c0_i32_0 = arith.constant 0 : i32
    %c0_i32_1 = arith.constant 0 : i32
    return %c0_i32, %c0_i32_0 : i32, i32
  }
  func.func @transform_5(%arg0: i32) -> (i32, i32) {
    %c0_i32 = arith.constant 0 : i32
    %c0_i32_0 = arith.constant 0 : i32
    %c0_i32_1 = arith.constant 0 : i32
    return %c0_i32, %c0_i32_0 : i32, i32
  }
  func.func @transform_6(%arg0: i32) -> (i32, i32) {
    %c0_i32 = arith.constant 0 : i32
    %c0_i32_0 = arith.constant 0 : i32
    %c0_i32_1 = arith.constant 0 : i32
    return %c0_i32, %c0_i32_0 : i32, i32
  }
  func.func @transform_7(%arg0: i32) -> (i32, i32) {
    %c0_i32 = arith.constant 0 : i32
    %c0_i32_0 = arith.constant 0 : i32
    %c0_i32_1 = arith.constant 0 : i32
    return %c0_i32, %c0_i32_0 : i32, i32
  }
  func.func @transform_8(%arg0: i32) -> (i32, i32) {
    %c0_i32 = arith.constant 0 : i32
    %c0_i32_0 = arith.constant 0 : i32
    %c0_i32_1 = arith.constant 0 : i32
    return %c0_i32, %c0_i32_0 : i32, i32
  }
  func.func @transform_9(%arg0: i32) -> (i32, i32) {
    %c0_i32 = arith.constant 0 : i32
    %c0_i32_0 = arith.constant 0 : i32
    %c0_i32_1 = arith.constant 0 : i32
    return %c0_i32, %c0_i32_0 : i32, i32
  }
  func.func @transform_10(%arg0: i32) -> (i32, i32) {
    %c0_i32 = arith.constant 0 : i32
    %c0_i32_0 = arith.constant 0 : i32
    %c0_i32_1 = arith.constant 0 : i32
    return %c0_i32, %c0_i32_0 : i32, i32
  }
  func.func @transform_11(%arg0: i32) -> (i32, i32) {
    %c0_i32 = arith.constant 0 : i32
    %c0_i32_0 = arith.constant 0 : i32
    %c0_i32_1 = arith.constant 0 : i32
    return %c0_i32, %c0_i32_0 : i32, i32
  }
  func.func @transform_12(%arg0: i32) -> (i32, i32) {
    %c0_i32 = arith.constant 0 : i32
    %c0_i32_0 = arith.constant 0 : i32
    %c0_i32_1 = arith.constant 0 : i32
    return %c0_i32, %c0_i32_0 : i32, i32
  }
  func.func @transform_13(%arg0: i32) -> (i32, i32) {
    %c0_i32 = arith.constant 0 : i32
    %c0_i32_0 = arith.constant 0 : i32
    %c0_i32_1 = arith.constant 0 : i32
    return %c0_i32, %c0_i32_0 : i32, i32
  }
  func.func @transform_14(%arg0: i32) -> (i32, i32) {
    %c0_i32 = arith.constant 0 : i32
    %c0_i32_0 = arith.constant 0 : i32
    %c0_i32_1 = arith.constant 0 : i32
    return %c0_i32, %c0_i32_0 : i32, i32
  }
  func.func @transform_15(%arg0: i32) -> (i32, i32) {
    %c0_i32 = arith.constant 0 : i32
    %c0_i32_0 = arith.constant 0 : i32
    return %arg0, %c0_i32 : i32, i32
  }
  func.func @transform_16(%arg0: i32) -> (i32, i32) {
    %c0_i32 = arith.constant 0 : i32
    %c0_i32_0 = arith.constant 0 : i32
    %c0_i32_1 = arith.constant 0 : i32
    return %c0_i32, %c0_i32_0 : i32, i32
  }
  func.func @transform_17(%arg0: i32) -> (i32, i32) {
    %c0_i32 = arith.constant 0 : i32
    %c0_i32_0 = arith.constant 0 : i32
    return %arg0, %c0_i32 : i32, i32
  }
}

module attributes {stable_mosaic.version = 14 : i64} {
  func.func @_pool_body(%arg0: memref<10000x256xf32, #tpu.memory_space<vmem>>, %arg1: memref<10000x1xi32, #tpu.memory_space<vmem>>, %arg2: memref<64x256xf32, #tpu.memory_space<vmem>>) attributes {dimension_semantics = [], scalar_prefetch = 0 : i64, scratch_operands = 0 : i64, tpu.core_type = #tpu.core_type<tc>} {
    %get3A = arith.constant 0 : index
    %get3A_0 = arith.constant 0 : index
    %get3A_1 = vector.load %arg1[%get3A, %get3A_0] : memref<10000x1xi32, #tpu.memory_space<vmem>>, vector<10000x1xi32>
    %iota3A = tpu.iota {dimensions = array<i32: 1>} : vector<10000x64xi32>
    %eq3A = vector.broadcast %get3A_1 : vector<10000x1xi32> to vector<10000x64xi32>
    %eq3A_2 = arith.cmpi eq, %eq3A, %iota3A : vector<10000x64xi32>
    %convert_element_type3A = arith.extui %eq3A_2 : vector<10000x64xi1> to vector<10000x64xi32>
    %convert_element_type3A_3 = arith.sitofp %convert_element_type3A : vector<10000x64xi32> to vector<10000x64xf32>
    %get3A_4 = arith.constant 0 : index
    %get3A_5 = arith.constant 0 : index
    %get3A_6 = vector.load %arg0[%get3A_4, %get3A_5] : memref<10000x256xf32, #tpu.memory_space<vmem>>, vector<10000x256xf32>
    %dot_general3A = arith.constant dense<0.000000e+00> : vector<64x256xf32>
    %dot_general3A_7 = tpu.matmul %convert_element_type3A_3, %get3A_6, %dot_general3A {dimension_numbers = #tpu.dot_dimension_numbers<[0], [0], [1], [1], [0, 1, 1, 1], [], []>, transpose_lhs_hint = false} : vector<10000x64xf32>, vector<10000x256xf32>, vector<64x256xf32> -> vector<64x256xf32>
    %reduce_sum3A = arith.constant dense<0.000000e+00> : vector<64xf32>
    %reduce_sum3A_8 = vector.multi_reduction <add>, %convert_element_type3A_3, %reduce_sum3A [0] : vector<10000x64xf32> to vector<64xf32>
    %broadcast_in_dim3A = vector.shape_cast %reduce_sum3A_8 : vector<64xf32> to vector<64x1xf32>
    %max3A = arith.constant 1.000000e+00 : f32
    %max3A_9 = vector.broadcast %max3A : f32 to vector<64x1xf32>
    %max3A_10 = arith.maximumf %broadcast_in_dim3A, %max3A_9 : vector<64x1xf32>
    %div3A = vector.broadcast %max3A_10 : vector<64x1xf32> to vector<64x256xf32>
    %div3A_11 = arith.divf %dot_general3A_7, %div3A : vector<64x256xf32>
    %swap3A = arith.constant 0 : index
    %swap3A_12 = arith.constant 0 : index
    %swap3A_13 = vector.load %arg2[%swap3A, %swap3A_12] : memref<64x256xf32, #tpu.memory_space<vmem>>, vector<64x256xf32>
    tpu.vector_store %arg2[%swap3A, %swap3A_12], %div3A_11 {strides = array<i32>} : memref<64x256xf32, #tpu.memory_space<vmem>>, vector<64x256xf32>,
    return
  }
}

</mosaic_0001>

<sc_bundles>
// kernel: kernel.14.cloned.1.call-start
scs
__scs_entry_jumppad:
0x0: {  	(pc) =	sbr.rel $0x88, $3  }
0x1: {  	(tag) =	ssettag $0x0;
	lr =	simm.s32 $0x1  }
0x2: {  	[smem:$0x3F78] =	sst lr;
	_ =	strace $0xD0000000  }
0x3: {  	_ = 	snop  }
0x4: {  	_ = 	snop  }
0x5: {  	_ = 	snop  }
0x6: {  	_ = 	snop  }
0x7: {  	_ = 	snop  }
__scs_overlays_trampoline_lowered:
0x8: {  	[smem:$0x3F87] =	sst s0  }
0x9: {  	[smem:$0x3F88] =	sst s1  }
0xa: {  	[smem:$0x3F89] =	sst s2  }
0xb: {  	[smem:$0x3F8A] =	sst s3  }
0xc: {  	[smem:$0x3F8B] =	sst s4  }
0xd: {  	[smem:$0x3F8C] =	sst s5  }
0xe: {  	[smem:$0x3F8D] =	sst s6  }
0xf: {  	[smem:$0x3F8E] =	sst s7  }
0x10: {  	[smem:$0x3F8F] =	sst s8  }
0x11: {  	[smem:$0x3F90] =	sst s9;
	s0 =	simm.s32 @!p0 $0x0  }
0x12: {  	s1 =	sld [smem:$0x3F76];
	s0 =	simm.s32 @p0 $0x1  }
0x13: {  	[smem:$0x3F91] =	sst s0;
	s0 =	simm.s32 @!p1 $0x0  }
0x14: {  	s2 =	sld [smem:$0x3F75];
	s0 =	simm.s32 @p1 $0x1  }
0x15: {  	[smem:$0x3F92] =	sst s0;
	s0 =	simm.s32 @!p2 $0x0  }
0x16: {  	s3 =	sld [smem:$0x3FDB];
	s0 =	simm.s32 @p2 $0x1  }
0x17: {  	s4 =	simm.s32 $0x1BF5;
	[smem:$0x3F94] =	sst s0  }
0x18: {  	s0 =	sld [smem:$0x3F77];
	_ =	swait.ge [sflag:s4], $0x0  }
0x19: {  	s7 =	sld [smem:$0x3F78]  }
0x1a: {  	s8 =	sadd.s32 $0xFFFFE003, lr  }
0x1b: {  	s9 =	sadd.s32 $0xFFFFFEF7, lr;
	s5 =	simm.s32 $0xFFFFFFFF;
	p2 =	slt.u32 s8, $0xFFFFF086  }
0x1c: {  	p1 =	slt.u32 s9, $0xF7A;
	s5 =	simm.s32 @!p2 $0x0  }
0x1d: {  	s5 =	simm.s32 @p1 $0x1;
	p0 =	seq.s32 s7, s2  }
0x1e: {  	s7 =	smul.u32 @!p0 $0xF7A, s2;
	p2 =	seq.s32 @!p0 s5, $0x0  }
0x1f: {  	s9 =	smul.u32 $0xF7A, s1;
	s8 =	simm.s32 @!p0 $0x1BF5;
	p2 =	por !p2, p0  }
0x20: {  	[sflag:s8] =	ssyncset.s32 @!p0 $0xFFFFF086;
	s6 =	sadd.s32 @!p0 s3, s7;
	s7 =	simm.s32 @!p0 $0x108  }
0x21: {  	s3 =	sadd.s32 s3, s9;
	s6 =	sadd.s32 @!p0 $0x88, s6;
	s7 =	simm.s32 @p2 $0x1082  }
0x22: {  	[simem:s7], [sflag:s8] =	dma.local @!p0 [hbm:s6], $0xF7A  }
0x23: {  	s9 =	sor.u32 $0xD0000000, s2;
	s6 =	simm.s32 $0x108;
	_ =	swait.ge @!p0 [sflag:s8], $0x0  }
0x24: {  	s3 =	sadd.s32 $0x88, s3;
	s6 =	simm.s32 @!p1 $0x1082;
	[sflag:s4] =	ssyncset.s32 $0xFFFFF086  }
0x25: {  	[simem:s6], [sflag:s4] =	dma.local [hbm:s3], $0xF7A  }
0x26: {  	[smem:$0x3F78] =	sst s1;
	(tag) =	ssettag s2;
	_ =	strace s9  }
0x27: {  	s1 =	sld [smem:$0x3F88]  }
0x28: {  	s2 =	sld [smem:$0x3F89]  }
0x29: {  	s4 =	sld [smem:$0x3F8B]  }
0x2a: {  	p0 =	seq.s32 s5, $0x0;
	s5 =	sld [smem:$0x3F8C]  }
0x2b: {  	s6 =	sld [smem:$0x3F8D]  }
0x2c: {  	s7 =	sld [smem:$0x3F8E]  }
0x2d: {  	s3 =	simm.s32 $0x108;
	s8 =	sld [smem:$0x3F8F]  }
0x2e: {  	s3 =	simm.s32 @!p0 $0x1082;
	s9 =	sld [smem:$0x3F90]  }
0x2f: {  	lr =	sadd.s32 s0, s3;
	s0 =	sld [smem:$0x3F87]  }
0x30: {  	s3 =	sld [smem:$0x3F8A]  }
0x31: {  	[smem:$0x3F93] =	sst s10  }
0x32: {  	s10 =	sld [smem:$0x3F91];
	_ =	sdelay $0x3  }
0x33: {  	p0 =	seq.s32 s10, $0x1;
	s10 =	sld [smem:$0x3F93];
	_ =	sdelay $0x3  }
0x34: {  	[smem:$0x3F93] =	sst s10  }
0x35: {  	s10 =	sld [smem:$0x3F92];
	_ =	sdelay $0x3  }
0x36: {  	p1 =	seq.s32 s10, $0x1;
	s10 =	sld [smem:$0x3F93];
	_ =	sdelay $0x3  }
0x37: {  	[smem:$0x3F93] =	sst s10  }
0x38: {  	s10 =	sld [smem:$0x3F94]  }
0x39: {  	_ = 	snop;
	(pc) =	sbr.ind lr, $3  }
0x3a: {  	_ = 	snop  }
0x3b: {  	_ = 	snop  }
0x3c: {  	p2 =	seq.s32 s10, $0x1;
	s10 =	sld [smem:$0x3F93]  }
0x3d: {  	_ =	shalt  }
0x3e: {  	_ =	shalt  }
0x3f: {  	_ =	shalt  }
0x40: {  	_ =	shalt  }
0x41: {  	_ =	shalt  }
0x42: {  	_ =	shalt  }
0x43: {  	_ =	shalt  }
0x44: {  	_ =	shalt  }
0x45: {  	_ =	shalt  }
0x46: {  	_ =	shalt  }
0x47: {  	_ =	shalt  }
0x48: {  	_ =	shalt  }
0x49: {  	_ =	shalt  }
0x4a: {  	_ =	shalt  }
0x4b: {  	_ =	shalt  }
0x4c: {  	_ =	shalt  }
0x4d: {  	_ =	shalt  }
0x4e: {  	_ =	shalt  }
0x4f: {  	_ =	shalt  }
0x50: {  	_ =	shalt  }
0x51: {  	_ =	shalt  }
0x52: {  	_ =	shalt  }
0x53: {  	_ =	shalt  }
0x54: {  	_ =	shalt  }
0x55: {  	_ =	shalt  }
0x56: {  	_ =	shalt  }
0x57: {  	_ =	shalt  }
0x58: {  	_ =	shalt  }
0x59: {  	_ =	shalt  }
0x5a: {  	_ =	shalt  }
0x5b: {  	_ =	shalt  }
0x5c: {  	_ =	shalt  }
0x5d: {  	_ =	shalt  }
0x5e: {  	_ =	shalt  }
0x5f: {  	_ =	shalt  }
0x60: {  	_ =	shalt  }
0x61: {  	_ =	shalt  }
0x62: {  	_ =	shalt  }
0x63: {  	_ =	shalt  }
0x64: {  	_ =	shalt  }
0x65: {  	_ =	shalt  }
0x66: {  	_ =	shalt  }
0x67: {  	_ =	shalt  }
0x68: {  	_ =	shalt  }
0x69: {  	_ =	shalt  }
0x6a: {  	_ =	shalt  }
0x6b: {  	_ =	shalt  }
0x6c: {  	_ =	shalt  }
0x6d: {  	_ =	shalt  }
0x6e: {  	_ =	shalt  }
0x6f: {  	_ =	shalt  }
0x70: {  	_ =	shalt  }
0x71: {  	_ =	shalt  }
0x72: {  	_ =	shalt  }
0x73: {  	_ =	shalt  }
0x74: {  	_ =	shalt  }
0x75: {  	_ =	shalt  }
0x76: {  	_ =	shalt  }
0x77: {  	_ =	shalt  }
0x78: {  	_ =	shalt  }
0x79: {  	_ =	shalt  }
0x7a: {  	_ =	shalt  }
0x7b: {  	_ =	shalt  }
0x7c: {  	_ =	shalt  }
0x7d: {  	_ =	shalt  }
0x7e: {  	_ =	shalt  }
0x7f: {  	_ =	shalt  }
0x80: {  	_ =	shalt  }
0x81: {  	_ =	shalt  }
0x82: {  	_ =	shalt  }
0x83: {  	_ =	shalt  }
0x84: {  	_ =	shalt  }
0x85: {  	_ =	shalt  }
0x86: {  	_ =	shalt  }
0x87: {  	_ =	shalt  }
.Lfunc_end0:
.L_simem_size_0:
called_computation_lowered:
.L_overlay_start_0:
0x88: {  	s2 =	sld [smem:$0x3FD9]  }
0x89: {  	s3 =	sld [smem:$0x3FFE];
	_ =	sdelay $0x1  }
0x8a: {  	s1 =	srdreg.scid  }
0x8b: {  	s0 =	sand.u32 $0x1, s1  }
0x8c: {  	s14 =	sshll.u32 s0, $0xA;
	s2 =	sadd.s32 s3, s2  }
0x8d: {  	s2 =	sadd.s32 s2, s14  }
0x8e: {  	[smem:$0x3F9F] =	sst s2  }
0x8f: {  	_ = 	snop  }
0x90: {  	s2 =	sld [smem:$0x3FD0];
	_ =	sdelay $0x2  }
0x91: {  	s15 =	simm.s32 $0xA;
	s4 =	simm.s32 $0x10  }
0x92: {  	[smem:s4], [sflag:s15] =	dma.local [hbm:s2], $0x1  }
0x93: {  	_ =	swait.eq [sflag:s15], $0x1  }
0x94: {  	[sflag:s15] =	ssyncset.done $0x0  }
0x95: {  	[sflag:s15] =	ssyncadd.s32 $0xFFFFFFFF  }
0x96: {  	s16 =	sld [smem:$0x11];
	(tm) =	ssettm $0x1  }
0x97: {  	s17 =	sld [smem:$0x3FFB];
	_ =	sdelay $0x3  }
0x98: {  	_ =	strace s17  }
0x99: {  	s3 =	sld [smem:$0x3FFC];
	_ =	sdelay $0x3  }
0x9a: {  	_ =	strace s3  }
0x9b: {  	s3 =	sld [smem:$0x3FFD];
	_ =	sdelay $0x3  }
0x9c: {  	_ =	strace s3  }
0x9d: {  	_ =	strace $0x8FFFFFFF  }
0x9e: {  	s18 =	sld [smem:$0x3FDB];
	_ =	sdelay $0x1  }
0x9f: {  	s19 =	simm.s32 $_scs_section_size  }
0xa0: {  	s5 =	simm.s32 $_size__tile_overlayer_lowered;
	s6 =	simm.s32 $_tile_overlayer_lowered  }
0xa1: {  	s22 =	simm.s32 $0x1BFF;
	s21 =	sshll.u32 s6, $0x1;
	s3 =	sadd.s32 s19, s18  }
0xa2: {  	s7 =	simm.s32 $0x0;
	s20 =	sshll.u32 s5, $0x1;
	s5 =	sadd.s32 s21, s3  }
0xa3: {  	[timem:s7], [sflag:s22] =	dma.local [hbm:s5], s20  }
0xa4: {  	_ =	swait.ge [sflag:s22], s20  }
0xa5: {  	s4 =	ssub.s32 $0x0, s20;
	[sflag:s22] =	ssyncset.done $0x0  }
0xa6: {  	[sflag:s22] =	ssyncadd.s32 s4;
	_ =	sdelay $0x1  }
0xa7: {  	s23 =	simm.s32 $0x1B8B  }
0xa8: {  	_ =	swait.ge [sflag:s23], $0x1  }
0xa9: {  	[sflag:s23] =	ssyncset.done $0x0  }
0xaa: {  	s25 =	simm.s32 $0x1B8E;
	s24 =	sld [smem:$0x3FFE];
	[sflag:s23] =	ssyncadd.s32 $0xFFFFFFFF  }
0xab: {  	s26 =	simm.s32 $execute0_lowered;
	[smem:$0x3FD2] =	sst s25  }
0xac: {  	s5 =	sshll.u32 s26, $0x1;
	_ =	strace $0x80000046;
	[dreg:$0x1] =	wrdreg $0xFFFFFFFF  }
0xad: {  	s28 =	simm.s32 $_size_execute0_lowered;
	s3 =	sadd.s32 s3, s5;
	[dreg:$0x0] =	wrdreg $0x0  }
0xae: {  	s5 =	sshll.u32 s28, $0x1;
	[dreg:$0x2] =	wrdreg s3  }
0xaf: {  	[dreg:$0x3] =	wrdreg s5  }
0xb0: {  	[dreg:$0x4] =	wrdreg $0xC0  }
0xb1: {  	_ =	task [dreg:s7], $0x5FFFF  }
0xb2: {  	[dreg:$0x1] =	wrdreg $0xFFFFFFFF  }
0xb3: {  	[dreg:$0x0] =	wrdreg $0x60  }
0xb4: {  	[dreg:$0x2] =	wrdreg s24  }
0xb5: {  	[dreg:$0x3] =	wrdreg s16  }
0xb6: {  	[dreg:$0x4] =	wrdreg $0x28800  }
0xb7: {  	[dreg:$0x5] =	wrdreg $0x9  }
0xb8: {  	_ =	task.clear_ibuf [dreg:s7], $0x6FFFF;
	_ =	strace $0x90000046  }
0xb9: {  	s29 =	simm.s32 $0x9;
	_ =	strace $0x80000048  }
0xba: {  	_ =	swait.ge [sflag:s29], $0x1  }
0xbb: {  	[sflag:s29] =	ssyncadd.s32 $0xFFFFFFFF  }
0xbc: {  	_ =	strace $0x90000048  }
0xbd: {  	_ =	sfence  }
0xbe: {  	s30 =	sld [smem:$0x0];
	_ =	sdelay $0x2  }
0xbf: {  	s31 =	sshll.u32 s1, $0xD;
	s1 =	sshrl.u32 s1, $0x2  }
0xc0: {  	s3 =	sand.u32 $0x4000, s31;
	s1 =	sadd.s32 s1, s30  }
0xc1: {  	s0 =	sor.u32 s3, s0;
	s1 =	sshll.u32 s1, $0x11  }
0xc2: {  	s0 =	sor.u32 s1, s0  }
0xc3: {  	s0 =	sadd.s32 $0x8F2B, s0  }
0xc4: {  	[sflag:s0] =	ssyncadd.remote.s32 $0x1  }
0xc5: {  	_ =	sfence.sel $0xFFFF  }
0xc6: {  	[dreg:$0x0] =	wrdreg $0xFFFFFFFF;
	(pc) =	sbr.abs _section_cstart, $3  }
0xc7: {  	[dreg:$0x1] =	wrdreg $0xFFFFFFFF  }
0xc8: {  	_ =	task.clear_ibuf [dreg:s7], $0x2FFFF;
	_ =	strace $0x9FFFFFFF  }
0xc9: {  	(tm) =	ssettm $0x7FFFFFFF  }
tec
execute0_lowered:
.L_overlay_start_1:
0x0: {  	(tag) =	ssettag $0x1  }
0x1: {  	s6 =	rddreg [dreg:$0x0]  }
0x2: {  	s2 =	rddreg [dreg:$0x1]  }
0x3: {  	s3 =	rddreg [dreg:$0x2]  }
0x4: {  	s1 =	stileid.u32;
	s0 =	rddreg [dreg:$0x3]  }
0x5: {  	s4 =	simm.s32 $0x0;
	s7 =	srdreg.scid;
	s15 =	simm.s32 $0x50  }
0x6: {  	s16 =	simm.s32 $0x1;
	s17 =	simm.s32 $0x0;
	s5 =	smul.u32 $0x9C4, s1  }
0x7: {  	[smem:$0x7FF] =	sst s4;
	s7 =	sand.u32 $0x1, s7;
	s8 =	smul.u32 $0x4E000, s1  }
0x8: {  	s9 =	sadd.s32 $0x22200, s6;
	s12 =	smul.u32 $0x13800, s1;
	s29 =	sshll.u32 s1, $0x6  }
0x9: {  	s14 =	sadd.s32 $0x138000, s3;
	p0 =	sne.s32 s1, $0xF;
	_ =	strace $0x80000047  }
0xa: {  	s28 =	ssub.s32 $0x2, s7;
	s7 =	smul.u32 $0x138800, s7;
	s10 =	sadd.s32 s5, s6  }
0xb: {  	s5 =	sadd.s32 $0x1FA00, s6;
	s11 =	sshrl.u32 s28, $0x1;
	s8 =	sshrl.u32 s8, $0x2  }
0xc: {  	s6 =	sor.u32 $0x1C02, s29;
	s11 =	ssub.s32 s28, s11;
	s13 =	sadd.s32 s8, s3  }
0xd: {  	s30 =	sadd.s32 s12, s7;
	s7 =	sshrl.u32 s7, $0x3;
	s10 =	sadd.s32 $0xBE00, s10  }
0xe: {  	s12 =	simm.s32 $0x2;
	s8 =	sshrl.u32 s30, $0x3;
	s31 =	sadd.s32 s9, s7  }
0xf: {  	s7 =	sadd.s32 s9, s8;
	s8 =	sadd.s32 $0x27000, s31;
	s9 =	smax.u32 s11, $0x1  }
0x10: {  	s11 =	sshrl.u32 s13, $0x3;
	s13 =	sshrl.u32 @!p0 s14, $0x3;
	s14 =	simm.s32 $0x80  }
.LBB2_1:
0x11: {  	[spmem:s11], [sflag:s6] =	dma.local [hbm:s5], $0x2700  }
0x12: {  	_ =	swait.ge [sflag:s12], $0x2700  }
0x13: {  	[sflag:s12] =	ssyncset.done $0x0  }
0x14: {  	s18 =	simm.s32 @!p0 $0x2;
	[sflag:s12] =	ssyncadd.s32 $0xFFFFD900  }
0x15: {  	[spmem:s13], [sflag:s6] =	dma.local @!p0 [hbm:s5], $0x100  }
0x16: {  	_ =	swait.ge @!p0 [sflag:s18], $0x100  }
0x17: {  	[sflag:s18] =	ssyncset.done @!p0 $0x0  }
0x18: {  	[sflag:s18] =	ssyncadd.s32 @!p0 $0xFFFFFF00  }
0x19: {  	[tilespmem:s14], [sflag:$0x2] =	stream.linear.gather [hbm4b:s2+s4], $0x2800, $0x38;
	[tilespmem:$0x16100] =	vst v63  }
0x1a: {  	_ =	swait.ge [sflag:s12], $0x2800  }
0x1b: {  	[sflag:s12] =	ssyncset.done $0x0  }
0x1c: {  	[sflag:s12] =	ssyncadd.s32 $0xFFFFD800  }
0x1d: {  	s31 =	sadd.s32 $0x0, s10;
	[bflag:$0x0] =	sbarrier.arrive $0xFFFF  }
0x1e: {  	[tilespmem:s4], [sflag:$0x2] =	stream.linear.gather [hbm4b:s31+s4], $0x50, $0x38;
	[tilespmem:$0x16100] =	vst v63  }
0x1f: {  	_ =	swait.ge [sflag:s12], $0x50  }
0x20: {  	[sflag:s12] =	ssyncset.done $0x0  }
0x21: {  	[sflag:s12] =	ssyncadd.s32 $0xFFFFFFB0  }
0x22: {  	[spmem:s3] =	stream.indirect.scatter.add.f32 [tilespmem:s14], [sflag:$0x1], $0x80, s4, s15, $0xb8;
	[tilespmem:$0x16100] =	vst v63  }
0x23: {  	_ =	swait.ge [sflag:s16], $0x2800  }
0x24: {  	s19 =	simm.s32 $0x14;
	s18 =	simm.s32 $0xA;
	[sflag:s16] =	ssyncset.done $0x0  }
.LBB2_2:
0x25: {  	s20 =	sadd.s32 s18, s10  }
0x26: {  	[sflag:s16] =	ssyncadd.s32 $0xFFFFD800;
	s18 =	smov.u32 s19;
	s21 =	sadd.s32 $0xA, s19  }
0x27: {  	[tilespmem:s4], [sflag:$0x2] =	stream.linear.gather [hbm4b:s20+s4], $0x50, $0x38;
	[tilespmem:$0x16100] =	vst v63  }
0x28: {  	p1 =	sne.s32 s19, $0x9BA;
	_ =	swait.ge [sflag:s12], $0x50  }
.Ltmp0:
0x29: {  	[sflag:s12] =	ssyncset.done $0x0;
	(pc) =	sbr.rel @p1 .LBB2_2-.Ltmp0, $4  }
0x2a: {  	[sflag:s12] =	ssyncadd.s32 $0xFFFFFFB0  }
0x2b: {  	[spmem:s3] =	stream.indirect.scatter.add.f32 [tilespmem:s14], [sflag:$0x1], $0x80, s4, s15, $0xb8;
	[tilespmem:$0x16100] =	vst v63  }
0x2c: {  	_ =	swait.ge [sflag:s16], $0x2800  }
0x2d: {  	s19 =	smov.u32 s21;
	[sflag:s16] =	ssyncset.done $0x0  }
0x2e: {  	s18 =	sadd.s32 s18, s10;
	[sflag:s16] =	ssyncadd.s32 $0xFFFFD800  }
0x2f: {  	[tilespmem:s4], [sflag:$0x2] =	stream.linear.gather [hbm4b:s18+s4], $0x50, $0x38;
	[tilespmem:$0x16100] =	vst v63  }
0x30: {  	_ =	swait.ge [sflag:s12], $0x50  }
0x31: {  	[sflag:s12] =	ssyncset.done $0x0  }
0x32: {  	[sflag:s12] =	ssyncadd.s32 $0xFFFFFFB0  }
0x33: {  	[spmem:s3] =	stream.indirect.scatter.add.f32 [tilespmem:s14], [sflag:$0x1], $0x80, s4, s15, $0xb8;
	[tilespmem:$0x16100] =	vst v63  }
0x34: {  	_ =	swait.ge [sflag:s16], $0x2800  }
0x35: {  	[sflag:s16] =	ssyncset.done $0x0  }
0x36: {  	[sflag:s16] =	ssyncadd.s32 $0xFFFFD800  }
0x37: {  	[bflag:$0x0] =	sbarrier.arrive $0xFFFF  }
0x38: {  	[hbm:s7], [sflag:s6] =	dma.local [spmem:s11], $0x2700  }
0x39: {  	s17 =	sadd.s32 $0x1, s17;
	_ =	swait.ge [sflag:s12], $0x2700  }
0x3a: {  	p1 =	sne.s32 s17, s9;
	[sflag:s12] =	ssyncset.done $0x0  }
.Ltmp1:
0x3b: {  	s18 =	simm.s32 @!p0 $0x2;
	[sflag:s12] =	ssyncadd.s32 $0xFFFFD900;
	(pc) =	sbr.rel @p1 .LBB2_1-.Ltmp1, $4  }
0x3c: {  	[hbm:s8], [sflag:s6] =	dma.local @!p0 [spmem:s13], $0x100  }
0x3d: {  	_ =	swait.ge @!p0 [sflag:s18], $0x100  }
0x3e: {  	[sflag:s18] =	ssyncset.done @!p0 $0x0  }
0x3f: {  	[sflag:s18] =	ssyncadd.s32 @!p0 $0xFFFFFF00  }
0x40: {  	_ =	sfence.sel $0x180000  }
0x41: {  	[bflag:$0x0] =	sbarrier.arrive $0xFFFF  }
0x42: {  	p0 =	sne.s32 s1, $0x0;
	_ =	strace $0x90000047  }
0x43: {  	s0 =	sadd.s32 @!p0 $0x100000, s0;
	[bflag:$0x2] =	sbarrier.arrive $0xFFFF  }
0x44: {  	[sflag:s0] =	ssyncadd.tile.s32 @!p0 $0x1;
	_ =	shalt  }
.Lfunc_end2:
_tile_overlayer_lowered:
.L_overlay_start_2:
0x45: {  	(tag) =	ssettag $0x2  }
0x46: {  	s0 =	rddreg [dreg:$0x0];
	s2 =	stileid.u32  }
0x47: {  	s1 =	rddreg [dreg:$0x1];
	p0 =	sne.s32 s2, $0x0  }
0x48: {  	s3 =	rddreg [dreg:$0x2];
	[bflag:$0x3] =	sbarrier.arrive $0xFFFF;
	s2 =	simm.s32 @!p0 $0x1C02  }
0x49: {  	[timem:s3], [sflag:s2] =	dma.local @!p0 [hbm:s0], s1  }
0x4a: {  	s0 =	simm.s32 @!p0 $0x2  }
0x4b: {  	_ =	swait.ge @!p0 [sflag:s0], s1  }
0x4c: {  	s1 =	ssub.s32 @!p0 $0x0, s1;
	[sflag:s0] =	ssyncset.done @!p0 $0x0  }
0x4d: {  	[sflag:s0] =	ssyncadd.s32 @!p0 s1  }
0x4e: {  	[bflag:$0x3] =	sbarrier.arrive $0xFFFF  }
0x4f: {  	_ =	shalt  }

// kernel: kernel.17.cloned.1.call-start
scs
__scs_entry_jumppad:
0x0: {  	(pc) =	sbr.rel $0x88, $3  }
0x1: {  	(tag) =	ssettag $0x0;
	lr =	simm.s32 $0x1  }
0x2: {  	[smem:$0x3F78] =	sst lr;
	_ =	strace $0xD0000000  }
0x3: {  	_ = 	snop  }
0x4: {  	_ = 	snop  }
0x5: {  	_ = 	snop  }
0x6: {  	_ = 	snop  }
0x7: {  	_ = 	snop  }
__scs_overlays_trampoline_lowered:
0x8: {  	[smem:$0x3F87] =	sst s0  }
0x9: {  	[smem:$0x3F88] =	sst s1  }
0xa: {  	[smem:$0x3F89] =	sst s2  }
0xb: {  	[smem:$0x3F8A] =	sst s3  }
0xc: {  	[smem:$0x3F8B] =	sst s4  }
0xd: {  	[smem:$0x3F8C] =	sst s5  }
0xe: {  	[smem:$0x3F8D] =	sst s6  }
0xf: {  	[smem:$0x3F8E] =	sst s7  }
0x10: {  	[smem:$0x3F8F] =	sst s8  }
0x11: {  	[smem:$0x3F90] =	sst s9;
	s0 =	simm.s32 @!p0 $0x0  }
0x12: {  	s1 =	sld [smem:$0x3F76];
	s0 =	simm.s32 @p0 $0x1  }
0x13: {  	[smem:$0x3F91] =	sst s0;
	s0 =	simm.s32 @!p1 $0x0  }
0x14: {  	s2 =	sld [smem:$0x3F75];
	s0 =	simm.s32 @p1 $0x1  }
0x15: {  	[smem:$0x3F92] =	sst s0;
	s0 =	simm.s32 @!p2 $0x0  }
0x16: {  	s3 =	sld [smem:$0x3FDB];
	s0 =	simm.s32 @p2 $0x1  }
0x17: {  	s4 =	simm.s32 $0x1BF5;
	[smem:$0x3F94] =	sst s0  }
0x18: {  	s0 =	sld [smem:$0x3F77];
	_ =	swait.ge [sflag:s4], $0x0  }
0x19: {  	s7 =	sld [smem:$0x3F78]  }
0x1a: {  	s8 =	sadd.s32 $0xFFFFE003, lr  }
0x1b: {  	s9 =	sadd.s32 $0xFFFFFEF7, lr;
	s5 =	simm.s32 $0xFFFFFFFF;
	p2 =	slt.u32 s8, $0xFFFFF086  }
0x1c: {  	p1 =	slt.u32 s9, $0xF7A;
	s5 =	simm.s32 @!p2 $0x0  }
0x1d: {  	s5 =	simm.s32 @p1 $0x1;
	p0 =	seq.s32 s7, s2  }
0x1e: {  	s7 =	smul.u32 @!p0 $0xF7A, s2;
	p2 =	seq.s32 @!p0 s5, $0x0  }
0x1f: {  	s9 =	smul.u32 $0xF7A, s1;
	s8 =	simm.s32 @!p0 $0x1BF5;
	p2 =	por !p2, p0  }
0x20: {  	[sflag:s8] =	ssyncset.s32 @!p0 $0xFFFFF086;
	s6 =	sadd.s32 @!p0 s3, s7;
	s7 =	simm.s32 @!p0 $0x108  }
0x21: {  	s3 =	sadd.s32 s3, s9;
	s6 =	sadd.s32 @!p0 $0x88, s6;
	s7 =	simm.s32 @p2 $0x1082  }
0x22: {  	[simem:s7], [sflag:s8] =	dma.local @!p0 [hbm:s6], $0xF7A  }
0x23: {  	s9 =	sor.u32 $0xD0000000, s2;
	s6 =	simm.s32 $0x108;
	_ =	swait.ge @!p0 [sflag:s8], $0x0  }
0x24: {  	s3 =	sadd.s32 $0x88, s3;
	s6 =	simm.s32 @!p1 $0x1082;
	[sflag:s4] =	ssyncset.s32 $0xFFFFF086  }
0x25: {  	[simem:s6], [sflag:s4] =	dma.local [hbm:s3], $0xF7A  }
0x26: {  	[smem:$0x3F78] =	sst s1;
	(tag) =	ssettag s2;
	_ =	strace s9  }
0x27: {  	s1 =	sld [smem:$0x3F88]  }
0x28: {  	s2 =	sld [smem:$0x3F89]  }
0x29: {  	s4 =	sld [smem:$0x3F8B]  }
0x2a: {  	p0 =	seq.s32 s5, $0x0;
	s5 =	sld [smem:$0x3F8C]  }
0x2b: {  	s6 =	sld [smem:$0x3F8D]  }
0x2c: {  	s7 =	sld [smem:$0x3F8E]  }
0x2d: {  	s3 =	simm.s32 $0x108;
	s8 =	sld [smem:$0x3F8F]  }
0x2e: {  	s3 =	simm.s32 @!p0 $0x1082;
	s9 =	sld [smem:$0x3F90]  }
0x2f: {  	lr =	sadd.s32 s0, s3;
	s0 =	sld [smem:$0x3F87]  }
0x30: {  	s3 =	sld [smem:$0x3F8A]  }
0x31: {  	[smem:$0x3F93] =	sst s10  }
0x32: {  	s10 =	sld [smem:$0x3F91];
	_ =	sdelay $0x3  }
0x33: {  	p0 =	seq.s32 s10, $0x1;
	s10 =	sld [smem:$0x3F93];
	_ =	sdelay $0x3  }
0x34: {  	[smem:$0x3F93] =	sst s10  }
0x35: {  	s10 =	sld [smem:$0x3F92];
	_ =	sdelay $0x3  }
0x36: {  	p1 =	seq.s32 s10, $0x1;
	s10 =	sld [smem:$0x3F93];
	_ =	sdelay $0x3  }
0x37: {  	[smem:$0x3F93] =	sst s10  }
0x38: {  	s10 =	sld [smem:$0x3F94]  }
0x39: {  	_ = 	snop;
	(pc) =	sbr.ind lr, $3  }
0x3a: {  	_ = 	snop  }
0x3b: {  	_ = 	snop  }
0x3c: {  	p2 =	seq.s32 s10, $0x1;
	s10 =	sld [smem:$0x3F93]  }
0x3d: {  	_ =	shalt  }
0x3e: {  	_ =	shalt  }
0x3f: {  	_ =	shalt  }
0x40: {  	_ =	shalt  }
0x41: {  	_ =	shalt  }
0x42: {  	_ =	shalt  }
0x43: {  	_ =	shalt  }
0x44: {  	_ =	shalt  }
0x45: {  	_ =	shalt  }
0x46: {  	_ =	shalt  }
0x47: {  	_ =	shalt  }
0x48: {  	_ =	shalt  }
0x49: {  	_ =	shalt  }
0x4a: {  	_ =	shalt  }
0x4b: {  	_ =	shalt  }
0x4c: {  	_ =	shalt  }
0x4d: {  	_ =	shalt  }
0x4e: {  	_ =	shalt  }
0x4f: {  	_ =	shalt  }
0x50: {  	_ =	shalt  }
0x51: {  	_ =	shalt  }
0x52: {  	_ =	shalt  }
0x53: {  	_ =	shalt  }
0x54: {  	_ =	shalt  }
0x55: {  	_ =	shalt  }
0x56: {  	_ =	shalt  }
0x57: {  	_ =	shalt  }
0x58: {  	_ =	shalt  }
0x59: {  	_ =	shalt  }
0x5a: {  	_ =	shalt  }
0x5b: {  	_ =	shalt  }
0x5c: {  	_ =	shalt  }
0x5d: {  	_ =	shalt  }
0x5e: {  	_ =	shalt  }
0x5f: {  	_ =	shalt  }
0x60: {  	_ =	shalt  }
0x61: {  	_ =	shalt  }
0x62: {  	_ =	shalt  }
0x63: {  	_ =	shalt  }
0x64: {  	_ =	shalt  }
0x65: {  	_ =	shalt  }
0x66: {  	_ =	shalt  }
0x67: {  	_ =	shalt  }
0x68: {  	_ =	shalt  }
0x69: {  	_ =	shalt  }
0x6a: {  	_ =	shalt  }
0x6b: {  	_ =	shalt  }
0x6c: {  	_ =	shalt  }
0x6d: {  	_ =	shalt  }
0x6e: {  	_ =	shalt  }
0x6f: {  	_ =	shalt  }
0x70: {  	_ =	shalt  }
0x71: {  	_ =	shalt  }
0x72: {  	_ =	shalt  }
0x73: {  	_ =	shalt  }
0x74: {  	_ =	shalt  }
0x75: {  	_ =	shalt  }
0x76: {  	_ =	shalt  }
0x77: {  	_ =	shalt  }
0x78: {  	_ =	shalt  }
0x79: {  	_ =	shalt  }
0x7a: {  	_ =	shalt  }
0x7b: {  	_ =	shalt  }
0x7c: {  	_ =	shalt  }
0x7d: {  	_ =	shalt  }
0x7e: {  	_ =	shalt  }
0x7f: {  	_ =	shalt  }
0x80: {  	_ =	shalt  }
0x81: {  	_ =	shalt  }
0x82: {  	_ =	shalt  }
0x83: {  	_ =	shalt  }
0x84: {  	_ =	shalt  }
0x85: {  	_ =	shalt  }
0x86: {  	_ =	shalt  }
0x87: {  	_ =	shalt  }
.Lfunc_end0:
.L_simem_size_0:
called_computation.1_lowered:
.L_overlay_start_0:
0x88: {  	s2 =	sld [smem:$0x3FD9]  }
0x89: {  	s3 =	sld [smem:$0x3FFE];
	_ =	sdelay $0x1  }
0x8a: {  	s1 =	srdreg.scid  }
0x8b: {  	s0 =	sand.u32 $0x1, s1  }
0x8c: {  	s16 =	sshll.u32 s0, $0xA;
	s2 =	sadd.s32 s3, s2  }
0x8d: {  	s2 =	sadd.s32 s2, s16  }
0x8e: {  	[smem:$0x3F9F] =	sst s2  }
0x8f: {  	_ = 	snop  }
0x90: {  	(tm) =	ssettm $0x1  }
0x91: {  	s17 =	sld [smem:$0x3FFB];
	_ =	sdelay $0x3  }
0x92: {  	_ =	strace s17  }
0x93: {  	s2 =	sld [smem:$0x3FFC];
	_ =	sdelay $0x3  }
0x94: {  	_ =	strace s2  }
0x95: {  	s2 =	sld [smem:$0x3FFD];
	_ =	sdelay $0x3  }
0x96: {  	_ =	strace s2  }
0x97: {  	_ =	strace $0x8FFFFFFF  }
0x98: {  	s18 =	sld [smem:$0x3FDB];
	_ =	sdelay $0x1  }
0x99: {  	s19 =	simm.s32 $_scs_section_size  }
0x9a: {  	s4 =	simm.s32 $_size__tile_overlayer_lowered;
	s5 =	simm.s32 $_tile_overlayer_lowered  }
0x9b: {  	s22 =	simm.s32 $0x1BFF;
	s21 =	sshll.u32 s5, $0x1;
	s2 =	sadd.s32 s19, s18  }
0x9c: {  	s6 =	simm.s32 $0x0;
	s20 =	sshll.u32 s4, $0x1;
	s4 =	sadd.s32 s21, s2  }
0x9d: {  	[timem:s6], [sflag:s22] =	dma.local [hbm:s4], s20  }
0x9e: {  	_ =	swait.ge [sflag:s22], s20  }
0x9f: {  	s3 =	ssub.s32 $0x0, s20;
	[sflag:s22] =	ssyncset.done $0x0  }
0xa0: {  	[sflag:s22] =	ssyncadd.s32 s3;
	_ =	sdelay $0x1  }
0xa1: {  	s23 =	simm.s32 $0x1B8B  }
0xa2: {  	_ =	swait.ge [sflag:s23], $0x1  }
0xa3: {  	[sflag:s23] =	ssyncset.done $0x0  }
0xa4: {  	s25 =	simm.s32 $0x1B8E;
	s24 =	sld [smem:$0x3FFE];
	[sflag:s23] =	ssyncadd.s32 $0xFFFFFFFF  }
0xa5: {  	s26 =	simm.s32 $execute0_lowered;
	[smem:$0x3FD2] =	sst s25  }
0xa6: {  	s4 =	sshll.u32 s26, $0x1;
	_ =	strace $0x80000049;
	[dreg:$0x1] =	wrdreg $0xFFFFFFFF  }
0xa7: {  	s28 =	simm.s32 $_size_execute0_lowered;
	s2 =	sadd.s32 s2, s4;
	[dreg:$0x0] =	wrdreg $0x0  }
0xa8: {  	s4 =	sshll.u32 s28, $0x1;
	[dreg:$0x2] =	wrdreg s2  }
0xa9: {  	[dreg:$0x3] =	wrdreg s4  }
0xaa: {  	[dreg:$0x4] =	wrdreg $0xC0  }
0xab: {  	_ =	task [dreg:s6], $0x5FFFF  }
0xac: {  	[dreg:$0x1] =	wrdreg $0xFFFFFFFF  }
0xad: {  	[dreg:$0x0] =	wrdreg $0x60  }
0xae: {  	[dreg:$0x2] =	wrdreg s24  }
0xaf: {  	[dreg:$0x3] =	wrdreg $0x51000  }
0xb0: {  	[dreg:$0x4] =	wrdreg $0x9  }
0xb1: {  	_ =	task.clear_ibuf [dreg:s6], $0x5FFFF;
	_ =	strace $0x90000049  }
0xb2: {  	s29 =	simm.s32 $0x9;
	_ =	strace $0x8000004B  }
0xb3: {  	_ =	swait.ge [sflag:s29], $0x1  }
0xb4: {  	[sflag:s29] =	ssyncadd.s32 $0xFFFFFFFF  }
0xb5: {  	_ =	strace $0x9000004B  }
0xb6: {  	_ =	sfence  }
0xb7: {  	s30 =	sld [smem:$0x0];
	_ =	sdelay $0x2  }
0xb8: {  	s31 =	sshll.u32 s1, $0xD;
	s1 =	sshrl.u32 s1, $0x2  }
0xb9: {  	s3 =	sand.u32 $0x4000, s31;
	s1 =	sadd.s32 s1, s30  }
0xba: {  	s0 =	sor.u32 s3, s0;
	s1 =	sshll.u32 s1, $0x11  }
0xbb: {  	s0 =	sor.u32 s1, s0  }
0xbc: {  	s0 =	sadd.s32 $0x8F2B, s0  }
0xbd: {  	[sflag:s0] =	ssyncadd.remote.s32 $0x1  }
0xbe: {  	_ =	sfence.sel $0xFFFF  }
0xbf: {  	[dreg:$0x0] =	wrdreg $0xFFFFFFFF;
	(pc) =	sbr.abs _section_cstart, $3  }
0xc0: {  	[dreg:$0x1] =	wrdreg $0xFFFFFFFF  }
0xc1: {  	_ =	task.clear_ibuf [dreg:s6], $0x2FFFF;
	_ =	strace $0x9FFFFFFF  }
0xc2: {  	(tm) =	ssettm $0x7FFFFFFF  }
0xc3: {  	_ =	shalt  }
tec
execute0_lowered:
.L_overlay_start_1:
0x0: {  	(tag) =	ssettag $0x1  }
0x1: {  	s9 =	rddreg [dreg:$0x0]  }
0x2: {  	s1 =	rddreg [dreg:$0x1]  }
0x3: {  	s0 =	rddreg [dreg:$0x2]  }
0x4: {  	s2 =	simm.s32 $0x0;
	s4 =	srdreg.scid;
	s18 =	simm.s32 $0x80  }
0x5: {  	s19 =	simm.s32 $0x100;
	s21 =	simm.s32 $0x2900;
	s22 =	simm.s32 $0x1  }
0x6: {  	s28 =	simm.s32 $0x0;
	[smem:$0x7FF] =	sst s2;
	s3 =	sadd.s32 $0x15C00, s9  }
0x7: {  	s5 =	sadd.s32 $0xBE00, s9;
	s6 =	sadd.s32 $0x5A6600, s9;
	s20 =	sand.u32 $0x1, s4  }
0x8: {  	s7 =	sadd.s32 $0x5FCA00, s9;
	s4 =	stileid.u32;
	s8 =	sadd.s32 $0x1FA00, s9  }
0x9: {  	s13 =	sadd.s32 $0x70400, s9;
	s17 =	sadd.s32 $0x138000, s1;
	s12 =	smul.u32 $0x4E000, s4  }
0xa: {  	_ =	strace $0x8000004A;
	s10 =	ssub.s32 $0x2, s20;
	s26 =	smul.u32 $0x138800, s20  }
0xb: {  	s30 =	sshll.u32 s4, $0x6;
	s31 =	smul.u32 $0x13800, s4;
	p0 =	sne.s32 s4, $0xF  }
0xc: {  	s11 =	sshrl.u32 s10, $0x1;
	s9 =	sor.u32 $0x1C02, s30;
	s17 =	sshrl.u32 @!p0 s17, $0x3  }
0xd: {  	s14 =	ssub.s32 s10, s11;
	s29 =	sshrl.u32 s12, $0x2;
	s10 =	smul.u32 $0x4E20, s4  }
0xe: {  	s12 =	sadd.s32 s31, s26;
	s16 =	sshrl.u32 s26, $0x3;
	s11 =	smul.u32 $0x2710000, s20  }
0xf: {  	v0 =	vmov s20;
	s20 =	simm.s32 $0x50;
	s15 =	sadd.s32 s29, s1;
	s12 =	sshrl.u32 s12, $0x3  }
0x10: {  	s16 =	sadd.s32 s13, s16;
	s14 =	smax.u32 s14, $0x1;
	s12 =	sadd.s32 s13, s12  }
0x11: {  	s13 =	sadd.s32 $0x27000, s16;
	s15 =	sshrl.u32 s15, $0x3;
	s16 =	simm.s32 $0x2  }
.LBB2_1:
0x12: {  	[spmem:s15], [sflag:s9] =	dma.local [hbm:s8], $0x2700  }
0x13: {  	_ =	swait.ge [sflag:s16], $0x2700  }
0x14: {  	[sflag:s16] =	ssyncset.done $0x0  }
0x15: {  	s23 =	simm.s32 @!p0 $0x2;
	[sflag:s16] =	ssyncadd.s32 $0xFFFFD900  }
0x16: {  	[spmem:s17], [sflag:s9] =	dma.local @!p0 [hbm:s8], $0x100  }
0x17: {  	_ =	swait.ge @!p0 [sflag:s23], $0x100  }
0x18: {  	[sflag:s23] =	ssyncset.done @!p0 $0x0  }
0x19: {  	[sflag:s23] =	ssyncadd.s32 @!p0 $0xFFFFFF00  }
0x1a: {  	s23 =	simm.s32 $0x0;
	[bflag:$0x0] =	sbarrier.arrive $0xFFFF  }
.LBB2_2:
0x1b: {  	s24 =	smul.u32 $0x50, s23;
	_ =	sdelay $0x1  }
0x1c: {  	s24 =	sadd.s32 s10, s24  }
0x1d: {  	s25 =	sshrl.u32 s24, $0x3  }
0x1e: {  	s26 =	sadd.s32 s3, s25  }
0x1f: {  	[tilespmem:s28], [sflag:$0x2] =	stream.linear.gather [hbm4b:s26+s28], $0x50, $0x38;
	[tilespmem:$0x18980] =	vst v63  }
0x20: {  	_ =	swait.ge [sflag:s16], $0x50  }
0x21: {  	[sflag:s16] =	ssyncset.done $0x0  }
0x22: {  	s25 =	sadd.s32 s5, s25;
	[sflag:s16] =	ssyncadd.s32 $0xFFFFFFB0  }
0x23: {  	[tilespmem:s18], [sflag:$0x2] =	stream.linear.gather [hbm4b:s25+s28], $0x50, $0x38;
	[tilespmem:$0x18980] =	vst v63  }
0x24: {  	_ =	swait.ge [sflag:s16], $0x50  }
0x25: {  	[sflag:s16] =	ssyncset.done $0x0  }
0x26: {  	[sflag:s16] =	ssyncadd.s32 $0xFFFFFFB0  }
0x27: {  	v1 =	vld [tilespmem:$0x0]  }
0x28: {  	v2 =	vld [tilespmem:$0x10]  }
0x29: {  	v3 =	vld [tilespmem:$0x20]  }
0x2a: {  	v4 =	vld [tilespmem:$0x30]  }
0x2b: {  	v5 =	vld [tilespmem:$0x40]  }
0x2c: {  	v1 =	vshll.u32 v1, $0x1  }
0x2d: {  	v2 =	vshll.u32 v2, $0x1;
	v1 =	vor.u32 v0, v1  }
0x2e: {  	[tilespmem:$0x0] =	vst v1;
	v1 =	vor.u32 v0, v2;
	v2 =	vshll.u32 v3, $0x1  }
0x2f: {  	s24 =	sshll.u32 s24, $0x7;
	[tilespmem:$0x10] =	vst v1;
	v1 =	vor.u32 v0, v2;
	v2 =	vshll.u32 v4, $0x1  }
0x30: {  	s24 =	sadd.s32 s11, s24;
	[tilespmem:$0x20] =	vst v1;
	v1 =	vor.u32 v0, v2;
	v2 =	vshll.u32 v5, $0x1  }
0x31: {  	s24 =	sshrl.u32 s24, $0x3;
	[tilespmem:$0x30] =	vst v1;
	v1 =	vor.u32 v0, v2  }
0x32: {  	s24 =	sadd.s32 s7, s24;
	[tilespmem:$0x40] =	vst v1  }
0x33: {  	[tilespmem:s19], [sflag:$0x2] =	stream.linear.gather [hbm4b:s24+s28], $0x2800, $0x38;
	[tilespmem:$0x18980] =	vst v63  }
0x34: {  	_ =	swait.ge [sflag:s16], $0x2800  }
0x35: {  	[sflag:s16] =	ssyncset.done $0x0  }
0x36: {  	[sflag:s16] =	ssyncadd.s32 $0xFFFFD800  }
0x37: {  	[tilespmem:s21], [sflag:$0x1] =	stream.indirect.gather [hbm4b:s6+s20], $0x80, s28, s20, $0xb8;
	[tilespmem:$0x18980] =	vst v63  }
0x38: {  	_ =	swait.ge [sflag:s22], $0x2800  }
0x39: {  	[sflag:s22] =	ssyncset.done $0x0  }
0x3a: {  	s24 =	simm.s32 $0x0;
	[sflag:s22] =	ssyncadd.s32 $0xFFFFD800  }
0x3b: {  	v7 =	vld [tilespmem:s24+$0x2900]  }
0x3c: {  	v12 =	vld [tilespmem:s24+$0x2910]  }
0x3d: {  	v6 =	vld [tilespmem:s24+$0x2920]  }
0x3e: {  	v5 =	vld [tilespmem:s24+$0x2930]  }
0x3f: {  	v4 =	vld [tilespmem:s24+$0x2940]  }
0x40: {  	v3 =	vld [tilespmem:s24+$0x2950]  }
0x41: {  	v2 =	vld [tilespmem:s24+$0x2960]  }
0x42: {  	v1 =	vld [tilespmem:s24+$0x2970]  }
0x43: {  	v13 =	vld [tilespmem:s24+$0x100]  }
0x44: {  	v14 =	vld [tilespmem:s24+$0x110]  }
0x45: {  	v11 =	vld [tilespmem:s24+$0x120]  }
0x46: {  	v10 =	vld [tilespmem:s24+$0x130]  }
0x47: {  	v9 =	vld [tilespmem:s24+$0x140]  }
0x48: {  	v8 =	vld [tilespmem:s24+$0x150];
	v13 =	vadd.f32 v7, v13  }
0x49: {  	s25 =	simm.s32 $0x200;
	v12 =	vadd.f32 v12, v14;
	v7 =	vld [tilespmem:s24+$0x160]  }
.LBB2_3:
0x4a: {  	s26 =	sshra.s32 s25, $0x2;
	p1 =	sne.s32 s25, $0x9E00;
	v13 =	vmax.f32 v13, $0.0e+00;
	v6 =	vadd.f32 v6, v11;
	v11 =	vld [tilespmem:s24+$0x170]  }
0x4b: {  	v14 =	vld [tilespmem:s26+$0x2900];
	[tilespmem:s24+$0x100] =	vst v13;
	v12 =	vmax.f32 v12, $0.0e+00;
	v5 =	vadd.f32 v5, v10  }
0x4c: {  	v15 =	vld [tilespmem:s26+$0x2910];
	[tilespmem:s24+$0x110] =	vst v12;
	v10 =	vmax.f32 v6, $0.0e+00;
	v4 =	vadd.f32 v4, v9  }
0x4d: {  	v6 =	vld [tilespmem:s26+$0x2920];
	[tilespmem:s24+$0x120] =	vst v10;
	v9 =	vmax.f32 v5, $0.0e+00;
	v3 =	vadd.f32 v3, v8  }
0x4e: {  	v5 =	vld [tilespmem:s26+$0x2930];
	[tilespmem:s24+$0x130] =	vst v9;
	v8 =	vmax.f32 v4, $0.0e+00;
	v2 =	vadd.f32 v2, v7  }
0x4f: {  	v4 =	vld [tilespmem:s26+$0x2940];
	[tilespmem:s24+$0x140] =	vst v8;
	v7 =	vmax.f32 v3, $0.0e+00;
	v1 =	vadd.f32 v1, v11  }
0x50: {  	v3 =	vld [tilespmem:s26+$0x2950];
	[tilespmem:s24+$0x150] =	vst v7;
	v7 =	vmax.f32 v2, $0.0e+00  }
0x51: {  	v2 =	vld [tilespmem:s26+$0x2960];
	[tilespmem:s24+$0x160] =	vst v7;
	v7 =	vmax.f32 v1, $0.0e+00  }
0x52: {  	v1 =	vld [tilespmem:s26+$0x2970];
	[tilespmem:s24+$0x170] =	vst v7;
	s24 =	smov.u32 s26  }
0x53: {  	v7 =	vld [tilespmem:s24+$0x100]  }
0x54: {  	v12 =	vld [tilespmem:s24+$0x110]  }
.Ltmp0:
0x55: {  	v11 =	vld [tilespmem:s24+$0x120];
	(pc) =	sbr.rel @p1 .LBB2_3-.Ltmp0, $4  }
0x56: {  	v10 =	vld [tilespmem:s24+$0x130]  }
0x57: {  	v9 =	vld [tilespmem:s24+$0x140]  }
0x58: {  	v13 =	vadd.f32 v14, v7;
	v8 =	vld [tilespmem:s24+$0x150]  }
0x59: {  	s25 =	sadd.s32 $0x200, s25;
	v12 =	vadd.f32 v15, v12;
	v7 =	vld [tilespmem:s24+$0x160]  }
0x5a: {  	v13 =	vmax.f32 v13, $0.0e+00;
	v6 =	vadd.f32 v6, v11;
	v63 =	vld [tilespmem:s24+$0x170]  }
0x5b: {  	[tilespmem:s24+$0x100] =	vst v13;
	v12 =	vmax.f32 v12, $0.0e+00;
	v5 =	vadd.f32 v5, v10  }
0x5c: {  	[tilespmem:s24+$0x110] =	vst v12;
	v6 =	vmax.f32 v6, $0.0e+00;
	v4 =	vadd.f32 v4, v9  }
0x5d: {  	[tilespmem:s24+$0x120] =	vst v6;
	v5 =	vmax.f32 v5, $0.0e+00;
	v3 =	vadd.f32 v3, v8  }
0x5e: {  	[tilespmem:s24+$0x130] =	vst v5;
	v4 =	vmax.f32 v4, $0.0e+00;
	v2 =	vadd.f32 v2, v7  }
0x5f: {  	[tilespmem:s24+$0x140] =	vst v4;
	v3 =	vmax.f32 v3, $0.0e+00;
	v1 =	vadd.f32 v1, v63  }
0x60: {  	s23 =	sadd.s32 $0x1, s23;
	[tilespmem:s24+$0x150] =	vst v3;
	v2 =	vmax.f32 v2, $0.0e+00  }
0x61: {  	p1 =	sne.s32 s23, $0xFA;
	[tilespmem:s24+$0x160] =	vst v2;
	v1 =	vmax.f32 v1, $0.0e+00  }
.Ltmp1:
0x62: {  	[tilespmem:s24+$0x170] =	vst v1;
	(pc) =	sbr.rel @p1 .LBB2_2-.Ltmp1, $4  }
0x63: {  	[spmem:s1] =	stream.indirect.scatter.add.f32 [tilespmem:s19], [sflag:$0x1], $0x80, s18, s20, $0xb8;
	[tilespmem:$0x18980] =	vst v63  }
0x64: {  	_ =	swait.ge [sflag:s22], $0x2800  }
0x65: {  	[sflag:s22] =	ssyncset.done $0x0  }
0x66: {  	[sflag:s22] =	ssyncadd.s32 $0xFFFFD800  }
0x67: {  	[bflag:$0x0] =	sbarrier.arrive $0xFFFF  }
0x68: {  	[hbm:s12], [sflag:s9] =	dma.local [spmem:s15], $0x2700  }
0x69: {  	s2 =	sadd.s32 $0x1, s2;
	_ =	swait.ge [sflag:s16], $0x2700  }
0x6a: {  	p1 =	sne.s32 s2, s14;
	[sflag:s16] =	ssyncset.done $0x0  }
.Ltmp2:
0x6b: {  	s23 =	simm.s32 @!p0 $0x2;
	[sflag:s16] =	ssyncadd.s32 $0xFFFFD900;
	(pc) =	sbr.rel @p1 .LBB2_1-.Ltmp2, $4  }
0x6c: {  	[hbm:s13], [sflag:s9] =	dma.local @!p0 [spmem:s17], $0x100  }
0x6d: {  	_ =	swait.ge @!p0 [sflag:s23], $0x100  }
0x6e: {  	[sflag:s23] =	ssyncset.done @!p0 $0x0  }
0x6f: {  	[sflag:s23] =	ssyncadd.s32 @!p0 $0xFFFFFF00  }
0x70: {  	_ =	sfence.sel $0x180000  }
0x71: {  	[bflag:$0x0] =	sbarrier.arrive $0xFFFF  }
0x72: {  	p0 =	sne.s32 s4, $0x0;
	_ =	strace $0x9000004A  }
0x73: {  	s0 =	sadd.s32 @!p0 $0x100000, s0;
	[bflag:$0x2] =	sbarrier.arrive $0xFFFF  }
0x74: {  	[sflag:s0] =	ssyncadd.tile.s32 @!p0 $0x1;
	_ =	shalt  }
.Lfunc_end2:
_tile_overlayer_lowered:
.L_overlay_start_2:
0x75: {  	(tag) =	ssettag $0x2  }
0x76: {  	s0 =	rddreg [dreg:$0x0];
	s2 =	stileid.u32  }
0x77: {  	s1 =	rddreg [dreg:$0x1];
	p0 =	sne.s32 s2, $0x0  }
0x78: {  	s3 =	rddreg [dreg:$0x2];
	[bflag:$0x3] =	sbarrier.arrive $0xFFFF;
	s2 =	simm.s32 @!p0 $0x1C02  }
0x79: {  	[timem:s3], [sflag:s2] =	dma.local @!p0 [hbm:s0], s1  }
0x7a: {  	s0 =	simm.s32 @!p0 $0x2  }
0x7b: {  	_ =	swait.ge @!p0 [sflag:s0], s1  }
0x7c: {  	s1 =	ssub.s32 @!p0 $0x0, s1;
	[sflag:s0] =	ssyncset.done @!p0 $0x0  }
0x7d: {  	[sflag:s0] =	ssyncadd.s32 @!p0 s1  }
0x7e: {  	[bflag:$0x3] =	sbarrier.arrive $0xFFFF  }
0x7f: {  	_ =	shalt  }

// kernel: kernel.20.cloned.1.call-start
scs
__scs_entry_jumppad:
0x0: {  	(pc) =	sbr.rel $0x88, $3  }
0x1: {  	(tag) =	ssettag $0x0;
	lr =	simm.s32 $0x1  }
0x2: {  	[smem:$0x3F78] =	sst lr;
	_ =	strace $0xD0000000  }
0x3: {  	_ = 	snop  }
0x4: {  	_ = 	snop  }
0x5: {  	_ = 	snop  }
0x6: {  	_ = 	snop  }
0x7: {  	_ = 	snop  }
__scs_overlays_trampoline_lowered:
0x8: {  	[smem:$0x3F87] =	sst s0  }
0x9: {  	[smem:$0x3F88] =	sst s1  }
0xa: {  	[smem:$0x3F89] =	sst s2  }
0xb: {  	[smem:$0x3F8A] =	sst s3  }
0xc: {  	[smem:$0x3F8B] =	sst s4  }
0xd: {  	[smem:$0x3F8C] =	sst s5  }
0xe: {  	[smem:$0x3F8D] =	sst s6  }
0xf: {  	[smem:$0x3F8E] =	sst s7  }
0x10: {  	[smem:$0x3F8F] =	sst s8  }
0x11: {  	[smem:$0x3F90] =	sst s9;
	s0 =	simm.s32 @!p0 $0x0  }
0x12: {  	s1 =	sld [smem:$0x3F76];
	s0 =	simm.s32 @p0 $0x1  }
0x13: {  	[smem:$0x3F91] =	sst s0;
	s0 =	simm.s32 @!p1 $0x0  }
0x14: {  	s2 =	sld [smem:$0x3F75];
	s0 =	simm.s32 @p1 $0x1  }
0x15: {  	[smem:$0x3F92] =	sst s0;
	s0 =	simm.s32 @!p2 $0x0  }
0x16: {  	s3 =	sld [smem:$0x3FDB];
	s0 =	simm.s32 @p2 $0x1  }
0x17: {  	s4 =	simm.s32 $0x1BF5;
	[smem:$0x3F94] =	sst s0  }
0x18: {  	s0 =	sld [smem:$0x3F77];
	_ =	swait.ge [sflag:s4], $0x0  }
0x19: {  	s7 =	sld [smem:$0x3F78]  }
0x1a: {  	s8 =	sadd.s32 $0xFFFFE003, lr  }
0x1b: {  	s9 =	sadd.s32 $0xFFFFFEF7, lr;
	s5 =	simm.s32 $0xFFFFFFFF;
	p2 =	slt.u32 s8, $0xFFFFF086  }
0x1c: {  	p1 =	slt.u32 s9, $0xF7A;
	s5 =	simm.s32 @!p2 $0x0  }
0x1d: {  	s5 =	simm.s32 @p1 $0x1;
	p0 =	seq.s32 s7, s2  }
0x1e: {  	s7 =	smul.u32 @!p0 $0xF7A, s2;
	p2 =	seq.s32 @!p0 s5, $0x0  }
0x1f: {  	s9 =	smul.u32 $0xF7A, s1;
	s8 =	simm.s32 @!p0 $0x1BF5;
	p2 =	por !p2, p0  }
0x20: {  	[sflag:s8] =	ssyncset.s32 @!p0 $0xFFFFF086;
	s6 =	sadd.s32 @!p0 s3, s7;
	s7 =	simm.s32 @!p0 $0x108  }
0x21: {  	s3 =	sadd.s32 s3, s9;
	s6 =	sadd.s32 @!p0 $0x88, s6;
	s7 =	simm.s32 @p2 $0x1082  }
0x22: {  	[simem:s7], [sflag:s8] =	dma.local @!p0 [hbm:s6], $0xF7A  }
0x23: {  	s9 =	sor.u32 $0xD0000000, s2;
	s6 =	simm.s32 $0x108;
	_ =	swait.ge @!p0 [sflag:s8], $0x0  }
0x24: {  	s3 =	sadd.s32 $0x88, s3;
	s6 =	simm.s32 @!p1 $0x1082;
	[sflag:s4] =	ssyncset.s32 $0xFFFFF086  }
0x25: {  	[simem:s6], [sflag:s4] =	dma.local [hbm:s3], $0xF7A  }
0x26: {  	[smem:$0x3F78] =	sst s1;
	(tag) =	ssettag s2;
	_ =	strace s9  }
0x27: {  	s1 =	sld [smem:$0x3F88]  }
0x28: {  	s2 =	sld [smem:$0x3F89]  }
0x29: {  	s4 =	sld [smem:$0x3F8B]  }
0x2a: {  	p0 =	seq.s32 s5, $0x0;
	s5 =	sld [smem:$0x3F8C]  }
0x2b: {  	s6 =	sld [smem:$0x3F8D]  }
0x2c: {  	s7 =	sld [smem:$0x3F8E]  }
0x2d: {  	s3 =	simm.s32 $0x108;
	s8 =	sld [smem:$0x3F8F]  }
0x2e: {  	s3 =	simm.s32 @!p0 $0x1082;
	s9 =	sld [smem:$0x3F90]  }
0x2f: {  	lr =	sadd.s32 s0, s3;
	s0 =	sld [smem:$0x3F87]  }
0x30: {  	s3 =	sld [smem:$0x3F8A]  }
0x31: {  	[smem:$0x3F93] =	sst s10  }
0x32: {  	s10 =	sld [smem:$0x3F91];
	_ =	sdelay $0x3  }
0x33: {  	p0 =	seq.s32 s10, $0x1;
	s10 =	sld [smem:$0x3F93];
	_ =	sdelay $0x3  }
0x34: {  	[smem:$0x3F93] =	sst s10  }
0x35: {  	s10 =	sld [smem:$0x3F92];
	_ =	sdelay $0x3  }
0x36: {  	p1 =	seq.s32 s10, $0x1;
	s10 =	sld [smem:$0x3F93];
	_ =	sdelay $0x3  }
0x37: {  	[smem:$0x3F93] =	sst s10  }
0x38: {  	s10 =	sld [smem:$0x3F94]  }
0x39: {  	_ = 	snop;
	(pc) =	sbr.ind lr, $3  }
0x3a: {  	_ = 	snop  }
0x3b: {  	_ = 	snop  }
0x3c: {  	p2 =	seq.s32 s10, $0x1;
	s10 =	sld [smem:$0x3F93]  }
0x3d: {  	_ =	shalt  }
0x3e: {  	_ =	shalt  }
0x3f: {  	_ =	shalt  }
0x40: {  	_ =	shalt  }
0x41: {  	_ =	shalt  }
0x42: {  	_ =	shalt  }
0x43: {  	_ =	shalt  }
0x44: {  	_ =	shalt  }
0x45: {  	_ =	shalt  }
0x46: {  	_ =	shalt  }
0x47: {  	_ =	shalt  }
0x48: {  	_ =	shalt  }
0x49: {  	_ =	shalt  }
0x4a: {  	_ =	shalt  }
0x4b: {  	_ =	shalt  }
0x4c: {  	_ =	shalt  }
0x4d: {  	_ =	shalt  }
0x4e: {  	_ =	shalt  }
0x4f: {  	_ =	shalt  }
0x50: {  	_ =	shalt  }
0x51: {  	_ =	shalt  }
0x52: {  	_ =	shalt  }
0x53: {  	_ =	shalt  }
0x54: {  	_ =	shalt  }
0x55: {  	_ =	shalt  }
0x56: {  	_ =	shalt  }
0x57: {  	_ =	shalt  }
0x58: {  	_ =	shalt  }
0x59: {  	_ =	shalt  }
0x5a: {  	_ =	shalt  }
0x5b: {  	_ =	shalt  }
0x5c: {  	_ =	shalt  }
0x5d: {  	_ =	shalt  }
0x5e: {  	_ =	shalt  }
0x5f: {  	_ =	shalt  }
0x60: {  	_ =	shalt  }
0x61: {  	_ =	shalt  }
0x62: {  	_ =	shalt  }
0x63: {  	_ =	shalt  }
0x64: {  	_ =	shalt  }
0x65: {  	_ =	shalt  }
0x66: {  	_ =	shalt  }
0x67: {  	_ =	shalt  }
0x68: {  	_ =	shalt  }
0x69: {  	_ =	shalt  }
0x6a: {  	_ =	shalt  }
0x6b: {  	_ =	shalt  }
0x6c: {  	_ =	shalt  }
0x6d: {  	_ =	shalt  }
0x6e: {  	_ =	shalt  }
0x6f: {  	_ =	shalt  }
0x70: {  	_ =	shalt  }
0x71: {  	_ =	shalt  }
0x72: {  	_ =	shalt  }
0x73: {  	_ =	shalt  }
0x74: {  	_ =	shalt  }
0x75: {  	_ =	shalt  }
0x76: {  	_ =	shalt  }
0x77: {  	_ =	shalt  }
0x78: {  	_ =	shalt  }
0x79: {  	_ =	shalt  }
0x7a: {  	_ =	shalt  }
0x7b: {  	_ =	shalt  }
0x7c: {  	_ =	shalt  }
0x7d: {  	_ =	shalt  }
0x7e: {  	_ =	shalt  }
0x7f: {  	_ =	shalt  }
0x80: {  	_ =	shalt  }
0x81: {  	_ =	shalt  }
0x82: {  	_ =	shalt  }
0x83: {  	_ =	shalt  }
0x84: {  	_ =	shalt  }
0x85: {  	_ =	shalt  }
0x86: {  	_ =	shalt  }
0x87: {  	_ =	shalt  }
.Lfunc_end0:
.L_simem_size_0:
called_computation.2_lowered:
.L_overlay_start_0:
0x88: {  	s2 =	sld [smem:$0x3FD9]  }
0x89: {  	s3 =	sld [smem:$0x3FFE];
	_ =	sdelay $0x1  }
0x8a: {  	s1 =	srdreg.scid  }
0x8b: {  	s0 =	sand.u32 $0x1, s1  }
0x8c: {  	s16 =	sshll.u32 s0, $0xA;
	s2 =	sadd.s32 s3, s2  }
0x8d: {  	s2 =	sadd.s32 s2, s16  }
0x8e: {  	[smem:$0x3F9F] =	sst s2  }
0x8f: {  	_ = 	snop  }
0x90: {  	(tm) =	ssettm $0x1  }
0x91: {  	s17 =	sld [smem:$0x3FFB];
	_ =	sdelay $0x3  }
0x92: {  	_ =	strace s17  }
0x93: {  	s2 =	sld [smem:$0x3FFC];
	_ =	sdelay $0x3  }
0x94: {  	_ =	strace s2  }
0x95: {  	s2 =	sld [smem:$0x3FFD];
	_ =	sdelay $0x3  }
0x96: {  	_ =	strace s2  }
0x97: {  	_ =	strace $0x8FFFFFFF  }
0x98: {  	s18 =	sld [smem:$0x3FDB];
	_ =	sdelay $0x1  }
0x99: {  	s19 =	simm.s32 $_scs_section_size  }
0x9a: {  	s4 =	simm.s32 $_size__tile_overlayer_lowered;
	s5 =	simm.s32 $_tile_overlayer_lowered  }
0x9b: {  	s22 =	simm.s32 $0x1BFF;
	s21 =	sshll.u32 s5, $0x1;
	s2 =	sadd.s32 s19, s18  }
0x9c: {  	s6 =	simm.s32 $0x0;
	s20 =	sshll.u32 s4, $0x1;
	s4 =	sadd.s32 s21, s2  }
0x9d: {  	[timem:s6], [sflag:s22] =	dma.local [hbm:s4], s20  }
0x9e: {  	_ =	swait.ge [sflag:s22], s20  }
0x9f: {  	s3 =	ssub.s32 $0x0, s20;
	[sflag:s22] =	ssyncset.done $0x0  }
0xa0: {  	[sflag:s22] =	ssyncadd.s32 s3;
	_ =	sdelay $0x1  }
0xa1: {  	s23 =	simm.s32 $0x1B8B  }
0xa2: {  	_ =	swait.ge [sflag:s23], $0x1  }
0xa3: {  	[sflag:s23] =	ssyncset.done $0x0  }
0xa4: {  	s25 =	simm.s32 $0x1B8E;
	s24 =	sld [smem:$0x3FFE];
	[sflag:s23] =	ssyncadd.s32 $0xFFFFFFFF  }
0xa5: {  	s26 =	simm.s32 $execute0_lowered;
	[smem:$0x3FD2] =	sst s25  }
0xa6: {  	s4 =	sshll.u32 s26, $0x1;
	_ =	strace $0x8000004C;
	[dreg:$0x1] =	wrdreg $0xFFFFFFFF  }
0xa7: {  	s28 =	simm.s32 $_size_execute0_lowered;
	s2 =	sadd.s32 s2, s4;
	[dreg:$0x0] =	wrdreg $0x0  }
0xa8: {  	s4 =	sshll.u32 s28, $0x1;
	[dreg:$0x2] =	wrdreg s2  }
0xa9: {  	[dreg:$0x3] =	wrdreg s4  }
0xaa: {  	[dreg:$0x4] =	wrdreg $0xC0  }
0xab: {  	_ =	task [dreg:s6], $0x5FFFF  }
0xac: {  	[dreg:$0x1] =	wrdreg $0xFFFFFFFF  }
0xad: {  	[dreg:$0x0] =	wrdreg $0x60  }
0xae: {  	[dreg:$0x2] =	wrdreg s24  }
0xaf: {  	[dreg:$0x3] =	wrdreg $0x51000  }
0xb0: {  	[dreg:$0x4] =	wrdreg $0x9  }
0xb1: {  	_ =	task.clear_ibuf [dreg:s6], $0x5FFFF;
	_ =	strace $0x9000004C  }
0xb2: {  	s29 =	simm.s32 $0x9;
	_ =	strace $0x8000004E  }
0xb3: {  	_ =	swait.ge [sflag:s29], $0x1  }
0xb4: {  	[sflag:s29] =	ssyncadd.s32 $0xFFFFFFFF  }
0xb5: {  	_ =	strace $0x9000004E  }
0xb6: {  	_ =	sfence  }
0xb7: {  	s30 =	sld [smem:$0x0];
	_ =	sdelay $0x2  }
0xb8: {  	s31 =	sshll.u32 s1, $0xD;
	s1 =	sshrl.u32 s1, $0x2  }
0xb9: {  	s3 =	sand.u32 $0x4000, s31;
	s1 =	sadd.s32 s1, s30  }
0xba: {  	s0 =	sor.u32 s3, s0;
	s1 =	sshll.u32 s1, $0x11  }
0xbb: {  	s0 =	sor.u32 s1, s0  }
0xbc: {  	s0 =	sadd.s32 $0x8F2B, s0  }
0xbd: {  	[sflag:s0] =	ssyncadd.remote.s32 $0x1  }
0xbe: {  	_ =	sfence.sel $0xFFFF  }
0xbf: {  	[dreg:$0x0] =	wrdreg $0xFFFFFFFF;
	(pc) =	sbr.abs _section_cstart, $3  }
0xc0: {  	[dreg:$0x1] =	wrdreg $0xFFFFFFFF  }
0xc1: {  	_ =	task.clear_ibuf [dreg:s6], $0x2FFFF;
	_ =	strace $0x9FFFFFFF  }
0xc2: {  	(tm) =	ssettm $0x7FFFFFFF  }
0xc3: {  	_ =	shalt  }
tec
execute0_lowered:
.L_overlay_start_1:
0x0: {  	(tag) =	ssettag $0x1  }
0x1: {  	s9 =	rddreg [dreg:$0x0]  }
0x2: {  	s1 =	rddreg [dreg:$0x1]  }
0x3: {  	s0 =	rddreg [dreg:$0x2]  }
0x4: {  	s2 =	simm.s32 $0x0;
	s4 =	srdreg.scid;
	s18 =	simm.s32 $0x80  }
0x5: {  	s19 =	simm.s32 $0x100;
	s21 =	simm.s32 $0x2900;
	s22 =	simm.s32 $0x1  }
0x6: {  	s28 =	simm.s32 $0x0;
	[smem:$0x7FF] =	sst s2;
	s3 =	sadd.s32 $0x15C00, s9  }
0x7: {  	s5 =	sadd.s32 $0xBE00, s9;
	s6 =	sadd.s32 $0xE5800, s9;
	s20 =	sand.u32 $0x1, s4  }
0x8: {  	s7 =	sadd.s32 $0xFC0A00, s9;
	s4 =	stileid.u32;
	s8 =	sadd.s32 $0x1FA00, s9  }
0x9: {  	s13 =	sadd.s32 $0x133A00, s9;
	s17 =	sadd.s32 $0x138000, s1;
	s12 =	smul.u32 $0x4E000, s4  }
0xa: {  	_ =	strace $0x8000004D;
	s10 =	ssub.s32 $0x2, s20;
	s26 =	smul.u32 $0x138800, s20  }
0xb: {  	s30 =	sshll.u32 s4, $0x6;
	s31 =	smul.u32 $0x13800, s4;
	p0 =	sne.s32 s4, $0xF  }
0xc: {  	s11 =	sshrl.u32 s10, $0x1;
	s9 =	sor.u32 $0x1C02, s30;
	s17 =	sshrl.u32 @!p0 s17, $0x3  }
0xd: {  	s14 =	ssub.s32 s10, s11;
	s29 =	sshrl.u32 s12, $0x2;
	s10 =	smul.u32 $0x4E20, s4  }
0xe: {  	s12 =	sadd.s32 s31, s26;
	s16 =	sshrl.u32 s26, $0x3;
	s11 =	smul.u32 $0x2710000, s20  }
0xf: {  	v0 =	vmov s20;
	s20 =	simm.s32 $0x50;
	s15 =	sadd.s32 s29, s1;
	s12 =	sshrl.u32 s12, $0x3  }
0x10: {  	s16 =	sadd.s32 s13, s16;
	s14 =	smax.u32 s14, $0x1;
	s12 =	sadd.s32 s13, s12  }
0x11: {  	s13 =	sadd.s32 $0x27000, s16;
	s15 =	sshrl.u32 s15, $0x3;
	s16 =	simm.s32 $0x2  }
.LBB2_1:
0x12: {  	[spmem:s15], [sflag:s9] =	dma.local [hbm:s8], $0x2700  }
0x13: {  	_ =	swait.ge [sflag:s16], $0x2700  }
0x14: {  	[sflag:s16] =	ssyncset.done $0x0  }
0x15: {  	s23 =	simm.s32 @!p0 $0x2;
	[sflag:s16] =	ssyncadd.s32 $0xFFFFD900  }
0x16: {  	[spmem:s17], [sflag:s9] =	dma.local @!p0 [hbm:s8], $0x100  }
0x17: {  	_ =	swait.ge @!p0 [sflag:s23], $0x100  }
0x18: {  	[sflag:s23] =	ssyncset.done @!p0 $0x0  }
0x19: {  	[sflag:s23] =	ssyncadd.s32 @!p0 $0xFFFFFF00  }
0x1a: {  	s23 =	simm.s32 $0x0;
	[bflag:$0x0] =	sbarrier.arrive $0xFFFF  }
.LBB2_2:
0x1b: {  	s24 =	smul.u32 $0x50, s23;
	_ =	sdelay $0x1  }
0x1c: {  	s24 =	sadd.s32 s10, s24  }
0x1d: {  	s25 =	sshrl.u32 s24, $0x3  }
0x1e: {  	s26 =	sadd.s32 s3, s25  }
0x1f: {  	[tilespmem:s28], [sflag:$0x2] =	stream.linear.gather [hbm4b:s26+s28], $0x50, $0x38;
	[tilespmem:$0x18980] =	vst v63  }
0x20: {  	_ =	swait.ge [sflag:s16], $0x50  }
0x21: {  	[sflag:s16] =	ssyncset.done $0x0  }
0x22: {  	s25 =	sadd.s32 s5, s25;
	[sflag:s16] =	ssyncadd.s32 $0xFFFFFFB0  }
0x23: {  	[tilespmem:s18], [sflag:$0x2] =	stream.linear.gather [hbm4b:s25+s28], $0x50, $0x38;
	[tilespmem:$0x18980] =	vst v63  }
0x24: {  	_ =	swait.ge [sflag:s16], $0x50  }
0x25: {  	[sflag:s16] =	ssyncset.done $0x0  }
0x26: {  	[sflag:s16] =	ssyncadd.s32 $0xFFFFFFB0  }
0x27: {  	v1 =	vld [tilespmem:$0x0]  }
0x28: {  	v2 =	vld [tilespmem:$0x10]  }
0x29: {  	v3 =	vld [tilespmem:$0x20]  }
0x2a: {  	v4 =	vld [tilespmem:$0x30]  }
0x2b: {  	v5 =	vld [tilespmem:$0x40]  }
0x2c: {  	v1 =	vshll.u32 v1, $0x1  }
0x2d: {  	v2 =	vshll.u32 v2, $0x1;
	v1 =	vor.u32 v0, v1  }
0x2e: {  	[tilespmem:$0x0] =	vst v1;
	v1 =	vor.u32 v0, v2;
	v2 =	vshll.u32 v3, $0x1  }
0x2f: {  	s24 =	sshll.u32 s24, $0x7;
	[tilespmem:$0x10] =	vst v1;
	v1 =	vor.u32 v0, v2;
	v2 =	vshll.u32 v4, $0x1  }
0x30: {  	s24 =	sadd.s32 s11, s24;
	[tilespmem:$0x20] =	vst v1;
	v1 =	vor.u32 v0, v2;
	v2 =	vshll.u32 v5, $0x1  }
0x31: {  	s24 =	sshrl.u32 s24, $0x3;
	[tilespmem:$0x30] =	vst v1;
	v1 =	vor.u32 v0, v2  }
0x32: {  	s24 =	sadd.s32 s7, s24;
	[tilespmem:$0x40] =	vst v1  }
0x33: {  	[tilespmem:s19], [sflag:$0x2] =	stream.linear.gather [hbm4b:s24+s28], $0x2800, $0x38;
	[tilespmem:$0x18980] =	vst v63  }
0x34: {  	_ =	swait.ge [sflag:s16], $0x2800  }
0x35: {  	[sflag:s16] =	ssyncset.done $0x0  }
0x36: {  	[sflag:s16] =	ssyncadd.s32 $0xFFFFD800  }
0x37: {  	[tilespmem:s21], [sflag:$0x1] =	stream.indirect.gather [hbm4b:s6+s20], $0x80, s28, s20, $0xb8;
	[tilespmem:$0x18980] =	vst v63  }
0x38: {  	_ =	swait.ge [sflag:s22], $0x2800  }
0x39: {  	[sflag:s22] =	ssyncset.done $0x0  }
0x3a: {  	s24 =	simm.s32 $0x0;
	[sflag:s22] =	ssyncadd.s32 $0xFFFFD800  }
0x3b: {  	v7 =	vld [tilespmem:s24+$0x2900]  }
0x3c: {  	v12 =	vld [tilespmem:s24+$0x2910]  }
0x3d: {  	v6 =	vld [tilespmem:s24+$0x2920]  }
0x3e: {  	v5 =	vld [tilespmem:s24+$0x2930]  }
0x3f: {  	v4 =	vld [tilespmem:s24+$0x2940]  }
0x40: {  	v3 =	vld [tilespmem:s24+$0x2950]  }
0x41: {  	v2 =	vld [tilespmem:s24+$0x2960]  }
0x42: {  	v1 =	vld [tilespmem:s24+$0x2970]  }
0x43: {  	v13 =	vld [tilespmem:s24+$0x100]  }
0x44: {  	v14 =	vld [tilespmem:s24+$0x110]  }
0x45: {  	v11 =	vld [tilespmem:s24+$0x120]  }
0x46: {  	v10 =	vld [tilespmem:s24+$0x130]  }
0x47: {  	v9 =	vld [tilespmem:s24+$0x140]  }
0x48: {  	v8 =	vld [tilespmem:s24+$0x150];
	v13 =	vadd.f32 v7, v13  }
0x49: {  	s25 =	simm.s32 $0x200;
	v12 =	vadd.f32 v12, v14;
	v7 =	vld [tilespmem:s24+$0x160]  }
.LBB2_3:
0x4a: {  	s26 =	sshra.s32 s25, $0x2;
	p1 =	sne.s32 s25, $0x9E00;
	v13 =	vmax.f32 v13, $0.0e+00;
	v6 =	vadd.f32 v6, v11;
	v11 =	vld [tilespmem:s24+$0x170]  }
0x4b: {  	v14 =	vld [tilespmem:s26+$0x2900];
	[tilespmem:s24+$0x100] =	vst v13;
	v12 =	vmax.f32 v12, $0.0e+00;
	v5 =	vadd.f32 v5, v10  }
0x4c: {  	v15 =	vld [tilespmem:s26+$0x2910];
	[tilespmem:s24+$0x110] =	vst v12;
	v10 =	vmax.f32 v6, $0.0e+00;
	v4 =	vadd.f32 v4, v9  }
0x4d: {  	v6 =	vld [tilespmem:s26+$0x2920];
	[tilespmem:s24+$0x120] =	vst v10;
	v9 =	vmax.f32 v5, $0.0e+00;
	v3 =	vadd.f32 v3, v8  }
0x4e: {  	v5 =	vld [tilespmem:s26+$0x2930];
	[tilespmem:s24+$0x130] =	vst v9;
	v8 =	vmax.f32 v4, $0.0e+00;
	v2 =	vadd.f32 v2, v7  }
0x4f: {  	v4 =	vld [tilespmem:s26+$0x2940];
	[tilespmem:s24+$0x140] =	vst v8;
	v7 =	vmax.f32 v3, $0.0e+00;
	v1 =	vadd.f32 v1, v11  }
0x50: {  	v3 =	vld [tilespmem:s26+$0x2950];
	[tilespmem:s24+$0x150] =	vst v7;
	v7 =	vmax.f32 v2, $0.0e+00  }
0x51: {  	v2 =	vld [tilespmem:s26+$0x2960];
	[tilespmem:s24+$0x160] =	vst v7;
	v7 =	vmax.f32 v1, $0.0e+00  }
0x52: {  	v1 =	vld [tilespmem:s26+$0x2970];
	[tilespmem:s24+$0x170] =	vst v7;
	s24 =	smov.u32 s26  }
0x53: {  	v7 =	vld [tilespmem:s24+$0x100]  }
0x54: {  	v12 =	vld [tilespmem:s24+$0x110]  }
.Ltmp0:
0x55: {  	v11 =	vld [tilespmem:s24+$0x120];
	(pc) =	sbr.rel @p1 .LBB2_3-.Ltmp0, $4  }
0x56: {  	v10 =	vld [tilespmem:s24+$0x130]  }
0x57: {  	v9 =	vld [tilespmem:s24+$0x140]  }
0x58: {  	v13 =	vadd.f32 v14, v7;
	v8 =	vld [tilespmem:s24+$0x150]  }
0x59: {  	s25 =	sadd.s32 $0x200, s25;
	v12 =	vadd.f32 v15, v12;
	v7 =	vld [tilespmem:s24+$0x160]  }
0x5a: {  	v13 =	vmax.f32 v13, $0.0e+00;
	v6 =	vadd.f32 v6, v11;
	v63 =	vld [tilespmem:s24+$0x170]  }
0x5b: {  	[tilespmem:s24+$0x100] =	vst v13;
	v12 =	vmax.f32 v12, $0.0e+00;
	v5 =	vadd.f32 v5, v10  }
0x5c: {  	[tilespmem:s24+$0x110] =	vst v12;
	v6 =	vmax.f32 v6, $0.0e+00;
	v4 =	vadd.f32 v4, v9  }
0x5d: {  	[tilespmem:s24+$0x120] =	vst v6;
	v5 =	vmax.f32 v5, $0.0e+00;
	v3 =	vadd.f32 v3, v8  }
0x5e: {  	[tilespmem:s24+$0x130] =	vst v5;
	v4 =	vmax.f32 v4, $0.0e+00;
	v2 =	vadd.f32 v2, v7  }
0x5f: {  	[tilespmem:s24+$0x140] =	vst v4;
	v3 =	vmax.f32 v3, $0.0e+00;
	v1 =	vadd.f32 v1, v63  }
0x60: {  	s23 =	sadd.s32 $0x1, s23;
	[tilespmem:s24+$0x150] =	vst v3;
	v2 =	vmax.f32 v2, $0.0e+00  }
0x61: {  	p1 =	sne.s32 s23, $0xFA;
	[tilespmem:s24+$0x160] =	vst v2;
	v1 =	vmax.f32 v1, $0.0e+00  }
.Ltmp1:
0x62: {  	[tilespmem:s24+$0x170] =	vst v1;
	(pc) =	sbr.rel @p1 .LBB2_2-.Ltmp1, $4  }
0x63: {  	[spmem:s1] =	stream.indirect.scatter.add.f32 [tilespmem:s19], [sflag:$0x1], $0x80, s18, s20, $0xb8;
	[tilespmem:$0x18980] =	vst v63  }
0x64: {  	_ =	swait.ge [sflag:s22], $0x2800  }
0x65: {  	[sflag:s22] =	ssyncset.done $0x0  }
0x66: {  	[sflag:s22] =	ssyncadd.s32 $0xFFFFD800  }
0x67: {  	[bflag:$0x0] =	sbarrier.arrive $0xFFFF  }
0x68: {  	[hbm:s12], [sflag:s9] =	dma.local [spmem:s15], $0x2700  }
0x69: {  	s2 =	sadd.s32 $0x1, s2;
	_ =	swait.ge [sflag:s16], $0x2700  }
0x6a: {  	p1 =	sne.s32 s2, s14;
	[sflag:s16] =	ssyncset.done $0x0  }
.Ltmp2:
0x6b: {  	s23 =	simm.s32 @!p0 $0x2;
	[sflag:s16] =	ssyncadd.s32 $0xFFFFD900;
	(pc) =	sbr.rel @p1 .LBB2_1-.Ltmp2, $4  }
0x6c: {  	[hbm:s13], [sflag:s9] =	dma.local @!p0 [spmem:s17], $0x100  }
0x6d: {  	_ =	swait.ge @!p0 [sflag:s23], $0x100  }
0x6e: {  	[sflag:s23] =	ssyncset.done @!p0 $0x0  }
0x6f: {  	[sflag:s23] =	ssyncadd.s32 @!p0 $0xFFFFFF00  }
0x70: {  	_ =	sfence.sel $0x180000  }
0x71: {  	[bflag:$0x0] =	sbarrier.arrive $0xFFFF  }
0x72: {  	p0 =	sne.s32 s4, $0x0;
	_ =	strace $0x9000004D  }
0x73: {  	s0 =	sadd.s32 @!p0 $0x100000, s0;
	[bflag:$0x2] =	sbarrier.arrive $0xFFFF  }
0x74: {  	[sflag:s0] =	ssyncadd.tile.s32 @!p0 $0x1;
	_ =	shalt  }
.Lfunc_end2:
_tile_overlayer_lowered:
.L_overlay_start_2:
0x75: {  	(tag) =	ssettag $0x2  }
0x76: {  	s0 =	rddreg [dreg:$0x0];
	s2 =	stileid.u32  }
0x77: {  	s1 =	rddreg [dreg:$0x1];
	p0 =	sne.s32 s2, $0x0  }
0x78: {  	s3 =	rddreg [dreg:$0x2];
	[bflag:$0x3] =	sbarrier.arrive $0xFFFF;
	s2 =	simm.s32 @!p0 $0x1C02  }
0x79: {  	[timem:s3], [sflag:s2] =	dma.local @!p0 [hbm:s0], s1  }
0x7a: {  	s0 =	simm.s32 @!p0 $0x2  }
0x7b: {  	_ =	swait.ge @!p0 [sflag:s0], s1  }
0x7c: {  	s1 =	ssub.s32 @!p0 $0x0, s1;
	[sflag:s0] =	ssyncset.done @!p0 $0x0  }
0x7d: {  	[sflag:s0] =	ssyncadd.s32 @!p0 s1  }
0x7e: {  	[bflag:$0x3] =	sbarrier.arrive $0xFFFF  }
0x7f: {  	_ =	shalt  }

// kernel: kernel.23.cloned.1.call-start
scs
__scs_entry_jumppad:
0x0: {  	(pc) =	sbr.rel $0x88, $3  }
0x1: {  	(tag) =	ssettag $0x0;
	lr =	simm.s32 $0x1  }
0x2: {  	[smem:$0x3F78] =	sst lr;
	_ =	strace $0xD0000000  }
0x3: {  	_ = 	snop  }
0x4: {  	_ = 	snop  }
0x5: {  	_ = 	snop  }
0x6: {  	_ = 	snop  }
0x7: {  	_ = 	snop  }
__scs_overlays_trampoline_lowered:
0x8: {  	[smem:$0x3F87] =	sst s0  }
0x9: {  	[smem:$0x3F88] =	sst s1  }
0xa: {  	[smem:$0x3F89] =	sst s2  }
0xb: {  	[smem:$0x3F8A] =	sst s3  }
0xc: {  	[smem:$0x3F8B] =	sst s4  }
0xd: {  	[smem:$0x3F8C] =	sst s5  }
0xe: {  	[smem:$0x3F8D] =	sst s6  }
0xf: {  	[smem:$0x3F8E] =	sst s7  }
0x10: {  	[smem:$0x3F8F] =	sst s8  }
0x11: {  	[smem:$0x3F90] =	sst s9;
	s0 =	simm.s32 @!p0 $0x0  }
0x12: {  	s1 =	sld [smem:$0x3F76];
	s0 =	simm.s32 @p0 $0x1  }
0x13: {  	[smem:$0x3F91] =	sst s0;
	s0 =	simm.s32 @!p1 $0x0  }
0x14: {  	s2 =	sld [smem:$0x3F75];
	s0 =	simm.s32 @p1 $0x1  }
0x15: {  	[smem:$0x3F92] =	sst s0;
	s0 =	simm.s32 @!p2 $0x0  }
0x16: {  	s3 =	sld [smem:$0x3FDB];
	s0 =	simm.s32 @p2 $0x1  }
0x17: {  	s4 =	simm.s32 $0x1BF5;
	[smem:$0x3F94] =	sst s0  }
0x18: {  	s0 =	sld [smem:$0x3F77];
	_ =	swait.ge [sflag:s4], $0x0  }
0x19: {  	s7 =	sld [smem:$0x3F78]  }
0x1a: {  	s8 =	sadd.s32 $0xFFFFE003, lr  }
0x1b: {  	s9 =	sadd.s32 $0xFFFFFEF7, lr;
	s5 =	simm.s32 $0xFFFFFFFF;
	p2 =	slt.u32 s8, $0xFFFFF086  }
0x1c: {  	p1 =	slt.u32 s9, $0xF7A;
	s5 =	simm.s32 @!p2 $0x0  }
0x1d: {  	s5 =	simm.s32 @p1 $0x1;
	p0 =	seq.s32 s7, s2  }
0x1e: {  	s7 =	smul.u32 @!p0 $0xF7A, s2;
	p2 =	seq.s32 @!p0 s5, $0x0  }
0x1f: {  	s9 =	smul.u32 $0xF7A, s1;
	s8 =	simm.s32 @!p0 $0x1BF5;
	p2 =	por !p2, p0  }
0x20: {  	[sflag:s8] =	ssyncset.s32 @!p0 $0xFFFFF086;
	s6 =	sadd.s32 @!p0 s3, s7;
	s7 =	simm.s32 @!p0 $0x108  }
0x21: {  	s3 =	sadd.s32 s3, s9;
	s6 =	sadd.s32 @!p0 $0x88, s6;
	s7 =	simm.s32 @p2 $0x1082  }
0x22: {  	[simem:s7], [sflag:s8] =	dma.local @!p0 [hbm:s6], $0xF7A  }
0x23: {  	s9 =	sor.u32 $0xD0000000, s2;
	s6 =	simm.s32 $0x108;
	_ =	swait.ge @!p0 [sflag:s8], $0x0  }
0x24: {  	s3 =	sadd.s32 $0x88, s3;
	s6 =	simm.s32 @!p1 $0x1082;
	[sflag:s4] =	ssyncset.s32 $0xFFFFF086  }
0x25: {  	[simem:s6], [sflag:s4] =	dma.local [hbm:s3], $0xF7A  }
0x26: {  	[smem:$0x3F78] =	sst s1;
	(tag) =	ssettag s2;
	_ =	strace s9  }
0x27: {  	s1 =	sld [smem:$0x3F88]  }
0x28: {  	s2 =	sld [smem:$0x3F89]  }
0x29: {  	s4 =	sld [smem:$0x3F8B]  }
0x2a: {  	p0 =	seq.s32 s5, $0x0;
	s5 =	sld [smem:$0x3F8C]  }
0x2b: {  	s6 =	sld [smem:$0x3F8D]  }
0x2c: {  	s7 =	sld [smem:$0x3F8E]  }
0x2d: {  	s3 =	simm.s32 $0x108;
	s8 =	sld [smem:$0x3F8F]  }
0x2e: {  	s3 =	simm.s32 @!p0 $0x1082;
	s9 =	sld [smem:$0x3F90]  }
0x2f: {  	lr =	sadd.s32 s0, s3;
	s0 =	sld [smem:$0x3F87]  }
0x30: {  	s3 =	sld [smem:$0x3F8A]  }
0x31: {  	[smem:$0x3F93] =	sst s10  }
0x32: {  	s10 =	sld [smem:$0x3F91];
	_ =	sdelay $0x3  }
0x33: {  	p0 =	seq.s32 s10, $0x1;
	s10 =	sld [smem:$0x3F93];
	_ =	sdelay $0x3  }
0x34: {  	[smem:$0x3F93] =	sst s10  }
0x35: {  	s10 =	sld [smem:$0x3F92];
	_ =	sdelay $0x3  }
0x36: {  	p1 =	seq.s32 s10, $0x1;
	s10 =	sld [smem:$0x3F93];
	_ =	sdelay $0x3  }
0x37: {  	[smem:$0x3F93] =	sst s10  }
0x38: {  	s10 =	sld [smem:$0x3F94]  }
0x39: {  	_ = 	snop;
	(pc) =	sbr.ind lr, $3  }
0x3a: {  	_ = 	snop  }
0x3b: {  	_ = 	snop  }
0x3c: {  	p2 =	seq.s32 s10, $0x1;
	s10 =	sld [smem:$0x3F93]  }
0x3d: {  	_ =	shalt  }
0x3e: {  	_ =	shalt  }
0x3f: {  	_ =	shalt  }
0x40: {  	_ =	shalt  }
0x41: {  	_ =	shalt  }
0x42: {  	_ =	shalt  }
0x43: {  	_ =	shalt  }
0x44: {  	_ =	shalt  }
0x45: {  	_ =	shalt  }
0x46: {  	_ =	shalt  }
0x47: {  	_ =	shalt  }
0x48: {  	_ =	shalt  }
0x49: {  	_ =	shalt  }
0x4a: {  	_ =	shalt  }
0x4b: {  	_ =	shalt  }
0x4c: {  	_ =	shalt  }
0x4d: {  	_ =	shalt  }
0x4e: {  	_ =	shalt  }
0x4f: {  	_ =	shalt  }
0x50: {  	_ =	shalt  }
0x51: {  	_ =	shalt  }
0x52: {  	_ =	shalt  }
0x53: {  	_ =	shalt  }
0x54: {  	_ =	shalt  }
0x55: {  	_ =	shalt  }
0x56: {  	_ =	shalt  }
0x57: {  	_ =	shalt  }
0x58: {  	_ =	shalt  }
0x59: {  	_ =	shalt  }
0x5a: {  	_ =	shalt  }
0x5b: {  	_ =	shalt  }
0x5c: {  	_ =	shalt  }
0x5d: {  	_ =	shalt  }
0x5e: {  	_ =	shalt  }
0x5f: {  	_ =	shalt  }
0x60: {  	_ =	shalt  }
0x61: {  	_ =	shalt  }
0x62: {  	_ =	shalt  }
0x63: {  	_ =	shalt  }
0x64: {  	_ =	shalt  }
0x65: {  	_ =	shalt  }
0x66: {  	_ =	shalt  }
0x67: {  	_ =	shalt  }
0x68: {  	_ =	shalt  }
0x69: {  	_ =	shalt  }
0x6a: {  	_ =	shalt  }
0x6b: {  	_ =	shalt  }
0x6c: {  	_ =	shalt  }
0x6d: {  	_ =	shalt  }
0x6e: {  	_ =	shalt  }
0x6f: {  	_ =	shalt  }
0x70: {  	_ =	shalt  }
0x71: {  	_ =	shalt  }
0x72: {  	_ =	shalt  }
0x73: {  	_ =	shalt  }
0x74: {  	_ =	shalt  }
0x75: {  	_ =	shalt  }
0x76: {  	_ =	shalt  }
0x77: {  	_ =	shalt  }
0x78: {  	_ =	shalt  }
0x79: {  	_ =	shalt  }
0x7a: {  	_ =	shalt  }
0x7b: {  	_ =	shalt  }
0x7c: {  	_ =	shalt  }
0x7d: {  	_ =	shalt  }
0x7e: {  	_ =	shalt  }
0x7f: {  	_ =	shalt  }
0x80: {  	_ =	shalt  }
0x81: {  	_ =	shalt  }
0x82: {  	_ =	shalt  }
0x83: {  	_ =	shalt  }
0x84: {  	_ =	shalt  }
0x85: {  	_ =	shalt  }
0x86: {  	_ =	shalt  }
0x87: {  	_ =	shalt  }
.Lfunc_end0:
.L_simem_size_0:
called_computation.3_lowered:
.L_overlay_start_0:
0x88: {  	s2 =	sld [smem:$0x3FD9]  }
0x89: {  	s3 =	sld [smem:$0x3FFE];
	_ =	sdelay $0x1  }
0x8a: {  	s1 =	srdreg.scid  }
0x8b: {  	s0 =	sand.u32 $0x1, s1  }
0x8c: {  	s14 =	sshll.u32 s0, $0xA;
	s2 =	sadd.s32 s3, s2  }
0x8d: {  	s2 =	sadd.s32 s2, s14  }
0x8e: {  	[smem:$0x3F9F] =	sst s2  }
0x8f: {  	_ = 	snop  }
0x90: {  	s2 =	sld [smem:$0x3FD0];
	_ =	sdelay $0x2  }
0x91: {  	s15 =	simm.s32 $0xA;
	s4 =	simm.s32 $0x10  }
0x92: {  	[smem:s4], [sflag:s15] =	dma.local [hbm:s2], $0x1  }
0x93: {  	_ =	swait.eq [sflag:s15], $0x1  }
0x94: {  	[sflag:s15] =	ssyncset.done $0x0  }
0x95: {  	[sflag:s15] =	ssyncadd.s32 $0xFFFFFFFF  }
0x96: {  	s16 =	sld [smem:$0x10];
	(tm) =	ssettm $0x1  }
0x97: {  	s17 =	sld [smem:$0x3FFB];
	_ =	sdelay $0x3  }
0x98: {  	_ =	strace s17  }
0x99: {  	s3 =	sld [smem:$0x3FFC];
	_ =	sdelay $0x3  }
0x9a: {  	_ =	strace s3  }
0x9b: {  	s3 =	sld [smem:$0x3FFD];
	_ =	sdelay $0x3  }
0x9c: {  	_ =	strace s3  }
0x9d: {  	_ =	strace $0x8FFFFFFF  }
0x9e: {  	s18 =	sld [smem:$0x3FDB];
	_ =	sdelay $0x1  }
0x9f: {  	s19 =	simm.s32 $_scs_section_size  }
0xa0: {  	s5 =	simm.s32 $_size__tile_overlayer_lowered;
	s6 =	simm.s32 $_tile_overlayer_lowered  }
0xa1: {  	s22 =	simm.s32 $0x1BFF;
	s21 =	sshll.u32 s6, $0x1;
	s3 =	sadd.s32 s19, s18  }
0xa2: {  	s7 =	simm.s32 $0x0;
	s20 =	sshll.u32 s5, $0x1;
	s5 =	sadd.s32 s21, s3  }
0xa3: {  	[timem:s7], [sflag:s22] =	dma.local [hbm:s5], s20  }
0xa4: {  	_ =	swait.ge [sflag:s22], s20  }
0xa5: {  	s4 =	ssub.s32 $0x0, s20;
	[sflag:s22] =	ssyncset.done $0x0  }
0xa6: {  	[sflag:s22] =	ssyncadd.s32 s4;
	_ =	sdelay $0x1  }
0xa7: {  	s23 =	simm.s32 $0x1B8B  }
0xa8: {  	_ =	swait.ge [sflag:s23], $0x1  }
0xa9: {  	[sflag:s23] =	ssyncset.done $0x0  }
0xaa: {  	s25 =	simm.s32 $0x1B8E;
	s24 =	sld [smem:$0x3FFE];
	[sflag:s23] =	ssyncadd.s32 $0xFFFFFFFF  }
0xab: {  	s26 =	simm.s32 $execute0_lowered;
	[smem:$0x3FD2] =	sst s25  }
0xac: {  	s5 =	sshll.u32 s26, $0x1;
	_ =	strace $0x8000004F;
	[dreg:$0x1] =	wrdreg $0xFFFFFFFF  }
0xad: {  	s28 =	simm.s32 $_size_execute0_lowered;
	s3 =	sadd.s32 s3, s5;
	[dreg:$0x0] =	wrdreg $0x0  }
0xae: {  	s5 =	sshll.u32 s28, $0x1;
	[dreg:$0x2] =	wrdreg s3  }
0xaf: {  	[dreg:$0x3] =	wrdreg s5  }
0xb0: {  	[dreg:$0x4] =	wrdreg $0xC0  }
0xb1: {  	_ =	task [dreg:s7], $0x5FFFF  }
0xb2: {  	[dreg:$0x1] =	wrdreg $0xFFFFFFFF  }
0xb3: {  	[dreg:$0x0] =	wrdreg $0x60  }
0xb4: {  	[dreg:$0x2] =	wrdreg s24  }
0xb5: {  	[dreg:$0x3] =	wrdreg s16  }
0xb6: {  	[dreg:$0x4] =	wrdreg $0x51000  }
0xb7: {  	[dreg:$0x5] =	wrdreg $0x9  }
0xb8: {  	_ =	task.clear_ibuf [dreg:s7], $0x6FFFF;
	_ =	strace $0x9000004F  }
0xb9: {  	s29 =	simm.s32 $0x9;
	_ =	strace $0x80000051  }
0xba: {  	_ =	swait.ge [sflag:s29], $0x1  }
0xbb: {  	[sflag:s29] =	ssyncadd.s32 $0xFFFFFFFF  }
0xbc: {  	_ =	strace $0x90000051  }
0xbd: {  	_ =	sfence  }
0xbe: {  	s30 =	sld [smem:$0x0];
	_ =	sdelay $0x2  }
0xbf: {  	s31 =	sshll.u32 s1, $0xD;
	s1 =	sshrl.u32 s1, $0x2  }
0xc0: {  	s3 =	sand.u32 $0x4000, s31;
	s1 =	sadd.s32 s1, s30  }
0xc1: {  	s0 =	sor.u32 s3, s0;
	s1 =	sshll.u32 s1, $0x11  }
0xc2: {  	s0 =	sor.u32 s1, s0  }
0xc3: {  	s0 =	sadd.s32 $0x8F2B, s0  }
0xc4: {  	[sflag:s0] =	ssyncadd.remote.s32 $0x1  }
0xc5: {  	_ =	sfence.sel $0xFFFF  }
0xc6: {  	[dreg:$0x0] =	wrdreg $0xFFFFFFFF;
	(pc) =	sbr.abs _section_cstart, $3  }
0xc7: {  	[dreg:$0x1] =	wrdreg $0xFFFFFFFF  }
0xc8: {  	_ =	task.clear_ibuf [dreg:s7], $0x2FFFF;
	_ =	strace $0x9FFFFFFF  }
0xc9: {  	(tm) =	ssettm $0x7FFFFFFF  }
tec
execute0_lowered:
.L_overlay_start_1:
0x0: {  	(tag) =	ssettag $0x1  }
0x1: {  	s9 =	rddreg [dreg:$0x0]  }
0x2: {  	s1 =	rddreg [dreg:$0x1]  }
0x3: {  	s2 =	rddreg [dreg:$0x2]  }
0x4: {  	s0 =	rddreg [dreg:$0x3];
	s3 =	simm.s32 $0x0;
	s4 =	srdreg.scid  }
0x5: {  	s18 =	simm.s32 $0x80;
	s19 =	simm.s32 $0x100;
	s21 =	simm.s32 $0x2900  }
0x6: {  	s22 =	simm.s32 $0x1;
	s28 =	simm.s32 $0x0;
	[smem:$0x7FF] =	sst s3  }
0x7: {  	s5 =	sadd.s32 $0x15C00, s9;
	s6 =	sadd.s32 $0xBE00, s9;
	s20 =	sand.u32 $0x1, s4  }
0x8: {  	s7 =	sadd.s32 $0x1984A00, s9;
	s4 =	stileid.u32;
	s8 =	sadd.s32 $0x1FA00, s9  }
0x9: {  	s13 =	sadd.s32 $0x133A00, s9;
	s17 =	sadd.s32 $0x138000, s2;
	s12 =	smul.u32 $0x4E000, s4  }
0xa: {  	_ =	strace $0x80000050;
	s10 =	ssub.s32 $0x2, s20;
	s26 =	smul.u32 $0x138800, s20  }
0xb: {  	s30 =	sshll.u32 s4, $0x6;
	s31 =	smul.u32 $0x13800, s4;
	p0 =	sne.s32 s4, $0xF  }
0xc: {  	s11 =	sshrl.u32 s10, $0x1;
	s9 =	sor.u32 $0x1C02, s30;
	s17 =	sshrl.u32 @!p0 s17, $0x3  }
0xd: {  	s14 =	ssub.s32 s10, s11;
	s29 =	sshrl.u32 s12, $0x2;
	s10 =	smul.u32 $0x4E20, s4  }
0xe: {  	s12 =	sadd.s32 s31, s26;
	s16 =	sshrl.u32 s26, $0x3;
	s11 =	smul.u32 $0x2710000, s20  }
0xf: {  	v0 =	vmov s20;
	s20 =	simm.s32 $0x50;
	s15 =	sadd.s32 s29, s2;
	s12 =	sshrl.u32 s12, $0x3  }
0x10: {  	s16 =	sadd.s32 s13, s16;
	s14 =	smax.u32 s14, $0x1;
	s12 =	sadd.s32 s13, s12  }
0x11: {  	s13 =	sadd.s32 $0x27000, s16;
	s15 =	sshrl.u32 s15, $0x3;
	s16 =	simm.s32 $0x2  }
.LBB2_1:
0x12: {  	[spmem:s15], [sflag:s9] =	dma.local [hbm:s8], $0x2700  }
0x13: {  	_ =	swait.ge [sflag:s16], $0x2700  }
0x14: {  	[sflag:s16] =	ssyncset.done $0x0  }
0x15: {  	s23 =	simm.s32 @!p0 $0x2;
	[sflag:s16] =	ssyncadd.s32 $0xFFFFD900  }
0x16: {  	[spmem:s17], [sflag:s9] =	dma.local @!p0 [hbm:s8], $0x100  }
0x17: {  	_ =	swait.ge @!p0 [sflag:s23], $0x100  }
0x18: {  	[sflag:s23] =	ssyncset.done @!p0 $0x0  }
0x19: {  	[sflag:s23] =	ssyncadd.s32 @!p0 $0xFFFFFF00  }
0x1a: {  	s23 =	simm.s32 $0x0;
	[bflag:$0x0] =	sbarrier.arrive $0xFFFF  }
.LBB2_2:
0x1b: {  	s24 =	smul.u32 $0x50, s23;
	_ =	sdelay $0x1  }
0x1c: {  	s24 =	sadd.s32 s10, s24  }
0x1d: {  	s25 =	sshrl.u32 s24, $0x3  }
0x1e: {  	s26 =	sadd.s32 s5, s25  }
0x1f: {  	[tilespmem:s28], [sflag:$0x2] =	stream.linear.gather [hbm4b:s26+s28], $0x50, $0x38;
	[tilespmem:$0x18980] =	vst v63  }
0x20: {  	_ =	swait.ge [sflag:s16], $0x50  }
0x21: {  	[sflag:s16] =	ssyncset.done $0x0  }
0x22: {  	s25 =	sadd.s32 s6, s25;
	[sflag:s16] =	ssyncadd.s32 $0xFFFFFFB0  }
0x23: {  	[tilespmem:s18], [sflag:$0x2] =	stream.linear.gather [hbm4b:s25+s28], $0x50, $0x38;
	[tilespmem:$0x18980] =	vst v63  }
0x24: {  	_ =	swait.ge [sflag:s16], $0x50  }
0x25: {  	[sflag:s16] =	ssyncset.done $0x0  }
0x26: {  	[sflag:s16] =	ssyncadd.s32 $0xFFFFFFB0  }
0x27: {  	v1 =	vld [tilespmem:$0x0]  }
0x28: {  	v2 =	vld [tilespmem:$0x10]  }
0x29: {  	v3 =	vld [tilespmem:$0x20]  }
0x2a: {  	v4 =	vld [tilespmem:$0x30]  }
0x2b: {  	v5 =	vld [tilespmem:$0x40]  }
0x2c: {  	v1 =	vshll.u32 v1, $0x1  }
0x2d: {  	v2 =	vshll.u32 v2, $0x1;
	v1 =	vor.u32 v0, v1  }
0x2e: {  	[tilespmem:$0x0] =	vst v1;
	v1 =	vor.u32 v0, v2;
	v2 =	vshll.u32 v3, $0x1  }
0x2f: {  	s24 =	sshll.u32 s24, $0x7;
	[tilespmem:$0x10] =	vst v1;
	v1 =	vor.u32 v0, v2;
	v2 =	vshll.u32 v4, $0x1  }
0x30: {  	s24 =	sadd.s32 s11, s24;
	[tilespmem:$0x20] =	vst v1;
	v1 =	vor.u32 v0, v2;
	v2 =	vshll.u32 v5, $0x1  }
0x31: {  	s24 =	sshrl.u32 s24, $0x3;
	[tilespmem:$0x30] =	vst v1;
	v1 =	vor.u32 v0, v2  }
0x32: {  	s24 =	sadd.s32 s7, s24;
	[tilespmem:$0x40] =	vst v1  }
0x33: {  	[tilespmem:s19], [sflag:$0x2] =	stream.linear.gather [hbm4b:s24+s28], $0x2800, $0x38;
	[tilespmem:$0x18980] =	vst v63  }
0x34: {  	_ =	swait.ge [sflag:s16], $0x2800  }
0x35: {  	[sflag:s16] =	ssyncset.done $0x0  }
0x36: {  	[sflag:s16] =	ssyncadd.s32 $0xFFFFD800  }
0x37: {  	[tilespmem:s21], [sflag:$0x1] =	stream.indirect.gather [hbm4b:s1+s20], $0x80, s28, s20, $0xb8;
	[tilespmem:$0x18980] =	vst v63  }
0x38: {  	_ =	swait.ge [sflag:s22], $0x2800  }
0x39: {  	[sflag:s22] =	ssyncset.done $0x0  }
0x3a: {  	s24 =	simm.s32 $0x0;
	[sflag:s22] =	ssyncadd.s32 $0xFFFFD800  }
0x3b: {  	v7 =	vld [tilespmem:s24+$0x2900]  }
0x3c: {  	v12 =	vld [tilespmem:s24+$0x2910]  }
0x3d: {  	v6 =	vld [tilespmem:s24+$0x2920]  }
0x3e: {  	v5 =	vld [tilespmem:s24+$0x2930]  }
0x3f: {  	v4 =	vld [tilespmem:s24+$0x2940]  }
0x40: {  	v3 =	vld [tilespmem:s24+$0x2950]  }
0x41: {  	v2 =	vld [tilespmem:s24+$0x2960]  }
0x42: {  	v1 =	vld [tilespmem:s24+$0x2970]  }
0x43: {  	v13 =	vld [tilespmem:s24+$0x100]  }
0x44: {  	v14 =	vld [tilespmem:s24+$0x110]  }
0x45: {  	v11 =	vld [tilespmem:s24+$0x120]  }
0x46: {  	v10 =	vld [tilespmem:s24+$0x130]  }
0x47: {  	v9 =	vld [tilespmem:s24+$0x140]  }
0x48: {  	v8 =	vld [tilespmem:s24+$0x150];
	v13 =	vadd.f32 v7, v13  }
0x49: {  	s25 =	simm.s32 $0x200;
	v12 =	vadd.f32 v12, v14;
	v7 =	vld [tilespmem:s24+$0x160]  }
.LBB2_3:
0x4a: {  	s26 =	sshra.s32 s25, $0x2;
	p1 =	sne.s32 s25, $0x9E00;
	v13 =	vmax.f32 v13, $0.0e+00;
	v6 =	vadd.f32 v6, v11;
	v11 =	vld [tilespmem:s24+$0x170]  }
0x4b: {  	v14 =	vld [tilespmem:s26+$0x2900];
	[tilespmem:s24+$0x100] =	vst v13;
	v12 =	vmax.f32 v12, $0.0e+00;
	v5 =	vadd.f32 v5, v10  }
0x4c: {  	v15 =	vld [tilespmem:s26+$0x2910];
	[tilespmem:s24+$0x110] =	vst v12;
	v10 =	vmax.f32 v6, $0.0e+00;
	v4 =	vadd.f32 v4, v9  }
0x4d: {  	v6 =	vld [tilespmem:s26+$0x2920];
	[tilespmem:s24+$0x120] =	vst v10;
	v9 =	vmax.f32 v5, $0.0e+00;
	v3 =	vadd.f32 v3, v8  }
0x4e: {  	v5 =	vld [tilespmem:s26+$0x2930];
	[tilespmem:s24+$0x130] =	vst v9;
	v8 =	vmax.f32 v4, $0.0e+00;
	v2 =	vadd.f32 v2, v7  }
0x4f: {  	v4 =	vld [tilespmem:s26+$0x2940];
	[tilespmem:s24+$0x140] =	vst v8;
	v7 =	vmax.f32 v3, $0.0e+00;
	v1 =	vadd.f32 v1, v11  }
0x50: {  	v3 =	vld [tilespmem:s26+$0x2950];
	[tilespmem:s24+$0x150] =	vst v7;
	v7 =	vmax.f32 v2, $0.0e+00  }
0x51: {  	v2 =	vld [tilespmem:s26+$0x2960];
	[tilespmem:s24+$0x160] =	vst v7;
	v7 =	vmax.f32 v1, $0.0e+00  }
0x52: {  	v1 =	vld [tilespmem:s26+$0x2970];
	[tilespmem:s24+$0x170] =	vst v7;
	s24 =	smov.u32 s26  }
0x53: {  	v7 =	vld [tilespmem:s24+$0x100]  }
0x54: {  	v12 =	vld [tilespmem:s24+$0x110]  }
.Ltmp0:
0x55: {  	v11 =	vld [tilespmem:s24+$0x120];
	(pc) =	sbr.rel @p1 .LBB2_3-.Ltmp0, $4  }
0x56: {  	v10 =	vld [tilespmem:s24+$0x130]  }
0x57: {  	v9 =	vld [tilespmem:s24+$0x140]  }
0x58: {  	v13 =	vadd.f32 v14, v7;
	v8 =	vld [tilespmem:s24+$0x150]  }
0x59: {  	s25 =	sadd.s32 $0x200, s25;
	v12 =	vadd.f32 v15, v12;
	v7 =	vld [tilespmem:s24+$0x160]  }
0x5a: {  	v13 =	vmax.f32 v13, $0.0e+00;
	v6 =	vadd.f32 v6, v11;
	v63 =	vld [tilespmem:s24+$0x170]  }
0x5b: {  	[tilespmem:s24+$0x100] =	vst v13;
	v12 =	vmax.f32 v12, $0.0e+00;
	v5 =	vadd.f32 v5, v10  }
0x5c: {  	[tilespmem:s24+$0x110] =	vst v12;
	v6 =	vmax.f32 v6, $0.0e+00;
	v4 =	vadd.f32 v4, v9  }
0x5d: {  	[tilespmem:s24+$0x120] =	vst v6;
	v5 =	vmax.f32 v5, $0.0e+00;
	v3 =	vadd.f32 v3, v8  }
0x5e: {  	[tilespmem:s24+$0x130] =	vst v5;
	v4 =	vmax.f32 v4, $0.0e+00;
	v2 =	vadd.f32 v2, v7  }
0x5f: {  	[tilespmem:s24+$0x140] =	vst v4;
	v3 =	vmax.f32 v3, $0.0e+00;
	v1 =	vadd.f32 v1, v63  }
0x60: {  	s23 =	sadd.s32 $0x1, s23;
	[tilespmem:s24+$0x150] =	vst v3;
	v2 =	vmax.f32 v2, $0.0e+00  }
0x61: {  	p1 =	sne.s32 s23, $0xFA;
	[tilespmem:s24+$0x160] =	vst v2;
	v1 =	vmax.f32 v1, $0.0e+00  }
.Ltmp1:
0x62: {  	[tilespmem:s24+$0x170] =	vst v1;
	(pc) =	sbr.rel @p1 .LBB2_2-.Ltmp1, $4  }
0x63: {  	[spmem:s2] =	stream.indirect.scatter.add.f32 [tilespmem:s19], [sflag:$0x1], $0x80, s18, s20, $0xb8;
	[tilespmem:$0x18980] =	vst v63  }
0x64: {  	_ =	swait.ge [sflag:s22], $0x2800  }
0x65: {  	[sflag:s22] =	ssyncset.done $0x0  }
0x66: {  	[sflag:s22] =	ssyncadd.s32 $0xFFFFD800  }
0x67: {  	[bflag:$0x0] =	sbarrier.arrive $0xFFFF  }
0x68: {  	[hbm:s12], [sflag:s9] =	dma.local [spmem:s15], $0x2700  }
0x69: {  	s3 =	sadd.s32 $0x1, s3;
	_ =	swait.ge [sflag:s16], $0x2700  }
0x6a: {  	p1 =	sne.s32 s3, s14;
	[sflag:s16] =	ssyncset.done $0x0  }
.Ltmp2:
0x6b: {  	s23 =	simm.s32 @!p0 $0x2;
	[sflag:s16] =	ssyncadd.s32 $0xFFFFD900;
	(pc) =	sbr.rel @p1 .LBB2_1-.Ltmp2, $4  }
0x6c: {  	[hbm:s13], [sflag:s9] =	dma.local @!p0 [spmem:s17], $0x100  }
0x6d: {  	_ =	swait.ge @!p0 [sflag:s23], $0x100  }
0x6e: {  	[sflag:s23] =	ssyncset.done @!p0 $0x0  }
0x6f: {  	[sflag:s23] =	ssyncadd.s32 @!p0 $0xFFFFFF00  }
0x70: {  	_ =	sfence.sel $0x180000  }
0x71: {  	[bflag:$0x0] =	sbarrier.arrive $0xFFFF  }
0x72: {  	p0 =	sne.s32 s4, $0x0;
	_ =	strace $0x90000050  }
0x73: {  	s0 =	sadd.s32 @!p0 $0x100000, s0;
	[bflag:$0x2] =	sbarrier.arrive $0xFFFF  }
0x74: {  	[sflag:s0] =	ssyncadd.tile.s32 @!p0 $0x1;
	_ =	shalt  }
.Lfunc_end2:
_tile_overlayer_lowered:
.L_overlay_start_2:
0x75: {  	(tag) =	ssettag $0x2  }
0x76: {  	s0 =	rddreg [dreg:$0x0];
	s2 =	stileid.u32  }
0x77: {  	s1 =	rddreg [dreg:$0x1];
	p0 =	sne.s32 s2, $0x0  }
0x78: {  	s3 =	rddreg [dreg:$0x2];
	[bflag:$0x3] =	sbarrier.arrive $0xFFFF;
	s2 =	simm.s32 @!p0 $0x1C02  }
0x79: {  	[timem:s3], [sflag:s2] =	dma.local @!p0 [hbm:s0], s1  }
0x7a: {  	s0 =	simm.s32 @!p0 $0x2  }
0x7b: {  	_ =	swait.ge @!p0 [sflag:s0], s1  }
0x7c: {  	s1 =	ssub.s32 @!p0 $0x0, s1;
	[sflag:s0] =	ssyncset.done @!p0 $0x0  }
0x7d: {  	[sflag:s0] =	ssyncadd.s32 @!p0 s1  }
0x7e: {  	[bflag:$0x3] =	sbarrier.arrive $0xFFFF  }
0x7f: {  	_ =	shalt  }

</sc_bundles>
